<compile_context>
chip_gen: v7x
topology: tpu7x:2x2x1
jax: 0.10.2.dev20260603
libtpu: 0.0.44.dev20260713+nightly
codegen_flags: <defaults>
</compile_context>

<pallas_src>
import jax
import jax.numpy as jnp
from jax import lax
from jax.experimental import pallas as pl
from jax.experimental.pallas import tpu as pltpu
from jax.experimental.pallas import tpu_sc as plsc

N_ATOMS = 100000
D = 128
V_ROWS = 100
NW = 32
PER_W = 3136
C = 384
SIZES = (384, 384, 384, 384, 384, 384, 384, 384, 64)
OFFS = tuple(384 * i for i in range(9))
NCH = len(SIZES)
W31_ROWS = N_ATOMS - (NW - 1) * PER_W


def _gather_body(z_hbm, emb_hbm, out_hbm,
                 table_v, idx_v, buf0, buf1, gs0, gs1, ws0, ws1):
    bufs, wsems = (buf0, buf1), (ws0, ws1)
    wid = lax.axis_index("s") * 2 + lax.axis_index("c")
    base = wid * PER_W
    th = pltpu.async_copy(emb_hbm, table_v, gs0)

    @pl.when(wid < NW - 1)
    def _load_idx_full():
        pltpu.async_copy(z_hbm.at[pl.ds(base, PER_W)],
                         idx_v.at[pl.ds(0, PER_W)], gs1).wait()

    @pl.when(wid == NW - 1)
    def _load_idx_tail():
        pltpu.async_copy(z_hbm.at[pl.ds(base, W31_ROWS)],
                         idx_v.at[pl.ds(0, W31_ROWS)], gs1).wait()
        zeros = jnp.zeros((16,), jnp.int32)
        for t in range(W31_ROWS, PER_W + 16, 16):
            idx_v[pl.ds(t, 16)] = zeros

    th.wait()

    wh = [None, None]
    for k in range(NCH):
        b = k % 2
        off, n = OFFS[k], SIZES[k]
        if wh[b] is not None:
            wh[b].wait()
            wh[b] = None

        _buf = bufs[b]
        _off = off

        @plsc.parallel_loop(0, n, unroll=2)
        def _row(i):
            zv = idx_v[pl.ds(_off + i, 16)]
            s = zv[0] * D
            dbase = i * D
            for t in range(0, D, 16):
                _buf[pl.ds(dbase + t, 16)] = table_v[pl.ds(s + t, 16)]

        w31 = min(max(W31_ROWS - off, 0), n)
        src_full = bufs[b] if n == C else bufs[b].at[pl.ds(0, n * D)]
        dst_full = out_hbm.at[pl.ds((base + off) * D, n * D)]
        if w31 == n:
            wh[b] = pltpu.async_copy(src_full, dst_full, wsems[b])
        else:
            @pl.when(wid < NW - 1)
            def _full():
                pltpu.sync_copy(src_full, dst_full)

            if w31 > 0:
                @pl.when(wid == NW - 1)
                def _tail():
                    pltpu.sync_copy(
                        bufs[b].at[pl.ds(0, w31 * D)],
                        out_hbm.at[pl.ds((base + off) * D, w31 * D)])
    for h in wh:
        if h is not None:
            h.wait()


def kernel(dR, Z, embeddings):
    del dR
    emb_flat = embeddings.reshape(-1)
    mesh = plsc.VectorSubcoreMesh(core_axis_name="c", subcore_axis_name="s")
    f = pl.kernel(
        _gather_body,
        out_type=jax.ShapeDtypeStruct((N_ATOMS * D,), jnp.float32),
        mesh=mesh,
        scratch_types=[
            pltpu.VMEM((V_ROWS * D,), jnp.float32),
            pltpu.VMEM((PER_W + 16,), jnp.int32),
            pltpu.VMEM((C * D,), jnp.float32),
            pltpu.VMEM((C * D,), jnp.float32),
            pltpu.SemaphoreType.DMA,
            pltpu.SemaphoreType.DMA,
            pltpu.SemaphoreType.DMA,
            pltpu.SemaphoreType.DMA,
        ],
        compiler_params=pltpu.CompilerParams(
            needs_layout_passes=False, skip_device_barrier=True),
    )
    return f(Z, emb_flat).reshape(N_ATOMS, D)

# --- scband reference (transcript-rebuilt; emitter-appended) ---
"""Pipeline reference for scband-schnax-51513837748296 (READ-ONLY COPY).

The authoritative reference and input builder live on the scoring server;
editing this copy changes nothing except your own understanding.
"""

import jax, jax.numpy as jnp
import numpy as np

N_ATOMS = 100000
K_NEIGH = 32
MAX_Z = 100
N_ATOM_BASIS = 128


def setup_inputs(seed: int = 0) -> dict:
    key = jax.random.key(seed)
    k1, k2, k3 = jax.random.split(key, 3)
    # pairwise/neighbor distances (unused by this forward, but part of the signature)
    dR = jax.random.uniform(k1, (N_ATOMS, K_NEIGH), dtype=jnp.float32) * 5.0
    # atomic numbers, in range [0, max_z)
    Z = jax.random.randint(k2, (N_ATOMS,), 0, MAX_Z, dtype=jnp.int32)
    # learned embedding table, as hk.Embed(max_z, n_atom_basis) would create
    # (truncated-normal-ish init; plain normal scaled is faithful enough numerically)
    embeddings = jax.random.normal(k3, (MAX_Z, N_ATOM_BASIS), dtype=jnp.float32)
    return {"dR": dR, "Z": Z, "embeddings": embeddings}


def reference(dR, Z, embeddings):
    # Schnax.__call__: x = self.embedding(Z); return x
    # hk.Embed lookup == row gather from the embedding table
    x = jnp.take(embeddings, Z, axis=0)
    return x

if __name__ == "__main__":
    import jax
    _d = setup_inputs()
    print(jax.jit(kernel)(*tuple(_d.values())))

</pallas_src>

<mosaic_0001>
#map = affine_map<(d0, d1) -> (0)>
module attributes {stable_mosaic.version = 14 : i64} {
  func.func @_gather_body(%arg0: i32, %arg1: i32, %arg2: memref<100000xi32, #tpu.memory_space<hbm>>, %arg3: memref<12800xf32, #tpu.memory_space<hbm>>, %arg4: memref<12800000xf32, #tpu.memory_space<hbm>>, %arg5: memref<12800xf32, #tpu.memory_space<vmem>>, %arg6: memref<3152xi32, #tpu.memory_space<vmem>>, %arg7: memref<49152xf32, #tpu.memory_space<vmem>>, %arg8: memref<49152xf32, #tpu.memory_space<vmem>>, %arg9: memref<!tpu.dma_semaphore, #tpu.memory_space<semaphore_mem>>, %arg10: memref<!tpu.dma_semaphore, #tpu.memory_space<semaphore_mem>>, %arg11: memref<!tpu.dma_semaphore, #tpu.memory_space<semaphore_mem>>, %arg12: memref<!tpu.dma_semaphore, #tpu.memory_space<semaphore_mem>>) attributes {dimension_semantics = [#tpu.dimension_semantics<core_parallel>, #tpu.dimension_semantics<subcore_parallel>], iteration_bounds = array<i64: 2, 16>, scalar_prefetch = 0 : i64, scratch_operands = 8 : i64, tpu.core_type = #tpu.core_type<sc_vector_subcore>, window_params = [{transform_indices = #map}, {transform_indices = #map}, {transform_indices = #map}]} {
    %mul3A = arith.constant 2 : i32
    %mul3A_0 = arith.muli %arg1, %mul3A : i32
    %add3A = arith.addi %mul3A_0, %arg0 : i32
    %mul3A_1 = arith.constant 3136 : i32
    %mul3A_2 = arith.muli %add3A, %mul3A_1 : i32
    tpu.enqueue_dma source(%arg3 : memref<12800xf32, #tpu.memory_space<hbm>>) target(%arg5 : memref<12800xf32, #tpu.memory_space<vmem>>) target_semaphore(%arg9 : memref<!tpu.dma_semaphore, #tpu.memory_space<semaphore_mem>>)
    %lt3A = arith.constant 31 : i32
    %lt3A_3 = arith.cmpi slt, %add3A, %lt3A : i32
    %convert_element_type3A = arith.extui %lt3A_3 : i1 to i32
    %cond3A = arith.constant 0 : i32
    %cond3A_4 = arith.cmpi ne, %convert_element_type3A, %cond3A : i32
    scf.if %cond3A_4 {
      %dma_start3A_112 = arith.constant 0 : i32
      %dma_start3A_113 = tpu.memref_slice %arg6[%dma_start3A_112] : memref<3152xi32, #tpu.memory_space<vmem>> -> memref<3136xi32, #tpu.memory_space<vmem>>
      %dma_start3A_114 = tpu.memref_slice %arg2[%mul3A_2] : memref<100000xi32, #tpu.memory_space<hbm>> -> memref<3136xi32, #tpu.memory_space<hbm>>
      %dma_start3A_115 = arith.constant 0 : i32
      %dma_start3A_116 = tpu.memref_slice %arg6[%dma_start3A_115] : memref<3152xi32, #tpu.memory_space<vmem>> -> memref<3136xi32, #tpu.memory_space<vmem>>
      %dma_start3A_117 = tpu.memref_slice %arg2[%mul3A_2] : memref<100000xi32, #tpu.memory_space<hbm>> -> memref<3136xi32, #tpu.memory_space<hbm>>
      tpu.enqueue_dma source(%dma_start3A_117 : memref<3136xi32, #tpu.memory_space<hbm>>) target(%dma_start3A_116 : memref<3136xi32, #tpu.memory_space<vmem>>) target_semaphore(%arg10 : memref<!tpu.dma_semaphore, #tpu.memory_space<semaphore_mem>>)
      %dma_wait3A_118 = arith.constant 0 : i32
      %dma_wait3A_119 = tpu.memref_slice %arg6[%dma_wait3A_118] : memref<3152xi32, #tpu.memory_space<vmem>> -> memref<3136xi32, #tpu.memory_space<vmem>>
      %dma_wait3A_120 = tpu.memref_slice %arg2[%mul3A_2] : memref<100000xi32, #tpu.memory_space<hbm>> -> memref<3136xi32, #tpu.memory_space<hbm>>
      %dma_wait3A_121 = arith.constant 0 : i32
      %dma_wait3A_122 = tpu.memref_slice %arg6[%dma_wait3A_121] : memref<3152xi32, #tpu.memory_space<vmem>> -> memref<3136xi32, #tpu.memory_space<vmem>>
      %dma_wait3A_123 = tpu.memref_slice %arg2[%mul3A_2] : memref<100000xi32, #tpu.memory_space<hbm>> -> memref<3136xi32, #tpu.memory_space<hbm>>
      tpu.wait_dma2 semaphore(%arg10 : memref<!tpu.dma_semaphore, #tpu.memory_space<semaphore_mem>>) src(%dma_wait3A_123 : memref<3136xi32, #tpu.memory_space<hbm>>) dst(%dma_wait3A_122 : memref<3136xi32, #tpu.memory_space<vmem>>)
    } else {
    }
    %eq3A = arith.constant 31 : i32
    %eq3A_5 = arith.cmpi eq, %add3A, %eq3A : i32
    %convert_element_type3A_6 = arith.extui %eq3A_5 : i1 to i32
    %cond3A_7 = arith.constant 0 : i32
    %cond3A_8 = arith.cmpi ne, %convert_element_type3A_6, %cond3A_7 : i32
    scf.if %cond3A_8 {
      %dma_start3A_112 = arith.constant 0 : i32
      %dma_start3A_113 = tpu.memref_slice %arg6[%dma_start3A_112] : memref<3152xi32, #tpu.memory_space<vmem>> -> memref<2784xi32, #tpu.memory_space<vmem>>
      %dma_start3A_114 = tpu.memref_slice %arg2[%mul3A_2] : memref<100000xi32, #tpu.memory_space<hbm>> -> memref<2784xi32, #tpu.memory_space<hbm>>
      %dma_start3A_115 = arith.constant 0 : i32
      %dma_start3A_116 = tpu.memref_slice %arg6[%dma_start3A_115] : memref<3152xi32, #tpu.memory_space<vmem>> -> memref<2784xi32, #tpu.memory_space<vmem>>
      %dma_start3A_117 = tpu.memref_slice %arg2[%mul3A_2] : memref<100000xi32, #tpu.memory_space<hbm>> -> memref<2784xi32, #tpu.memory_space<hbm>>
      tpu.enqueue_dma source(%dma_start3A_117 : memref<2784xi32, #tpu.memory_space<hbm>>) target(%dma_start3A_116 : memref<2784xi32, #tpu.memory_space<vmem>>) target_semaphore(%arg10 : memref<!tpu.dma_semaphore, #tpu.memory_space<semaphore_mem>>)
      %dma_wait3A_118 = arith.constant 0 : i32
      %dma_wait3A_119 = tpu.memref_slice %arg6[%dma_wait3A_118] : memref<3152xi32, #tpu.memory_space<vmem>> -> memref<2784xi32, #tpu.memory_space<vmem>>
      %dma_wait3A_120 = tpu.memref_slice %arg2[%mul3A_2] : memref<100000xi32, #tpu.memory_space<hbm>> -> memref<2784xi32, #tpu.memory_space<hbm>>
      %dma_wait3A_121 = arith.constant 0 : i32
      %dma_wait3A_122 = tpu.memref_slice %arg6[%dma_wait3A_121] : memref<3152xi32, #tpu.memory_space<vmem>> -> memref<2784xi32, #tpu.memory_space<vmem>>
      %dma_wait3A_123 = tpu.memref_slice %arg2[%mul3A_2] : memref<100000xi32, #tpu.memory_space<hbm>> -> memref<2784xi32, #tpu.memory_space<hbm>>
      tpu.wait_dma2 semaphore(%arg10 : memref<!tpu.dma_semaphore, #tpu.memory_space<semaphore_mem>>) src(%dma_wait3A_123 : memref<2784xi32, #tpu.memory_space<hbm>>) dst(%dma_wait3A_122 : memref<2784xi32, #tpu.memory_space<vmem>>)
      %broadcast_in_dim3A = arith.constant 0 : i32
      %broadcast_in_dim3A_124 = vector.broadcast %broadcast_in_dim3A : i32 to vector<16xi32>
      %swap3A = arith.constant 2784 : index
      %swap3A_125 = tpu.vector_load %arg6[%swap3A] {strides = array<i32>} : memref<3152xi32, #tpu.memory_space<vmem>>, vector<16xi32>,
      tpu.vector_store %arg6[%swap3A], %broadcast_in_dim3A_124 {strides = array<i32>} : memref<3152xi32, #tpu.memory_space<vmem>>, vector<16xi32>,
      %swap3A_126 = arith.constant 2800 : index
      %swap3A_127 = tpu.vector_load %arg6[%swap3A_126] {strides = array<i32>} : memref<3152xi32, #tpu.memory_space<vmem>>, vector<16xi32>,
      tpu.vector_store %arg6[%swap3A_126], %broadcast_in_dim3A_124 {strides = array<i32>} : memref<3152xi32, #tpu.memory_space<vmem>>, vector<16xi32>,
      %swap3A_128 = arith.constant 2816 : index
      %swap3A_129 = tpu.vector_load %arg6[%swap3A_128] {strides = array<i32>} : memref<3152xi32, #tpu.memory_space<vmem>>, vector<16xi32>,
      tpu.vector_store %arg6[%swap3A_128], %broadcast_in_dim3A_124 {strides = array<i32>} : memref<3152xi32, #tpu.memory_space<vmem>>, vector<16xi32>,
      %swap3A_130 = arith.constant 2832 : index
      %swap3A_131 = tpu.vector_load %arg6[%swap3A_130] {strides = array<i32>} : memref<3152xi32, #tpu.memory_space<vmem>>, vector<16xi32>,
      tpu.vector_store %arg6[%swap3A_130], %broadcast_in_dim3A_124 {strides = array<i32>} : memref<3152xi32, #tpu.memory_space<vmem>>, vector<16xi32>,
      %swap3A_132 = arith.constant 2848 : index
      %swap3A_133 = tpu.vector_load %arg6[%swap3A_132] {strides = array<i32>} : memref<3152xi32, #tpu.memory_space<vmem>>, vector<16xi32>,
      tpu.vector_store %arg6[%swap3A_132], %broadcast_in_dim3A_124 {strides = array<i32>} : memref<3152xi32, #tpu.memory_space<vmem>>, vector<16xi32>,
      %swap3A_134 = arith.constant 2864 : index
      %swap3A_135 = tpu.vector_load %arg6[%swap3A_134] {strides = array<i32>} : memref<3152xi32, #tpu.memory_space<vmem>>, vector<16xi32>,
      tpu.vector_store %arg6[%swap3A_134], %broadcast_in_dim3A_124 {strides = array<i32>} : memref<3152xi32, #tpu.memory_space<vmem>>, vector<16xi32>,
      %swap3A_136 = arith.constant 2880 : index
      %swap3A_137 = tpu.vector_load %arg6[%swap3A_136] {strides = array<i32>} : memref<3152xi32, #tpu.memory_space<vmem>>, vector<16xi32>,
      tpu.vector_store %arg6[%swap3A_136], %broadcast_in_dim3A_124 {strides = array<i32>} : memref<3152xi32, #tpu.memory_space<vmem>>, vector<16xi32>,
      %swap3A_138 = arith.constant 2896 : index
      %swap3A_139 = tpu.vector_load %arg6[%swap3A_138] {strides = array<i32>} : memref<3152xi32, #tpu.memory_space<vmem>>, vector<16xi32>,
      tpu.vector_store %arg6[%swap3A_138], %broadcast_in_dim3A_124 {strides = array<i32>} : memref<3152xi32, #tpu.memory_space<vmem>>, vector<16xi32>,
      %swap3A_140 = arith.constant 2912 : index
      %swap3A_141 = tpu.vector_load %arg6[%swap3A_140] {strides = array<i32>} : memref<3152xi32, #tpu.memory_space<vmem>>, vector<16xi32>,
      tpu.vector_store %arg6[%swap3A_140], %broadcast_in_dim3A_124 {strides = array<i32>} : memref<3152xi32, #tpu.memory_space<vmem>>, vector<16xi32>,
      %swap3A_142 = arith.constant 2928 : index
      %swap3A_143 = tpu.vector_load %arg6[%swap3A_142] {strides = array<i32>} : memref<3152xi32, #tpu.memory_space<vmem>>, vector<16xi32>,
      tpu.vector_store %arg6[%swap3A_142], %broadcast_in_dim3A_124 {strides = array<i32>} : memref<3152xi32, #tpu.memory_space<vmem>>, vector<16xi32>,
      %swap3A_144 = arith.constant 2944 : index
      %swap3A_145 = tpu.vector_load %arg6[%swap3A_144] {strides = array<i32>} : memref<3152xi32, #tpu.memory_space<vmem>>, vector<16xi32>,
      tpu.vector_store %arg6[%swap3A_144], %broadcast_in_dim3A_124 {strides = array<i32>} : memref<3152xi32, #tpu.memory_space<vmem>>, vector<16xi32>,
      %swap3A_146 = arith.constant 2960 : index
      %swap3A_147 = tpu.vector_load %arg6[%swap3A_146] {strides = array<i32>} : memref<3152xi32, #tpu.memory_space<vmem>>, vector<16xi32>,
      tpu.vector_store %arg6[%swap3A_146], %broadcast_in_dim3A_124 {strides = array<i32>} : memref<3152xi32, #tpu.memory_space<vmem>>, vector<16xi32>,
      %swap3A_148 = arith.constant 2976 : index
      %swap3A_149 = tpu.vector_load %arg6[%swap3A_148] {strides = array<i32>} : memref<3152xi32, #tpu.memory_space<vmem>>, vector<16xi32>,
      tpu.vector_store %arg6[%swap3A_148], %broadcast_in_dim3A_124 {strides = array<i32>} : memref<3152xi32, #tpu.memory_space<vmem>>, vector<16xi32>,
      %swap3A_150 = arith.constant 2992 : index
      %swap3A_151 = tpu.vector_load %arg6[%swap3A_150] {strides = array<i32>} : memref<3152xi32, #tpu.memory_space<vmem>>, vector<16xi32>,
      tpu.vector_store %arg6[%swap3A_150], %broadcast_in_dim3A_124 {strides = array<i32>} : memref<3152xi32, #tpu.memory_space<vmem>>, vector<16xi32>,
      %swap3A_152 = arith.constant 3008 : index
      %swap3A_153 = tpu.vector_load %arg6[%swap3A_152] {strides = array<i32>} : memref<3152xi32, #tpu.memory_space<vmem>>, vector<16xi32>,
      tpu.vector_store %arg6[%swap3A_152], %broadcast_in_dim3A_124 {strides = array<i32>} : memref<3152xi32, #tpu.memory_space<vmem>>, vector<16xi32>,
      %swap3A_154 = arith.constant 3024 : index
      %swap3A_155 = tpu.vector_load %arg6[%swap3A_154] {strides = array<i32>} : memref<3152xi32, #tpu.memory_space<vmem>>, vector<16xi32>,
      tpu.vector_store %arg6[%swap3A_154], %broadcast_in_dim3A_124 {strides = array<i32>} : memref<3152xi32, #tpu.memory_space<vmem>>, vector<16xi32>,
      %swap3A_156 = arith.constant 3040 : index
      %swap3A_157 = tpu.vector_load %arg6[%swap3A_156] {strides = array<i32>} : memref<3152xi32, #tpu.memory_space<vmem>>, vector<16xi32>,
      tpu.vector_store %arg6[%swap3A_156], %broadcast_in_dim3A_124 {strides = array<i32>} : memref<3152xi32, #tpu.memory_space<vmem>>, vector<16xi32>,
      %swap3A_158 = arith.constant 3056 : index
      %swap3A_159 = tpu.vector_load %arg6[%swap3A_158] {strides = array<i32>} : memref<3152xi32, #tpu.memory_space<vmem>>, vector<16xi32>,
      tpu.vector_store %arg6[%swap3A_158], %broadcast_in_dim3A_124 {strides = array<i32>} : memref<3152xi32, #tpu.memory_space<vmem>>, vector<16xi32>,
      %swap3A_160 = arith.constant 3072 : index
      %swap3A_161 = tpu.vector_load %arg6[%swap3A_160] {strides = array<i32>} : memref<3152xi32, #tpu.memory_space<vmem>>, vector<16xi32>,
      tpu.vector_store %arg6[%swap3A_160], %broadcast_in_dim3A_124 {strides = array<i32>} : memref<3152xi32, #tpu.memory_space<vmem>>, vector<16xi32>,
      %swap3A_162 = arith.constant 3088 : index
      %swap3A_163 = tpu.vector_load %arg6[%swap3A_162] {strides = array<i32>} : memref<3152xi32, #tpu.memory_space<vmem>>, vector<16xi32>,
      tpu.vector_store %arg6[%swap3A_162], %broadcast_in_dim3A_124 {strides = array<i32>} : memref<3152xi32, #tpu.memory_space<vmem>>, vector<16xi32>,
      %swap3A_164 = arith.constant 3104 : index
      %swap3A_165 = tpu.vector_load %arg6[%swap3A_164] {strides = array<i32>} : memref<3152xi32, #tpu.memory_space<vmem>>, vector<16xi32>,
      tpu.vector_store %arg6[%swap3A_164], %broadcast_in_dim3A_124 {strides = array<i32>} : memref<3152xi32, #tpu.memory_space<vmem>>, vector<16xi32>,
      %swap3A_166 = arith.constant 3120 : index
      %swap3A_167 = tpu.vector_load %arg6[%swap3A_166] {strides = array<i32>} : memref<3152xi32, #tpu.memory_space<vmem>>, vector<16xi32>,
      tpu.vector_store %arg6[%swap3A_166], %broadcast_in_dim3A_124 {strides = array<i32>} : memref<3152xi32, #tpu.memory_space<vmem>>, vector<16xi32>,
      %swap3A_168 = arith.constant 3136 : index
      %swap3A_169 = tpu.vector_load %arg6[%swap3A_168] {strides = array<i32>} : memref<3152xi32, #tpu.memory_space<vmem>>, vector<16xi32>,
      tpu.vector_store %arg6[%swap3A_168], %broadcast_in_dim3A_124 {strides = array<i32>} : memref<3152xi32, #tpu.memory_space<vmem>>, vector<16xi32>,
    } else {
    }
    tpu.wait_dma2 semaphore(%arg9 : memref<!tpu.dma_semaphore, #tpu.memory_space<semaphore_mem>>) src(%arg3 : memref<12800xf32, #tpu.memory_space<hbm>>) dst(%arg5 : memref<12800xf32, #tpu.memory_space<vmem>>)
    %parallel_loop3A = arith.constant 0 : i32
    %parallel_loop3A_9 = arith.constant 384 : i32
    %parallel_loop3A_10 = arith.constant 1 : i32
    scf.for %parallel_loop3A_112 = %parallel_loop3A to %parallel_loop3A_9 step %parallel_loop3A_10  : i32 {
      %parallel_loop3A_113 = arith.constant 0 : i32
      %parallel_loop3A_114 = arith.addi %parallel_loop3A_113, %parallel_loop3A_112 : i32
      %parallel_loop3A_115 = arith.index_cast %parallel_loop3A_114 : i32 to index
      %parallel_loop3A_116 = tpu.vector_load %arg6[%parallel_loop3A_115] {strides = array<i32>} : memref<3152xi32, #tpu.memory_space<vmem>>, vector<16xi32>,
      %parallel_loop3A_117 = vector.extract_strided_slice %parallel_loop3A_116 {offsets = [0], sizes = [1], strides = [1]} : vector<16xi32> to vector<1xi32>
      %parallel_loop3A_118 = vector.extract %parallel_loop3A_117[0] : i32 from vector<1xi32>
      %parallel_loop3A_119 = arith.constant 128 : i32
      %parallel_loop3A_120 = arith.muli %parallel_loop3A_118, %parallel_loop3A_119 : i32
      %parallel_loop3A_121 = arith.constant 128 : i32
      %parallel_loop3A_122 = arith.muli %parallel_loop3A_112, %parallel_loop3A_121 : i32
      %parallel_loop3A_123 = arith.constant 0 : i32
      %parallel_loop3A_124 = arith.addi %parallel_loop3A_120, %parallel_loop3A_123 : i32
      %parallel_loop3A_125 = arith.index_cast %parallel_loop3A_124 : i32 to index
      %parallel_loop3A_126 = tpu.vector_load %arg5[%parallel_loop3A_125] {strides = array<i32>} : memref<12800xf32, #tpu.memory_space<vmem>>, vector<16xf32>,
      %parallel_loop3A_127 = arith.constant 0 : i32
      %parallel_loop3A_128 = arith.addi %parallel_loop3A_122, %parallel_loop3A_127 : i32
      %parallel_loop3A_129 = arith.index_cast %parallel_loop3A_128 : i32 to index
      %parallel_loop3A_130 = tpu.vector_load %arg7[%parallel_loop3A_129] {strides = array<i32>} : memref<49152xf32, #tpu.memory_space<vmem>>, vector<16xf32>,
      tpu.vector_store %arg7[%parallel_loop3A_129], %parallel_loop3A_126 {strides = array<i32>} : memref<49152xf32, #tpu.memory_space<vmem>>, vector<16xf32>,
      %parallel_loop3A_131 = arith.constant 16 : i32
      %parallel_loop3A_132 = arith.addi %parallel_loop3A_120, %parallel_loop3A_131 : i32
      %parallel_loop3A_133 = arith.index_cast %parallel_loop3A_132 : i32 to index
      %parallel_loop3A_134 = tpu.vector_load %arg5[%parallel_loop3A_133] {strides = array<i32>} : memref<12800xf32, #tpu.memory_space<vmem>>, vector<16xf32>,
      %parallel_loop3A_135 = arith.constant 16 : i32
      %parallel_loop3A_136 = arith.addi %parallel_loop3A_122, %parallel_loop3A_135 : i32
      %parallel_loop3A_137 = arith.index_cast %parallel_loop3A_136 : i32 to index
      %parallel_loop3A_138 = tpu.vector_load %arg7[%parallel_loop3A_137] {strides = array<i32>} : memref<49152xf32, #tpu.memory_space<vmem>>, vector<16xf32>,
      tpu.vector_store %arg7[%parallel_loop3A_137], %parallel_loop3A_134 {strides = array<i32>} : memref<49152xf32, #tpu.memory_space<vmem>>, vector<16xf32>,
      %parallel_loop3A_139 = arith.constant 32 : i32
      %parallel_loop3A_140 = arith.addi %parallel_loop3A_120, %parallel_loop3A_139 : i32
      %parallel_loop3A_141 = arith.index_cast %parallel_loop3A_140 : i32 to index
      %parallel_loop3A_142 = tpu.vector_load %arg5[%parallel_loop3A_141] {strides = array<i32>} : memref<12800xf32, #tpu.memory_space<vmem>>, vector<16xf32>,
      %parallel_loop3A_143 = arith.constant 32 : i32
      %parallel_loop3A_144 = arith.addi %parallel_loop3A_122, %parallel_loop3A_143 : i32
      %parallel_loop3A_145 = arith.index_cast %parallel_loop3A_144 : i32 to index
      %parallel_loop3A_146 = tpu.vector_load %arg7[%parallel_loop3A_145] {strides = array<i32>} : memref<49152xf32, #tpu.memory_space<vmem>>, vector<16xf32>,
      tpu.vector_store %arg7[%parallel_loop3A_145], %parallel_loop3A_142 {strides = array<i32>} : memref<49152xf32, #tpu.memory_space<vmem>>, vector<16xf32>,
      %parallel_loop3A_147 = arith.constant 48 : i32
      %parallel_loop3A_148 = arith.addi %parallel_loop3A_120, %parallel_loop3A_147 : i32
      %parallel_loop3A_149 = arith.index_cast %parallel_loop3A_148 : i32 to index
      %parallel_loop3A_150 = tpu.vector_load %arg5[%parallel_loop3A_149] {strides = array<i32>} : memref<12800xf32, #tpu.memory_space<vmem>>, vector<16xf32>,
      %parallel_loop3A_151 = arith.constant 48 : i32
      %parallel_loop3A_152 = arith.addi %parallel_loop3A_122, %parallel_loop3A_151 : i32
      %parallel_loop3A_153 = arith.index_cast %parallel_loop3A_152 : i32 to index
      %parallel_loop3A_154 = tpu.vector_load %arg7[%parallel_loop3A_153] {strides = array<i32>} : memref<49152xf32, #tpu.memory_space<vmem>>, vector<16xf32>,
      tpu.vector_store %arg7[%parallel_loop3A_153], %parallel_loop3A_150 {strides = array<i32>} : memref<49152xf32, #tpu.memory_space<vmem>>, vector<16xf32>,
      %parallel_loop3A_155 = arith.constant 64 : i32
      %parallel_loop3A_156 = arith.addi %parallel_loop3A_120, %parallel_loop3A_155 : i32
      %parallel_loop3A_157 = arith.index_cast %parallel_loop3A_156 : i32 to index
      %parallel_loop3A_158 = tpu.vector_load %arg5[%parallel_loop3A_157] {strides = array<i32>} : memref<12800xf32, #tpu.memory_space<vmem>>, vector<16xf32>,
      %parallel_loop3A_159 = arith.constant 64 : i32
      %parallel_loop3A_160 = arith.addi %parallel_loop3A_122, %parallel_loop3A_159 : i32
      %parallel_loop3A_161 = arith.index_cast %parallel_loop3A_160 : i32 to index
      %parallel_loop3A_162 = tpu.vector_load %arg7[%parallel_loop3A_161] {strides = array<i32>} : memref<49152xf32, #tpu.memory_space<vmem>>, vector<16xf32>,
      tpu.vector_store %arg7[%parallel_loop3A_161], %parallel_loop3A_158 {strides = array<i32>} : memref<49152xf32, #tpu.memory_space<vmem>>, vector<16xf32>,
      %parallel_loop3A_163 = arith.constant 80 : i32
      %parallel_loop3A_164 = arith.addi %parallel_loop3A_120, %parallel_loop3A_163 : i32
      %parallel_loop3A_165 = arith.index_cast %parallel_loop3A_164 : i32 to index
      %parallel_loop3A_166 = tpu.vector_load %arg5[%parallel_loop3A_165] {strides = array<i32>} : memref<12800xf32, #tpu.memory_space<vmem>>, vector<16xf32>,
      %parallel_loop3A_167 = arith.constant 80 : i32
      %parallel_loop3A_168 = arith.addi %parallel_loop3A_122, %parallel_loop3A_167 : i32
      %parallel_loop3A_169 = arith.index_cast %parallel_loop3A_168 : i32 to index
      %parallel_loop3A_170 = tpu.vector_load %arg7[%parallel_loop3A_169] {strides = array<i32>} : memref<49152xf32, #tpu.memory_space<vmem>>, vector<16xf32>,
      tpu.vector_store %arg7[%parallel_loop3A_169], %parallel_loop3A_166 {strides = array<i32>} : memref<49152xf32, #tpu.memory_space<vmem>>, vector<16xf32>,
      %parallel_loop3A_171 = arith.constant 96 : i32
      %parallel_loop3A_172 = arith.addi %parallel_loop3A_120, %parallel_loop3A_171 : i32
      %parallel_loop3A_173 = arith.index_cast %parallel_loop3A_172 : i32 to index
      %parallel_loop3A_174 = tpu.vector_load %arg5[%parallel_loop3A_173] {strides = array<i32>} : memref<12800xf32, #tpu.memory_space<vmem>>, vector<16xf32>,
      %parallel_loop3A_175 = arith.constant 96 : i32
      %parallel_loop3A_176 = arith.addi %parallel_loop3A_122, %parallel_loop3A_175 : i32
      %parallel_loop3A_177 = arith.index_cast %parallel_loop3A_176 : i32 to index
      %parallel_loop3A_178 = tpu.vector_load %arg7[%parallel_loop3A_177] {strides = array<i32>} : memref<49152xf32, #tpu.memory_space<vmem>>, vector<16xf32>,
      tpu.vector_store %arg7[%parallel_loop3A_177], %parallel_loop3A_174 {strides = array<i32>} : memref<49152xf32, #tpu.memory_space<vmem>>, vector<16xf32>,
      %parallel_loop3A_179 = arith.constant 112 : i32
      %parallel_loop3A_180 = arith.addi %parallel_loop3A_120, %parallel_loop3A_179 : i32
      %parallel_loop3A_181 = arith.index_cast %parallel_loop3A_180 : i32 to index
      %parallel_loop3A_182 = tpu.vector_load %arg5[%parallel_loop3A_181] {strides = array<i32>} : memref<12800xf32, #tpu.memory_space<vmem>>, vector<16xf32>,
      %parallel_loop3A_183 = arith.constant 112 : i32
      %parallel_loop3A_184 = arith.addi %parallel_loop3A_122, %parallel_loop3A_183 : i32
      %parallel_loop3A_185 = arith.index_cast %parallel_loop3A_184 : i32 to index
      %parallel_loop3A_186 = tpu.vector_load %arg7[%parallel_loop3A_185] {strides = array<i32>} : memref<49152xf32, #tpu.memory_space<vmem>>, vector<16xf32>,
      tpu.vector_store %arg7[%parallel_loop3A_185], %parallel_loop3A_182 {strides = array<i32>} : memref<49152xf32, #tpu.memory_space<vmem>>, vector<16xf32>,
    } {sc.loop_unroll_factor = 2 : i64, sc.parallel_access}
    %add3A_11 = arith.constant 0 : i32
    %add3A_12 = arith.addi %mul3A_2, %add3A_11 : i32
    %mul3A_13 = arith.constant 128 : i32
    %mul3A_14 = arith.muli %add3A_12, %mul3A_13 : i32
    %dma_start3A = tpu.memref_slice %arg4[%mul3A_14] : memref<12800000xf32, #tpu.memory_space<hbm>> -> memref<49152xf32, #tpu.memory_space<hbm>>
    %dma_start3A_15 = tpu.memref_slice %arg4[%mul3A_14] : memref<12800000xf32, #tpu.memory_space<hbm>> -> memref<49152xf32, #tpu.memory_space<hbm>>
    tpu.enqueue_dma source(%arg7 : memref<49152xf32, #tpu.memory_space<vmem>>) target(%dma_start3A_15 : memref<49152xf32, #tpu.memory_space<hbm>>) target_semaphore(%arg11 : memref<!tpu.dma_semaphore, #tpu.memory_space<semaphore_mem>>)
    %parallel_loop3A_16 = arith.constant 0 : i32
    %parallel_loop3A_17 = arith.constant 384 : i32
    %parallel_loop3A_18 = arith.constant 1 : i32
    scf.for %parallel_loop3A_112 = %parallel_loop3A_16 to %parallel_loop3A_17 step %parallel_loop3A_18  : i32 {
      %parallel_loop3A_113 = arith.constant 384 : i32
      %parallel_loop3A_114 = arith.addi %parallel_loop3A_113, %parallel_loop3A_112 : i32
      %parallel_loop3A_115 = arith.index_cast %parallel_loop3A_114 : i32 to index
      %parallel_loop3A_116 = tpu.vector_load %arg6[%parallel_loop3A_115] {strides = array<i32>} : memref<3152xi32, #tpu.memory_space<vmem>>, vector<16xi32>,
      %parallel_loop3A_117 = vector.extract_strided_slice %parallel_loop3A_116 {offsets = [0], sizes = [1], strides = [1]} : vector<16xi32> to vector<1xi32>
      %parallel_loop3A_118 = vector.extract %parallel_loop3A_117[0] : i32 from vector<1xi32>
      %parallel_loop3A_119 = arith.constant 128 : i32
      %parallel_loop3A_120 = arith.muli %parallel_loop3A_118, %parallel_loop3A_119 : i32
      %parallel_loop3A_121 = arith.constant 128 : i32
      %parallel_loop3A_122 = arith.muli %parallel_loop3A_112, %parallel_loop3A_121 : i32
      %parallel_loop3A_123 = arith.constant 0 : i32
      %parallel_loop3A_124 = arith.addi %parallel_loop3A_120, %parallel_loop3A_123 : i32
      %parallel_loop3A_125 = arith.index_cast %parallel_loop3A_124 : i32 to index
      %parallel_loop3A_126 = tpu.vector_load %arg5[%parallel_loop3A_125] {strides = array<i32>} : memref<12800xf32, #tpu.memory_space<vmem>>, vector<16xf32>,
      %parallel_loop3A_127 = arith.constant 0 : i32
      %parallel_loop3A_128 = arith.addi %parallel_loop3A_122, %parallel_loop3A_127 : i32
      %parallel_loop3A_129 = arith.index_cast %parallel_loop3A_128 : i32 to index
      %parallel_loop3A_130 = tpu.vector_load %arg8[%parallel_loop3A_129] {strides = array<i32>} : memref<49152xf32, #tpu.memory_space<vmem>>, vector<16xf32>,
      tpu.vector_store %arg8[%parallel_loop3A_129], %parallel_loop3A_126 {strides = array<i32>} : memref<49152xf32, #tpu.memory_space<vmem>>, vector<16xf32>,
      %parallel_loop3A_131 = arith.constant 16 : i32
      %parallel_loop3A_132 = arith.addi %parallel_loop3A_120, %parallel_loop3A_131 : i32
      %parallel_loop3A_133 = arith.index_cast %parallel_loop3A_132 : i32 to index
      %parallel_loop3A_134 = tpu.vector_load %arg5[%parallel_loop3A_133] {strides = array<i32>} : memref<12800xf32, #tpu.memory_space<vmem>>, vector<16xf32>,
      %parallel_loop3A_135 = arith.constant 16 : i32
      %parallel_loop3A_136 = arith.addi %parallel_loop3A_122, %parallel_loop3A_135 : i32
      %parallel_loop3A_137 = arith.index_cast %parallel_loop3A_136 : i32 to index
      %parallel_loop3A_138 = tpu.vector_load %arg8[%parallel_loop3A_137] {strides = array<i32>} : memref<49152xf32, #tpu.memory_space<vmem>>, vector<16xf32>,
      tpu.vector_store %arg8[%parallel_loop3A_137], %parallel_loop3A_134 {strides = array<i32>} : memref<49152xf32, #tpu.memory_space<vmem>>, vector<16xf32>,
      %parallel_loop3A_139 = arith.constant 32 : i32
      %parallel_loop3A_140 = arith.addi %parallel_loop3A_120, %parallel_loop3A_139 : i32
      %parallel_loop3A_141 = arith.index_cast %parallel_loop3A_140 : i32 to index
      %parallel_loop3A_142 = tpu.vector_load %arg5[%parallel_loop3A_141] {strides = array<i32>} : memref<12800xf32, #tpu.memory_space<vmem>>, vector<16xf32>,
      %parallel_loop3A_143 = arith.constant 32 : i32
      %parallel_loop3A_144 = arith.addi %parallel_loop3A_122, %parallel_loop3A_143 : i32
      %parallel_loop3A_145 = arith.index_cast %parallel_loop3A_144 : i32 to index
      %parallel_loop3A_146 = tpu.vector_load %arg8[%parallel_loop3A_145] {strides = array<i32>} : memref<49152xf32, #tpu.memory_space<vmem>>, vector<16xf32>,
      tpu.vector_store %arg8[%parallel_loop3A_145], %parallel_loop3A_142 {strides = array<i32>} : memref<49152xf32, #tpu.memory_space<vmem>>, vector<16xf32>,
      %parallel_loop3A_147 = arith.constant 48 : i32
      %parallel_loop3A_148 = arith.addi %parallel_loop3A_120, %parallel_loop3A_147 : i32
      %parallel_loop3A_149 = arith.index_cast %parallel_loop3A_148 : i32 to index
      %parallel_loop3A_150 = tpu.vector_load %arg5[%parallel_loop3A_149] {strides = array<i32>} : memref<12800xf32, #tpu.memory_space<vmem>>, vector<16xf32>,
      %parallel_loop3A_151 = arith.constant 48 : i32
      %parallel_loop3A_152 = arith.addi %parallel_loop3A_122, %parallel_loop3A_151 : i32
      %parallel_loop3A_153 = arith.index_cast %parallel_loop3A_152 : i32 to index
      %parallel_loop3A_154 = tpu.vector_load %arg8[%parallel_loop3A_153] {strides = array<i32>} : memref<49152xf32, #tpu.memory_space<vmem>>, vector<16xf32>,
      tpu.vector_store %arg8[%parallel_loop3A_153], %parallel_loop3A_150 {strides = array<i32>} : memref<49152xf32, #tpu.memory_space<vmem>>, vector<16xf32>,
      %parallel_loop3A_155 = arith.constant 64 : i32
      %parallel_loop3A_156 = arith.addi %parallel_loop3A_120, %parallel_loop3A_155 : i32
      %parallel_loop3A_157 = arith.index_cast %parallel_loop3A_156 : i32 to index
      %parallel_loop3A_158 = tpu.vector_load %arg5[%parallel_loop3A_157] {strides = array<i32>} : memref<12800xf32, #tpu.memory_space<vmem>>, vector<16xf32>,
      %parallel_loop3A_159 = arith.constant 64 : i32
      %parallel_loop3A_160 = arith.addi %parallel_loop3A_122, %parallel_loop3A_159 : i32
      %parallel_loop3A_161 = arith.index_cast %parallel_loop3A_160 : i32 to index
      %parallel_loop3A_162 = tpu.vector_load %arg8[%parallel_loop3A_161] {strides = array<i32>} : memref<49152xf32, #tpu.memory_space<vmem>>, vector<16xf32>,
      tpu.vector_store %arg8[%parallel_loop3A_161], %parallel_loop3A_158 {strides = array<i32>} : memref<49152xf32, #tpu.memory_space<vmem>>, vector<16xf32>,
      %parallel_loop3A_163 = arith.constant 80 : i32
      %parallel_loop3A_164 = arith.addi %parallel_loop3A_120, %parallel_loop3A_163 : i32
      %parallel_loop3A_165 = arith.index_cast %parallel_loop3A_164 : i32 to index
      %parallel_loop3A_166 = tpu.vector_load %arg5[%parallel_loop3A_165] {strides = array<i32>} : memref<12800xf32, #tpu.memory_space<vmem>>, vector<16xf32>,
      %parallel_loop3A_167 = arith.constant 80 : i32
      %parallel_loop3A_168 = arith.addi %parallel_loop3A_122, %parallel_loop3A_167 : i32
      %parallel_loop3A_169 = arith.index_cast %parallel_loop3A_168 : i32 to index
      %parallel_loop3A_170 = tpu.vector_load %arg8[%parallel_loop3A_169] {strides = array<i32>} : memref<49152xf32, #tpu.memory_space<vmem>>, vector<16xf32>,
      tpu.vector_store %arg8[%parallel_loop3A_169], %parallel_loop3A_166 {strides = array<i32>} : memref<49152xf32, #tpu.memory_space<vmem>>, vector<16xf32>,
      %parallel_loop3A_171 = arith.constant 96 : i32
      %parallel_loop3A_172 = arith.addi %parallel_loop3A_120, %parallel_loop3A_171 : i32
      %parallel_loop3A_173 = arith.index_cast %parallel_loop3A_172 : i32 to index
      %parallel_loop3A_174 = tpu.vector_load %arg5[%parallel_loop3A_173] {strides = array<i32>} : memref<12800xf32, #tpu.memory_space<vmem>>, vector<16xf32>,
      %parallel_loop3A_175 = arith.constant 96 : i32
      %parallel_loop3A_176 = arith.addi %parallel_loop3A_122, %parallel_loop3A_175 : i32
      %parallel_loop3A_177 = arith.index_cast %parallel_loop3A_176 : i32 to index
      %parallel_loop3A_178 = tpu.vector_load %arg8[%parallel_loop3A_177] {strides = array<i32>} : memref<49152xf32, #tpu.memory_space<vmem>>, vector<16xf32>,
      tpu.vector_store %arg8[%parallel_loop3A_177], %parallel_loop3A_174 {strides = array<i32>} : memref<49152xf32, #tpu.memory_space<vmem>>, vector<16xf32>,
      %parallel_loop3A_179 = arith.constant 112 : i32
      %parallel_loop3A_180 = arith.addi %parallel_loop3A_120, %parallel_loop3A_179 : i32
      %parallel_loop3A_181 = arith.index_cast %parallel_loop3A_180 : i32 to index
      %parallel_loop3A_182 = tpu.vector_load %arg5[%parallel_loop3A_181] {strides = array<i32>} : memref<12800xf32, #tpu.memory_space<vmem>>, vector<16xf32>,
      %parallel_loop3A_183 = arith.constant 112 : i32
      %parallel_loop3A_184 = arith.addi %parallel_loop3A_122, %parallel_loop3A_183 : i32
      %parallel_loop3A_185 = arith.index_cast %parallel_loop3A_184 : i32 to index
      %parallel_loop3A_186 = tpu.vector_load %arg8[%parallel_loop3A_185] {strides = array<i32>} : memref<49152xf32, #tpu.memory_space<vmem>>, vector<16xf32>,
      tpu.vector_store %arg8[%parallel_loop3A_185], %parallel_loop3A_182 {strides = array<i32>} : memref<49152xf32, #tpu.memory_space<vmem>>, vector<16xf32>,
    } {sc.loop_unroll_factor = 2 : i64, sc.parallel_access}
    %add3A_19 = arith.constant 384 : i32
    %add3A_20 = arith.addi %mul3A_2, %add3A_19 : i32
    %mul3A_21 = arith.constant 128 : i32
    %mul3A_22 = arith.muli %add3A_20, %mul3A_21 : i32
    %dma_start3A_23 = tpu.memref_slice %arg4[%mul3A_22] : memref<12800000xf32, #tpu.memory_space<hbm>> -> memref<49152xf32, #tpu.memory_space<hbm>>
    %dma_start3A_24 = tpu.memref_slice %arg4[%mul3A_22] : memref<12800000xf32, #tpu.memory_space<hbm>> -> memref<49152xf32, #tpu.memory_space<hbm>>
    tpu.enqueue_dma source(%arg8 : memref<49152xf32, #tpu.memory_space<vmem>>) target(%dma_start3A_24 : memref<49152xf32, #tpu.memory_space<hbm>>) target_semaphore(%arg12 : memref<!tpu.dma_semaphore, #tpu.memory_space<semaphore_mem>>)
    %dma_wait3A = tpu.memref_slice %arg4[%mul3A_14] : memref<12800000xf32, #tpu.memory_space<hbm>> -> memref<49152xf32, #tpu.memory_space<hbm>>
    %dma_wait3A_25 = tpu.memref_slice %arg4[%mul3A_14] : memref<12800000xf32, #tpu.memory_space<hbm>> -> memref<49152xf32, #tpu.memory_space<hbm>>
    tpu.wait_dma2 semaphore(%arg11 : memref<!tpu.dma_semaphore, #tpu.memory_space<semaphore_mem>>) src(%arg7 : memref<49152xf32, #tpu.memory_space<vmem>>) dst(%dma_wait3A_25 : memref<49152xf32, #tpu.memory_space<hbm>>)
    %parallel_loop3A_26 = arith.constant 0 : i32
    %parallel_loop3A_27 = arith.constant 384 : i32
    %parallel_loop3A_28 = arith.constant 1 : i32
    scf.for %parallel_loop3A_112 = %parallel_loop3A_26 to %parallel_loop3A_27 step %parallel_loop3A_28  : i32 {
      %parallel_loop3A_113 = arith.constant 768 : i32
      %parallel_loop3A_114 = arith.addi %parallel_loop3A_113, %parallel_loop3A_112 : i32
      %parallel_loop3A_115 = arith.index_cast %parallel_loop3A_114 : i32 to index
      %parallel_loop3A_116 = tpu.vector_load %arg6[%parallel_loop3A_115] {strides = array<i32>} : memref<3152xi32, #tpu.memory_space<vmem>>, vector<16xi32>,
      %parallel_loop3A_117 = vector.extract_strided_slice %parallel_loop3A_116 {offsets = [0], sizes = [1], strides = [1]} : vector<16xi32> to vector<1xi32>
      %parallel_loop3A_118 = vector.extract %parallel_loop3A_117[0] : i32 from vector<1xi32>
      %parallel_loop3A_119 = arith.constant 128 : i32
      %parallel_loop3A_120 = arith.muli %parallel_loop3A_118, %parallel_loop3A_119 : i32
      %parallel_loop3A_121 = arith.constant 128 : i32
      %parallel_loop3A_122 = arith.muli %parallel_loop3A_112, %parallel_loop3A_121 : i32
      %parallel_loop3A_123 = arith.constant 0 : i32
      %parallel_loop3A_124 = arith.addi %parallel_loop3A_120, %parallel_loop3A_123 : i32
      %parallel_loop3A_125 = arith.index_cast %parallel_loop3A_124 : i32 to index
      %parallel_loop3A_126 = tpu.vector_load %arg5[%parallel_loop3A_125] {strides = array<i32>} : memref<12800xf32, #tpu.memory_space<vmem>>, vector<16xf32>,
      %parallel_loop3A_127 = arith.constant 0 : i32
      %parallel_loop3A_128 = arith.addi %parallel_loop3A_122, %parallel_loop3A_127 : i32
      %parallel_loop3A_129 = arith.index_cast %parallel_loop3A_128 : i32 to index
      %parallel_loop3A_130 = tpu.vector_load %arg7[%parallel_loop3A_129] {strides = array<i32>} : memref<49152xf32, #tpu.memory_space<vmem>>, vector<16xf32>,
      tpu.vector_store %arg7[%parallel_loop3A_129], %parallel_loop3A_126 {strides = array<i32>} : memref<49152xf32, #tpu.memory_space<vmem>>, vector<16xf32>,
      %parallel_loop3A_131 = arith.constant 16 : i32
      %parallel_loop3A_132 = arith.addi %parallel_loop3A_120, %parallel_loop3A_131 : i32
      %parallel_loop3A_133 = arith.index_cast %parallel_loop3A_132 : i32 to index
      %parallel_loop3A_134 = tpu.vector_load %arg5[%parallel_loop3A_133] {strides = array<i32>} : memref<12800xf32, #tpu.memory_space<vmem>>, vector<16xf32>,
      %parallel_loop3A_135 = arith.constant 16 : i32
      %parallel_loop3A_136 = arith.addi %parallel_loop3A_122, %parallel_loop3A_135 : i32
      %parallel_loop3A_137 = arith.index_cast %parallel_loop3A_136 : i32 to index
      %parallel_loop3A_138 = tpu.vector_load %arg7[%parallel_loop3A_137] {strides = array<i32>} : memref<49152xf32, #tpu.memory_space<vmem>>, vector<16xf32>,
      tpu.vector_store %arg7[%parallel_loop3A_137], %parallel_loop3A_134 {strides = array<i32>} : memref<49152xf32, #tpu.memory_space<vmem>>, vector<16xf32>,
      %parallel_loop3A_139 = arith.constant 32 : i32
      %parallel_loop3A_140 = arith.addi %parallel_loop3A_120, %parallel_loop3A_139 : i32
      %parallel_loop3A_141 = arith.index_cast %parallel_loop3A_140 : i32 to index
      %parallel_loop3A_142 = tpu.vector_load %arg5[%parallel_loop3A_141] {strides = array<i32>} : memref<12800xf32, #tpu.memory_space<vmem>>, vector<16xf32>,
      %parallel_loop3A_143 = arith.constant 32 : i32
      %parallel_loop3A_144 = arith.addi %parallel_loop3A_122, %parallel_loop3A_143 : i32
      %parallel_loop3A_145 = arith.index_cast %parallel_loop3A_144 : i32 to index
      %parallel_loop3A_146 = tpu.vector_load %arg7[%parallel_loop3A_145] {strides = array<i32>} : memref<49152xf32, #tpu.memory_space<vmem>>, vector<16xf32>,
      tpu.vector_store %arg7[%parallel_loop3A_145], %parallel_loop3A_142 {strides = array<i32>} : memref<49152xf32, #tpu.memory_space<vmem>>, vector<16xf32>,
      %parallel_loop3A_147 = arith.constant 48 : i32
      %parallel_loop3A_148 = arith.addi %parallel_loop3A_120, %parallel_loop3A_147 : i32
      %parallel_loop3A_149 = arith.index_cast %parallel_loop3A_148 : i32 to index
      %parallel_loop3A_150 = tpu.vector_load %arg5[%parallel_loop3A_149] {strides = array<i32>} : memref<12800xf32, #tpu.memory_space<vmem>>, vector<16xf32>,
      %parallel_loop3A_151 = arith.constant 48 : i32
      %parallel_loop3A_152 = arith.addi %parallel_loop3A_122, %parallel_loop3A_151 : i32
      %parallel_loop3A_153 = arith.index_cast %parallel_loop3A_152 : i32 to index
      %parallel_loop3A_154 = tpu.vector_load %arg7[%parallel_loop3A_153] {strides = array<i32>} : memref<49152xf32, #tpu.memory_space<vmem>>, vector<16xf32>,
      tpu.vector_store %arg7[%parallel_loop3A_153], %parallel_loop3A_150 {strides = array<i32>} : memref<49152xf32, #tpu.memory_space<vmem>>, vector<16xf32>,
      %parallel_loop3A_155 = arith.constant 64 : i32
      %parallel_loop3A_156 = arith.addi %parallel_loop3A_120, %parallel_loop3A_155 : i32
      %parallel_loop3A_157 = arith.index_cast %parallel_loop3A_156 : i32 to index
      %parallel_loop3A_158 = tpu.vector_load %arg5[%parallel_loop3A_157] {strides = array<i32>} : memref<12800xf32, #tpu.memory_space<vmem>>, vector<16xf32>,
      %parallel_loop3A_159 = arith.constant 64 : i32
      %parallel_loop3A_160 = arith.addi %parallel_loop3A_122, %parallel_loop3A_159 : i32
      %parallel_loop3A_161 = arith.index_cast %parallel_loop3A_160 : i32 to index
      %parallel_loop3A_162 = tpu.vector_load %arg7[%parallel_loop3A_161] {strides = array<i32>} : memref<49152xf32, #tpu.memory_space<vmem>>, vector<16xf32>,
      tpu.vector_store %arg7[%parallel_loop3A_161], %parallel_loop3A_158 {strides = array<i32>} : memref<49152xf32, #tpu.memory_space<vmem>>, vector<16xf32>,
      %parallel_loop3A_163 = arith.constant 80 : i32
      %parallel_loop3A_164 = arith.addi %parallel_loop3A_120, %parallel_loop3A_163 : i32
      %parallel_loop3A_165 = arith.index_cast %parallel_loop3A_164 : i32 to index
      %parallel_loop3A_166 = tpu.vector_load %arg5[%parallel_loop3A_165] {strides = array<i32>} : memref<12800xf32, #tpu.memory_space<vmem>>, vector<16xf32>,
      %parallel_loop3A_167 = arith.constant 80 : i32
      %parallel_loop3A_168 = arith.addi %parallel_loop3A_122, %parallel_loop3A_167 : i32
      %parallel_loop3A_169 = arith.index_cast %parallel_loop3A_168 : i32 to index
      %parallel_loop3A_170 = tpu.vector_load %arg7[%parallel_loop3A_169] {strides = array<i32>} : memref<49152xf32, #tpu.memory_space<vmem>>, vector<16xf32>,
      tpu.vector_store %arg7[%parallel_loop3A_169], %parallel_loop3A_166 {strides = array<i32>} : memref<49152xf32, #tpu.memory_space<vmem>>, vector<16xf32>,
      %parallel_loop3A_171 = arith.constant 96 : i32
      %parallel_loop3A_172 = arith.addi %parallel_loop3A_120, %parallel_loop3A_171 : i32
      %parallel_loop3A_173 = arith.index_cast %parallel_loop3A_172 : i32 to index
      %parallel_loop3A_174 = tpu.vector_load %arg5[%parallel_loop3A_173] {strides = array<i32>} : memref<12800xf32, #tpu.memory_space<vmem>>, vector<16xf32>,
      %parallel_loop3A_175 = arith.constant 96 : i32
      %parallel_loop3A_176 = arith.addi %parallel_loop3A_122, %parallel_loop3A_175 : i32
      %parallel_loop3A_177 = arith.index_cast %parallel_loop3A_176 : i32 to index
      %parallel_loop3A_178 = tpu.vector_load %arg7[%parallel_loop3A_177] {strides = array<i32>} : memref<49152xf32, #tpu.memory_space<vmem>>, vector<16xf32>,
      tpu.vector_store %arg7[%parallel_loop3A_177], %parallel_loop3A_174 {strides = array<i32>} : memref<49152xf32, #tpu.memory_space<vmem>>, vector<16xf32>,
      %parallel_loop3A_179 = arith.constant 112 : i32
      %parallel_loop3A_180 = arith.addi %parallel_loop3A_120, %parallel_loop3A_179 : i32
      %parallel_loop3A_181 = arith.index_cast %parallel_loop3A_180 : i32 to index
      %parallel_loop3A_182 = tpu.vector_load %arg5[%parallel_loop3A_181] {strides = array<i32>} : memref<12800xf32, #tpu.memory_space<vmem>>, vector<16xf32>,
      %parallel_loop3A_183 = arith.constant 112 : i32
      %parallel_loop3A_184 = arith.addi %parallel_loop3A_122, %parallel_loop3A_183 : i32
      %parallel_loop3A_185 = arith.index_cast %parallel_loop3A_184 : i32 to index
      %parallel_loop3A_186 = tpu.vector_load %arg7[%parallel_loop3A_185] {strides = array<i32>} : memref<49152xf32, #tpu.memory_space<vmem>>, vector<16xf32>,
      tpu.vector_store %arg7[%parallel_loop3A_185], %parallel_loop3A_182 {strides = array<i32>} : memref<49152xf32, #tpu.memory_space<vmem>>, vector<16xf32>,
    } {sc.loop_unroll_factor = 2 : i64, sc.parallel_access}
    %add3A_29 = arith.constant 768 : i32
    %add3A_30 = arith.addi %mul3A_2, %add3A_29 : i32
    %mul3A_31 = arith.constant 128 : i32
    %mul3A_32 = arith.muli %add3A_30, %mul3A_31 : i32
    %dma_start3A_33 = tpu.memref_slice %arg4[%mul3A_32] : memref<12800000xf32, #tpu.memory_space<hbm>> -> memref<49152xf32, #tpu.memory_space<hbm>>
    %dma_start3A_34 = tpu.memref_slice %arg4[%mul3A_32] : memref<12800000xf32, #tpu.memory_space<hbm>> -> memref<49152xf32, #tpu.memory_space<hbm>>
    tpu.enqueue_dma source(%arg7 : memref<49152xf32, #tpu.memory_space<vmem>>) target(%dma_start3A_34 : memref<49152xf32, #tpu.memory_space<hbm>>) target_semaphore(%arg11 : memref<!tpu.dma_semaphore, #tpu.memory_space<semaphore_mem>>)
    %dma_wait3A_35 = tpu.memref_slice %arg4[%mul3A_22] : memref<12800000xf32, #tpu.memory_space<hbm>> -> memref<49152xf32, #tpu.memory_space<hbm>>
    %dma_wait3A_36 = tpu.memref_slice %arg4[%mul3A_22] : memref<12800000xf32, #tpu.memory_space<hbm>> -> memref<49152xf32, #tpu.memory_space<hbm>>
    tpu.wait_dma2 semaphore(%arg12 : memref<!tpu.dma_semaphore, #tpu.memory_space<semaphore_mem>>) src(%arg8 : memref<49152xf32, #tpu.memory_space<vmem>>) dst(%dma_wait3A_36 : memref<49152xf32, #tpu.memory_space<hbm>>)
    %parallel_loop3A_37 = arith.constant 0 : i32
    %parallel_loop3A_38 = arith.constant 384 : i32
    %parallel_loop3A_39 = arith.constant 1 : i32
    scf.for %parallel_loop3A_112 = %parallel_loop3A_37 to %parallel_loop3A_38 step %parallel_loop3A_39  : i32 {
      %parallel_loop3A_113 = arith.constant 1152 : i32
      %parallel_loop3A_114 = arith.addi %parallel_loop3A_113, %parallel_loop3A_112 : i32
      %parallel_loop3A_115 = arith.index_cast %parallel_loop3A_114 : i32 to index
      %parallel_loop3A_116 = tpu.vector_load %arg6[%parallel_loop3A_115] {strides = array<i32>} : memref<3152xi32, #tpu.memory_space<vmem>>, vector<16xi32>,
      %parallel_loop3A_117 = vector.extract_strided_slice %parallel_loop3A_116 {offsets = [0], sizes = [1], strides = [1]} : vector<16xi32> to vector<1xi32>
      %parallel_loop3A_118 = vector.extract %parallel_loop3A_117[0] : i32 from vector<1xi32>
      %parallel_loop3A_119 = arith.constant 128 : i32
      %parallel_loop3A_120 = arith.muli %parallel_loop3A_118, %parallel_loop3A_119 : i32
      %parallel_loop3A_121 = arith.constant 128 : i32
      %parallel_loop3A_122 = arith.muli %parallel_loop3A_112, %parallel_loop3A_121 : i32
      %parallel_loop3A_123 = arith.constant 0 : i32
      %parallel_loop3A_124 = arith.addi %parallel_loop3A_120, %parallel_loop3A_123 : i32
      %parallel_loop3A_125 = arith.index_cast %parallel_loop3A_124 : i32 to index
      %parallel_loop3A_126 = tpu.vector_load %arg5[%parallel_loop3A_125] {strides = array<i32>} : memref<12800xf32, #tpu.memory_space<vmem>>, vector<16xf32>,
      %parallel_loop3A_127 = arith.constant 0 : i32
      %parallel_loop3A_128 = arith.addi %parallel_loop3A_122, %parallel_loop3A_127 : i32
      %parallel_loop3A_129 = arith.index_cast %parallel_loop3A_128 : i32 to index
      %parallel_loop3A_130 = tpu.vector_load %arg8[%parallel_loop3A_129] {strides = array<i32>} : memref<49152xf32, #tpu.memory_space<vmem>>, vector<16xf32>,
      tpu.vector_store %arg8[%parallel_loop3A_129], %parallel_loop3A_126 {strides = array<i32>} : memref<49152xf32, #tpu.memory_space<vmem>>, vector<16xf32>,
      %parallel_loop3A_131 = arith.constant 16 : i32
      %parallel_loop3A_132 = arith.addi %parallel_loop3A_120, %parallel_loop3A_131 : i32
      %parallel_loop3A_133 = arith.index_cast %parallel_loop3A_132 : i32 to index
      %parallel_loop3A_134 = tpu.vector_load %arg5[%parallel_loop3A_133] {strides = array<i32>} : memref<12800xf32, #tpu.memory_space<vmem>>, vector<16xf32>,
      %parallel_loop3A_135 = arith.constant 16 : i32
      %parallel_loop3A_136 = arith.addi %parallel_loop3A_122, %parallel_loop3A_135 : i32
      %parallel_loop3A_137 = arith.index_cast %parallel_loop3A_136 : i32 to index
      %parallel_loop3A_138 = tpu.vector_load %arg8[%parallel_loop3A_137] {strides = array<i32>} : memref<49152xf32, #tpu.memory_space<vmem>>, vector<16xf32>,
      tpu.vector_store %arg8[%parallel_loop3A_137], %parallel_loop3A_134 {strides = array<i32>} : memref<49152xf32, #tpu.memory_space<vmem>>, vector<16xf32>,
      %parallel_loop3A_139 = arith.constant 32 : i32
      %parallel_loop3A_140 = arith.addi %parallel_loop3A_120, %parallel_loop3A_139 : i32
      %parallel_loop3A_141 = arith.index_cast %parallel_loop3A_140 : i32 to index
      %parallel_loop3A_142 = tpu.vector_load %arg5[%parallel_loop3A_141] {strides = array<i32>} : memref<12800xf32, #tpu.memory_space<vmem>>, vector<16xf32>,
      %parallel_loop3A_143 = arith.constant 32 : i32
      %parallel_loop3A_144 = arith.addi %parallel_loop3A_122, %parallel_loop3A_143 : i32
      %parallel_loop3A_145 = arith.index_cast %parallel_loop3A_144 : i32 to index
      %parallel_loop3A_146 = tpu.vector_load %arg8[%parallel_loop3A_145] {strides = array<i32>} : memref<49152xf32, #tpu.memory_space<vmem>>, vector<16xf32>,
      tpu.vector_store %arg8[%parallel_loop3A_145], %parallel_loop3A_142 {strides = array<i32>} : memref<49152xf32, #tpu.memory_space<vmem>>, vector<16xf32>,
      %parallel_loop3A_147 = arith.constant 48 : i32
      %parallel_loop3A_148 = arith.addi %parallel_loop3A_120, %parallel_loop3A_147 : i32
      %parallel_loop3A_149 = arith.index_cast %parallel_loop3A_148 : i32 to index
      %parallel_loop3A_150 = tpu.vector_load %arg5[%parallel_loop3A_149] {strides = array<i32>} : memref<12800xf32, #tpu.memory_space<vmem>>, vector<16xf32>,
      %parallel_loop3A_151 = arith.constant 48 : i32
      %parallel_loop3A_152 = arith.addi %parallel_loop3A_122, %parallel_loop3A_151 : i32
      %parallel_loop3A_153 = arith.index_cast %parallel_loop3A_152 : i32 to index
      %parallel_loop3A_154 = tpu.vector_load %arg8[%parallel_loop3A_153] {strides = array<i32>} : memref<49152xf32, #tpu.memory_space<vmem>>, vector<16xf32>,
      tpu.vector_store %arg8[%parallel_loop3A_153], %parallel_loop3A_150 {strides = array<i32>} : memref<49152xf32, #tpu.memory_space<vmem>>, vector<16xf32>,
      %parallel_loop3A_155 = arith.constant 64 : i32
      %parallel_loop3A_156 = arith.addi %parallel_loop3A_120, %parallel_loop3A_155 : i32
      %parallel_loop3A_157 = arith.index_cast %parallel_loop3A_156 : i32 to index
      %parallel_loop3A_158 = tpu.vector_load %arg5[%parallel_loop3A_157] {strides = array<i32>} : memref<12800xf32, #tpu.memory_space<vmem>>, vector<16xf32>,
      %parallel_loop3A_159 = arith.constant 64 : i32
      %parallel_loop3A_160 = arith.addi %parallel_loop3A_122, %parallel_loop3A_159 : i32
      %parallel_loop3A_161 = arith.index_cast %parallel_loop3A_160 : i32 to index
      %parallel_loop3A_162 = tpu.vector_load %arg8[%parallel_loop3A_161] {strides = array<i32>} : memref<49152xf32, #tpu.memory_space<vmem>>, vector<16xf32>,
      tpu.vector_store %arg8[%parallel_loop3A_161], %parallel_loop3A_158 {strides = array<i32>} : memref<49152xf32, #tpu.memory_space<vmem>>, vector<16xf32>,
      %parallel_loop3A_163 = arith.constant 80 : i32
      %parallel_loop3A_164 = arith.addi %parallel_loop3A_120, %parallel_loop3A_163 : i32
      %parallel_loop3A_165 = arith.index_cast %parallel_loop3A_164 : i32 to index
      %parallel_loop3A_166 = tpu.vector_load %arg5[%parallel_loop3A_165] {strides = array<i32>} : memref<12800xf32, #tpu.memory_space<vmem>>, vector<16xf32>,
      %parallel_loop3A_167 = arith.constant 80 : i32
      %parallel_loop3A_168 = arith.addi %parallel_loop3A_122, %parallel_loop3A_167 : i32
      %parallel_loop3A_169 = arith.index_cast %parallel_loop3A_168 : i32 to index
      %parallel_loop3A_170 = tpu.vector_load %arg8[%parallel_loop3A_169] {strides = array<i32>} : memref<49152xf32, #tpu.memory_space<vmem>>, vector<16xf32>,
      tpu.vector_store %arg8[%parallel_loop3A_169], %parallel_loop3A_166 {strides = array<i32>} : memref<49152xf32, #tpu.memory_space<vmem>>, vector<16xf32>,
      %parallel_loop3A_171 = arith.constant 96 : i32
      %parallel_loop3A_172 = arith.addi %parallel_loop3A_120, %parallel_loop3A_171 : i32
      %parallel_loop3A_173 = arith.index_cast %parallel_loop3A_172 : i32 to index
      %parallel_loop3A_174 = tpu.vector_load %arg5[%parallel_loop3A_173] {strides = array<i32>} : memref<12800xf32, #tpu.memory_space<vmem>>, vector<16xf32>,
      %parallel_loop3A_175 = arith.constant 96 : i32
      %parallel_loop3A_176 = arith.addi %parallel_loop3A_122, %parallel_loop3A_175 : i32
      %parallel_loop3A_177 = arith.index_cast %parallel_loop3A_176 : i32 to index
      %parallel_loop3A_178 = tpu.vector_load %arg8[%parallel_loop3A_177] {strides = array<i32>} : memref<49152xf32, #tpu.memory_space<vmem>>, vector<16xf32>,
      tpu.vector_store %arg8[%parallel_loop3A_177], %parallel_loop3A_174 {strides = array<i32>} : memref<49152xf32, #tpu.memory_space<vmem>>, vector<16xf32>,
      %parallel_loop3A_179 = arith.constant 112 : i32
      %parallel_loop3A_180 = arith.addi %parallel_loop3A_120, %parallel_loop3A_179 : i32
      %parallel_loop3A_181 = arith.index_cast %parallel_loop3A_180 : i32 to index
      %parallel_loop3A_182 = tpu.vector_load %arg5[%parallel_loop3A_181] {strides = array<i32>} : memref<12800xf32, #tpu.memory_space<vmem>>, vector<16xf32>,
      %parallel_loop3A_183 = arith.constant 112 : i32
      %parallel_loop3A_184 = arith.addi %parallel_loop3A_122, %parallel_loop3A_183 : i32
      %parallel_loop3A_185 = arith.index_cast %parallel_loop3A_184 : i32 to index
      %parallel_loop3A_186 = tpu.vector_load %arg8[%parallel_loop3A_185] {strides = array<i32>} : memref<49152xf32, #tpu.memory_space<vmem>>, vector<16xf32>,
      tpu.vector_store %arg8[%parallel_loop3A_185], %parallel_loop3A_182 {strides = array<i32>} : memref<49152xf32, #tpu.memory_space<vmem>>, vector<16xf32>,
    } {sc.loop_unroll_factor = 2 : i64, sc.parallel_access}
    %add3A_40 = arith.constant 1152 : i32
    %add3A_41 = arith.addi %mul3A_2, %add3A_40 : i32
    %mul3A_42 = arith.constant 128 : i32
    %mul3A_43 = arith.muli %add3A_41, %mul3A_42 : i32
    %dma_start3A_44 = tpu.memref_slice %arg4[%mul3A_43] : memref<12800000xf32, #tpu.memory_space<hbm>> -> memref<49152xf32, #tpu.memory_space<hbm>>
    %dma_start3A_45 = tpu.memref_slice %arg4[%mul3A_43] : memref<12800000xf32, #tpu.memory_space<hbm>> -> memref<49152xf32, #tpu.memory_space<hbm>>
    tpu.enqueue_dma source(%arg8 : memref<49152xf32, #tpu.memory_space<vmem>>) target(%dma_start3A_45 : memref<49152xf32, #tpu.memory_space<hbm>>) target_semaphore(%arg12 : memref<!tpu.dma_semaphore, #tpu.memory_space<semaphore_mem>>)
    %dma_wait3A_46 = tpu.memref_slice %arg4[%mul3A_32] : memref<12800000xf32, #tpu.memory_space<hbm>> -> memref<49152xf32, #tpu.memory_space<hbm>>
    %dma_wait3A_47 = tpu.memref_slice %arg4[%mul3A_32] : memref<12800000xf32, #tpu.memory_space<hbm>> -> memref<49152xf32, #tpu.memory_space<hbm>>
    tpu.wait_dma2 semaphore(%arg11 : memref<!tpu.dma_semaphore, #tpu.memory_space<semaphore_mem>>) src(%arg7 : memref<49152xf32, #tpu.memory_space<vmem>>) dst(%dma_wait3A_47 : memref<49152xf32, #tpu.memory_space<hbm>>)
    %parallel_loop3A_48 = arith.constant 0 : i32
    %parallel_loop3A_49 = arith.constant 384 : i32
    %parallel_loop3A_50 = arith.constant 1 : i32
    scf.for %parallel_loop3A_112 = %parallel_loop3A_48 to %parallel_loop3A_49 step %parallel_loop3A_50  : i32 {
      %parallel_loop3A_113 = arith.constant 1536 : i32
      %parallel_loop3A_114 = arith.addi %parallel_loop3A_113, %parallel_loop3A_112 : i32
      %parallel_loop3A_115 = arith.index_cast %parallel_loop3A_114 : i32 to index
      %parallel_loop3A_116 = tpu.vector_load %arg6[%parallel_loop3A_115] {strides = array<i32>} : memref<3152xi32, #tpu.memory_space<vmem>>, vector<16xi32>,
      %parallel_loop3A_117 = vector.extract_strided_slice %parallel_loop3A_116 {offsets = [0], sizes = [1], strides = [1]} : vector<16xi32> to vector<1xi32>
      %parallel_loop3A_118 = vector.extract %parallel_loop3A_117[0] : i32 from vector<1xi32>
      %parallel_loop3A_119 = arith.constant 128 : i32
      %parallel_loop3A_120 = arith.muli %parallel_loop3A_118, %parallel_loop3A_119 : i32
      %parallel_loop3A_121 = arith.constant 128 : i32
      %parallel_loop3A_122 = arith.muli %parallel_loop3A_112, %parallel_loop3A_121 : i32
      %parallel_loop3A_123 = arith.constant 0 : i32
      %parallel_loop3A_124 = arith.addi %parallel_loop3A_120, %parallel_loop3A_123 : i32
      %parallel_loop3A_125 = arith.index_cast %parallel_loop3A_124 : i32 to index
      %parallel_loop3A_126 = tpu.vector_load %arg5[%parallel_loop3A_125] {strides = array<i32>} : memref<12800xf32, #tpu.memory_space<vmem>>, vector<16xf32>,
      %parallel_loop3A_127 = arith.constant 0 : i32
      %parallel_loop3A_128 = arith.addi %parallel_loop3A_122, %parallel_loop3A_127 : i32
      %parallel_loop3A_129 = arith.index_cast %parallel_loop3A_128 : i32 to index
      %parallel_loop3A_130 = tpu.vector_load %arg7[%parallel_loop3A_129] {strides = array<i32>} : memref<49152xf32, #tpu.memory_space<vmem>>, vector<16xf32>,
      tpu.vector_store %arg7[%parallel_loop3A_129], %parallel_loop3A_126 {strides = array<i32>} : memref<49152xf32, #tpu.memory_space<vmem>>, vector<16xf32>,
      %parallel_loop3A_131 = arith.constant 16 : i32
      %parallel_loop3A_132 = arith.addi %parallel_loop3A_120, %parallel_loop3A_131 : i32
      %parallel_loop3A_133 = arith.index_cast %parallel_loop3A_132 : i32 to index
      %parallel_loop3A_134 = tpu.vector_load %arg5[%parallel_loop3A_133] {strides = array<i32>} : memref<12800xf32, #tpu.memory_space<vmem>>, vector<16xf32>,
      %parallel_loop3A_135 = arith.constant 16 : i32
      %parallel_loop3A_136 = arith.addi %parallel_loop3A_122, %parallel_loop3A_135 : i32
      %parallel_loop3A_137 = arith.index_cast %parallel_loop3A_136 : i32 to index
      %parallel_loop3A_138 = tpu.vector_load %arg7[%parallel_loop3A_137] {strides = array<i32>} : memref<49152xf32, #tpu.memory_space<vmem>>, vector<16xf32>,
      tpu.vector_store %arg7[%parallel_loop3A_137], %parallel_loop3A_134 {strides = array<i32>} : memref<49152xf32, #tpu.memory_space<vmem>>, vector<16xf32>,
      %parallel_loop3A_139 = arith.constant 32 : i32
      %parallel_loop3A_140 = arith.addi %parallel_loop3A_120, %parallel_loop3A_139 : i32
      %parallel_loop3A_141 = arith.index_cast %parallel_loop3A_140 : i32 to index
      %parallel_loop3A_142 = tpu.vector_load %arg5[%parallel_loop3A_141] {strides = array<i32>} : memref<12800xf32, #tpu.memory_space<vmem>>, vector<16xf32>,
      %parallel_loop3A_143 = arith.constant 32 : i32
      %parallel_loop3A_144 = arith.addi %parallel_loop3A_122, %parallel_loop3A_143 : i32
      %parallel_loop3A_145 = arith.index_cast %parallel_loop3A_144 : i32 to index
      %parallel_loop3A_146 = tpu.vector_load %arg7[%parallel_loop3A_145] {strides = array<i32>} : memref<49152xf32, #tpu.memory_space<vmem>>, vector<16xf32>,
      tpu.vector_store %arg7[%parallel_loop3A_145], %parallel_loop3A_142 {strides = array<i32>} : memref<49152xf32, #tpu.memory_space<vmem>>, vector<16xf32>,
      %parallel_loop3A_147 = arith.constant 48 : i32
      %parallel_loop3A_148 = arith.addi %parallel_loop3A_120, %parallel_loop3A_147 : i32
      %parallel_loop3A_149 = arith.index_cast %parallel_loop3A_148 : i32 to index
      %parallel_loop3A_150 = tpu.vector_load %arg5[%parallel_loop3A_149] {strides = array<i32>} : memref<12800xf32, #tpu.memory_space<vmem>>, vector<16xf32>,
      %parallel_loop3A_151 = arith.constant 48 : i32
      %parallel_loop3A_152 = arith.addi %parallel_loop3A_122, %parallel_loop3A_151 : i32
      %parallel_loop3A_153 = arith.index_cast %parallel_loop3A_152 : i32 to index
      %parallel_loop3A_154 = tpu.vector_load %arg7[%parallel_loop3A_153] {strides = array<i32>} : memref<49152xf32, #tpu.memory_space<vmem>>, vector<16xf32>,
      tpu.vector_store %arg7[%parallel_loop3A_153], %parallel_loop3A_150 {strides = array<i32>} : memref<49152xf32, #tpu.memory_space<vmem>>, vector<16xf32>,
      %parallel_loop3A_155 = arith.constant 64 : i32
      %parallel_loop3A_156 = arith.addi %parallel_loop3A_120, %parallel_loop3A_155 : i32
      %parallel_loop3A_157 = arith.index_cast %parallel_loop3A_156 : i32 to index
      %parallel_loop3A_158 = tpu.vector_load %arg5[%parallel_loop3A_157] {strides = array<i32>} : memref<12800xf32, #tpu.memory_space<vmem>>, vector<16xf32>,
      %parallel_loop3A_159 = arith.constant 64 : i32
      %parallel_loop3A_160 = arith.addi %parallel_loop3A_122, %parallel_loop3A_159 : i32
      %parallel_loop3A_161 = arith.index_cast %parallel_loop3A_160 : i32 to index
      %parallel_loop3A_162 = tpu.vector_load %arg7[%parallel_loop3A_161] {strides = array<i32>} : memref<49152xf32, #tpu.memory_space<vmem>>, vector<16xf32>,
      tpu.vector_store %arg7[%parallel_loop3A_161], %parallel_loop3A_158 {strides = array<i32>} : memref<49152xf32, #tpu.memory_space<vmem>>, vector<16xf32>,
      %parallel_loop3A_163 = arith.constant 80 : i32
      %parallel_loop3A_164 = arith.addi %parallel_loop3A_120, %parallel_loop3A_163 : i32
      %parallel_loop3A_165 = arith.index_cast %parallel_loop3A_164 : i32 to index
      %parallel_loop3A_166 = tpu.vector_load %arg5[%parallel_loop3A_165] {strides = array<i32>} : memref<12800xf32, #tpu.memory_space<vmem>>, vector<16xf32>,
      %parallel_loop3A_167 = arith.constant 80 : i32
      %parallel_loop3A_168 = arith.addi %parallel_loop3A_122, %parallel_loop3A_167 : i32
      %parallel_loop3A_169 = arith.index_cast %parallel_loop3A_168 : i32 to index
      %parallel_loop3A_170 = tpu.vector_load %arg7[%parallel_loop3A_169] {strides = array<i32>} : memref<49152xf32, #tpu.memory_space<vmem>>, vector<16xf32>,
      tpu.vector_store %arg7[%parallel_loop3A_169], %parallel_loop3A_166 {strides = array<i32>} : memref<49152xf32, #tpu.memory_space<vmem>>, vector<16xf32>,
      %parallel_loop3A_171 = arith.constant 96 : i32
      %parallel_loop3A_172 = arith.addi %parallel_loop3A_120, %parallel_loop3A_171 : i32
      %parallel_loop3A_173 = arith.index_cast %parallel_loop3A_172 : i32 to index
      %parallel_loop3A_174 = tpu.vector_load %arg5[%parallel_loop3A_173] {strides = array<i32>} : memref<12800xf32, #tpu.memory_space<vmem>>, vector<16xf32>,
      %parallel_loop3A_175 = arith.constant 96 : i32
      %parallel_loop3A_176 = arith.addi %parallel_loop3A_122, %parallel_loop3A_175 : i32
      %parallel_loop3A_177 = arith.index_cast %parallel_loop3A_176 : i32 to index
      %parallel_loop3A_178 = tpu.vector_load %arg7[%parallel_loop3A_177] {strides = array<i32>} : memref<49152xf32, #tpu.memory_space<vmem>>, vector<16xf32>,
      tpu.vector_store %arg7[%parallel_loop3A_177], %parallel_loop3A_174 {strides = array<i32>} : memref<49152xf32, #tpu.memory_space<vmem>>, vector<16xf32>,
      %parallel_loop3A_179 = arith.constant 112 : i32
      %parallel_loop3A_180 = arith.addi %parallel_loop3A_120, %parallel_loop3A_179 : i32
      %parallel_loop3A_181 = arith.index_cast %parallel_loop3A_180 : i32 to index
      %parallel_loop3A_182 = tpu.vector_load %arg5[%parallel_loop3A_181] {strides = array<i32>} : memref<12800xf32, #tpu.memory_space<vmem>>, vector<16xf32>,
      %parallel_loop3A_183 = arith.constant 112 : i32
      %parallel_loop3A_184 = arith.addi %parallel_loop3A_122, %parallel_loop3A_183 : i32
      %parallel_loop3A_185 = arith.index_cast %parallel_loop3A_184 : i32 to index
      %parallel_loop3A_186 = tpu.vector_load %arg7[%parallel_loop3A_185] {strides = array<i32>} : memref<49152xf32, #tpu.memory_space<vmem>>, vector<16xf32>,
      tpu.vector_store %arg7[%parallel_loop3A_185], %parallel_loop3A_182 {strides = array<i32>} : memref<49152xf32, #tpu.memory_space<vmem>>, vector<16xf32>,
    } {sc.loop_unroll_factor = 2 : i64, sc.parallel_access}
    %add3A_51 = arith.constant 1536 : i32
    %add3A_52 = arith.addi %mul3A_2, %add3A_51 : i32
    %mul3A_53 = arith.constant 128 : i32
    %mul3A_54 = arith.muli %add3A_52, %mul3A_53 : i32
    %dma_start3A_55 = tpu.memref_slice %arg4[%mul3A_54] : memref<12800000xf32, #tpu.memory_space<hbm>> -> memref<49152xf32, #tpu.memory_space<hbm>>
    %dma_start3A_56 = tpu.memref_slice %arg4[%mul3A_54] : memref<12800000xf32, #tpu.memory_space<hbm>> -> memref<49152xf32, #tpu.memory_space<hbm>>
    tpu.enqueue_dma source(%arg7 : memref<49152xf32, #tpu.memory_space<vmem>>) target(%dma_start3A_56 : memref<49152xf32, #tpu.memory_space<hbm>>) target_semaphore(%arg11 : memref<!tpu.dma_semaphore, #tpu.memory_space<semaphore_mem>>)
    %dma_wait3A_57 = tpu.memref_slice %arg4[%mul3A_43] : memref<12800000xf32, #tpu.memory_space<hbm>> -> memref<49152xf32, #tpu.memory_space<hbm>>
    %dma_wait3A_58 = tpu.memref_slice %arg4[%mul3A_43] : memref<12800000xf32, #tpu.memory_space<hbm>> -> memref<49152xf32, #tpu.memory_space<hbm>>
    tpu.wait_dma2 semaphore(%arg12 : memref<!tpu.dma_semaphore, #tpu.memory_space<semaphore_mem>>) src(%arg8 : memref<49152xf32, #tpu.memory_space<vmem>>) dst(%dma_wait3A_58 : memref<49152xf32, #tpu.memory_space<hbm>>)
    %parallel_loop3A_59 = arith.constant 0 : i32
    %parallel_loop3A_60 = arith.constant 384 : i32
    %parallel_loop3A_61 = arith.constant 1 : i32
    scf.for %parallel_loop3A_112 = %parallel_loop3A_59 to %parallel_loop3A_60 step %parallel_loop3A_61  : i32 {
      %parallel_loop3A_113 = arith.constant 1920 : i32
      %parallel_loop3A_114 = arith.addi %parallel_loop3A_113, %parallel_loop3A_112 : i32
      %parallel_loop3A_115 = arith.index_cast %parallel_loop3A_114 : i32 to index
      %parallel_loop3A_116 = tpu.vector_load %arg6[%parallel_loop3A_115] {strides = array<i32>} : memref<3152xi32, #tpu.memory_space<vmem>>, vector<16xi32>,
      %parallel_loop3A_117 = vector.extract_strided_slice %parallel_loop3A_116 {offsets = [0], sizes = [1], strides = [1]} : vector<16xi32> to vector<1xi32>
      %parallel_loop3A_118 = vector.extract %parallel_loop3A_117[0] : i32 from vector<1xi32>
      %parallel_loop3A_119 = arith.constant 128 : i32
      %parallel_loop3A_120 = arith.muli %parallel_loop3A_118, %parallel_loop3A_119 : i32
      %parallel_loop3A_121 = arith.constant 128 : i32
      %parallel_loop3A_122 = arith.muli %parallel_loop3A_112, %parallel_loop3A_121 : i32
      %parallel_loop3A_123 = arith.constant 0 : i32
      %parallel_loop3A_124 = arith.addi %parallel_loop3A_120, %parallel_loop3A_123 : i32
      %parallel_loop3A_125 = arith.index_cast %parallel_loop3A_124 : i32 to index
      %parallel_loop3A_126 = tpu.vector_load %arg5[%parallel_loop3A_125] {strides = array<i32>} : memref<12800xf32, #tpu.memory_space<vmem>>, vector<16xf32>,
      %parallel_loop3A_127 = arith.constant 0 : i32
      %parallel_loop3A_128 = arith.addi %parallel_loop3A_122, %parallel_loop3A_127 : i32
      %parallel_loop3A_129 = arith.index_cast %parallel_loop3A_128 : i32 to index
      %parallel_loop3A_130 = tpu.vector_load %arg8[%parallel_loop3A_129] {strides = array<i32>} : memref<49152xf32, #tpu.memory_space<vmem>>, vector<16xf32>,
      tpu.vector_store %arg8[%parallel_loop3A_129], %parallel_loop3A_126 {strides = array<i32>} : memref<49152xf32, #tpu.memory_space<vmem>>, vector<16xf32>,
      %parallel_loop3A_131 = arith.constant 16 : i32
      %parallel_loop3A_132 = arith.addi %parallel_loop3A_120, %parallel_loop3A_131 : i32
      %parallel_loop3A_133 = arith.index_cast %parallel_loop3A_132 : i32 to index
      %parallel_loop3A_134 = tpu.vector_load %arg5[%parallel_loop3A_133] {strides = array<i32>} : memref<12800xf32, #tpu.memory_space<vmem>>, vector<16xf32>,
      %parallel_loop3A_135 = arith.constant 16 : i32
      %parallel_loop3A_136 = arith.addi %parallel_loop3A_122, %parallel_loop3A_135 : i32
      %parallel_loop3A_137 = arith.index_cast %parallel_loop3A_136 : i32 to index
      %parallel_loop3A_138 = tpu.vector_load %arg8[%parallel_loop3A_137] {strides = array<i32>} : memref<49152xf32, #tpu.memory_space<vmem>>, vector<16xf32>,
      tpu.vector_store %arg8[%parallel_loop3A_137], %parallel_loop3A_134 {strides = array<i32>} : memref<49152xf32, #tpu.memory_space<vmem>>, vector<16xf32>,
      %parallel_loop3A_139 = arith.constant 32 : i32
      %parallel_loop3A_140 = arith.addi %parallel_loop3A_120, %parallel_loop3A_139 : i32
      %parallel_loop3A_141 = arith.index_cast %parallel_loop3A_140 : i32 to index
      %parallel_loop3A_142 = tpu.vector_load %arg5[%parallel_loop3A_141] {strides = array<i32>} : memref<12800xf32, #tpu.memory_space<vmem>>, vector<16xf32>,
      %parallel_loop3A_143 = arith.constant 32 : i32
      %parallel_loop3A_144 = arith.addi %parallel_loop3A_122, %parallel_loop3A_143 : i32
      %parallel_loop3A_145 = arith.index_cast %parallel_loop3A_144 : i32 to index
      %parallel_loop3A_146 = tpu.vector_load %arg8[%parallel_loop3A_145] {strides = array<i32>} : memref<49152xf32, #tpu.memory_space<vmem>>, vector<16xf32>,
      tpu.vector_store %arg8[%parallel_loop3A_145], %parallel_loop3A_142 {strides = array<i32>} : memref<49152xf32, #tpu.memory_space<vmem>>, vector<16xf32>,
      %parallel_loop3A_147 = arith.constant 48 : i32
      %parallel_loop3A_148 = arith.addi %parallel_loop3A_120, %parallel_loop3A_147 : i32
      %parallel_loop3A_149 = arith.index_cast %parallel_loop3A_148 : i32 to index
      %parallel_loop3A_150 = tpu.vector_load %arg5[%parallel_loop3A_149] {strides = array<i32>} : memref<12800xf32, #tpu.memory_space<vmem>>, vector<16xf32>,
      %parallel_loop3A_151 = arith.constant 48 : i32
      %parallel_loop3A_152 = arith.addi %parallel_loop3A_122, %parallel_loop3A_151 : i32
      %parallel_loop3A_153 = arith.index_cast %parallel_loop3A_152 : i32 to index
      %parallel_loop3A_154 = tpu.vector_load %arg8[%parallel_loop3A_153] {strides = array<i32>} : memref<49152xf32, #tpu.memory_space<vmem>>, vector<16xf32>,
      tpu.vector_store %arg8[%parallel_loop3A_153], %parallel_loop3A_150 {strides = array<i32>} : memref<49152xf32, #tpu.memory_space<vmem>>, vector<16xf32>,
      %parallel_loop3A_155 = arith.constant 64 : i32
      %parallel_loop3A_156 = arith.addi %parallel_loop3A_120, %parallel_loop3A_155 : i32
      %parallel_loop3A_157 = arith.index_cast %parallel_loop3A_156 : i32 to index
      %parallel_loop3A_158 = tpu.vector_load %arg5[%parallel_loop3A_157] {strides = array<i32>} : memref<12800xf32, #tpu.memory_space<vmem>>, vector<16xf32>,
      %parallel_loop3A_159 = arith.constant 64 : i32
      %parallel_loop3A_160 = arith.addi %parallel_loop3A_122, %parallel_loop3A_159 : i32
      %parallel_loop3A_161 = arith.index_cast %parallel_loop3A_160 : i32 to index
      %parallel_loop3A_162 = tpu.vector_load %arg8[%parallel_loop3A_161] {strides = array<i32>} : memref<49152xf32, #tpu.memory_space<vmem>>, vector<16xf32>,
      tpu.vector_store %arg8[%parallel_loop3A_161], %parallel_loop3A_158 {strides = array<i32>} : memref<49152xf32, #tpu.memory_space<vmem>>, vector<16xf32>,
      %parallel_loop3A_163 = arith.constant 80 : i32
      %parallel_loop3A_164 = arith.addi %parallel_loop3A_120, %parallel_loop3A_163 : i32
      %parallel_loop3A_165 = arith.index_cast %parallel_loop3A_164 : i32 to index
      %parallel_loop3A_166 = tpu.vector_load %arg5[%parallel_loop3A_165] {strides = array<i32>} : memref<12800xf32, #tpu.memory_space<vmem>>, vector<16xf32>,
      %parallel_loop3A_167 = arith.constant 80 : i32
      %parallel_loop3A_168 = arith.addi %parallel_loop3A_122, %parallel_loop3A_167 : i32
      %parallel_loop3A_169 = arith.index_cast %parallel_loop3A_168 : i32 to index
      %parallel_loop3A_170 = tpu.vector_load %arg8[%parallel_loop3A_169] {strides = array<i32>} : memref<49152xf32, #tpu.memory_space<vmem>>, vector<16xf32>,
      tpu.vector_store %arg8[%parallel_loop3A_169], %parallel_loop3A_166 {strides = array<i32>} : memref<49152xf32, #tpu.memory_space<vmem>>, vector<16xf32>,
      %parallel_loop3A_171 = arith.constant 96 : i32
      %parallel_loop3A_172 = arith.addi %parallel_loop3A_120, %parallel_loop3A_171 : i32
      %parallel_loop3A_173 = arith.index_cast %parallel_loop3A_172 : i32 to index
      %parallel_loop3A_174 = tpu.vector_load %arg5[%parallel_loop3A_173] {strides = array<i32>} : memref<12800xf32, #tpu.memory_space<vmem>>, vector<16xf32>,
      %parallel_loop3A_175 = arith.constant 96 : i32
      %parallel_loop3A_176 = arith.addi %parallel_loop3A_122, %parallel_loop3A_175 : i32
      %parallel_loop3A_177 = arith.index_cast %parallel_loop3A_176 : i32 to index
      %parallel_loop3A_178 = tpu.vector_load %arg8[%parallel_loop3A_177] {strides = array<i32>} : memref<49152xf32, #tpu.memory_space<vmem>>, vector<16xf32>,
      tpu.vector_store %arg8[%parallel_loop3A_177], %parallel_loop3A_174 {strides = array<i32>} : memref<49152xf32, #tpu.memory_space<vmem>>, vector<16xf32>,
      %parallel_loop3A_179 = arith.constant 112 : i32
      %parallel_loop3A_180 = arith.addi %parallel_loop3A_120, %parallel_loop3A_179 : i32
      %parallel_loop3A_181 = arith.index_cast %parallel_loop3A_180 : i32 to index
      %parallel_loop3A_182 = tpu.vector_load %arg5[%parallel_loop3A_181] {strides = array<i32>} : memref<12800xf32, #tpu.memory_space<vmem>>, vector<16xf32>,
      %parallel_loop3A_183 = arith.constant 112 : i32
      %parallel_loop3A_184 = arith.addi %parallel_loop3A_122, %parallel_loop3A_183 : i32
      %parallel_loop3A_185 = arith.index_cast %parallel_loop3A_184 : i32 to index
      %parallel_loop3A_186 = tpu.vector_load %arg8[%parallel_loop3A_185] {strides = array<i32>} : memref<49152xf32, #tpu.memory_space<vmem>>, vector<16xf32>,
      tpu.vector_store %arg8[%parallel_loop3A_185], %parallel_loop3A_182 {strides = array<i32>} : memref<49152xf32, #tpu.memory_space<vmem>>, vector<16xf32>,
    } {sc.loop_unroll_factor = 2 : i64, sc.parallel_access}
    %add3A_62 = arith.constant 1920 : i32
    %add3A_63 = arith.addi %mul3A_2, %add3A_62 : i32
    %mul3A_64 = arith.constant 128 : i32
    %mul3A_65 = arith.muli %add3A_63, %mul3A_64 : i32
    %dma_start3A_66 = tpu.memref_slice %arg4[%mul3A_65] : memref<12800000xf32, #tpu.memory_space<hbm>> -> memref<49152xf32, #tpu.memory_space<hbm>>
    %dma_start3A_67 = tpu.memref_slice %arg4[%mul3A_65] : memref<12800000xf32, #tpu.memory_space<hbm>> -> memref<49152xf32, #tpu.memory_space<hbm>>
    tpu.enqueue_dma source(%arg8 : memref<49152xf32, #tpu.memory_space<vmem>>) target(%dma_start3A_67 : memref<49152xf32, #tpu.memory_space<hbm>>) target_semaphore(%arg12 : memref<!tpu.dma_semaphore, #tpu.memory_space<semaphore_mem>>)
    %dma_wait3A_68 = tpu.memref_slice %arg4[%mul3A_54] : memref<12800000xf32, #tpu.memory_space<hbm>> -> memref<49152xf32, #tpu.memory_space<hbm>>
    %dma_wait3A_69 = tpu.memref_slice %arg4[%mul3A_54] : memref<12800000xf32, #tpu.memory_space<hbm>> -> memref<49152xf32, #tpu.memory_space<hbm>>
    tpu.wait_dma2 semaphore(%arg11 : memref<!tpu.dma_semaphore, #tpu.memory_space<semaphore_mem>>) src(%arg7 : memref<49152xf32, #tpu.memory_space<vmem>>) dst(%dma_wait3A_69 : memref<49152xf32, #tpu.memory_space<hbm>>)
    %parallel_loop3A_70 = arith.constant 0 : i32
    %parallel_loop3A_71 = arith.constant 384 : i32
    %parallel_loop3A_72 = arith.constant 1 : i32
    scf.for %parallel_loop3A_112 = %parallel_loop3A_70 to %parallel_loop3A_71 step %parallel_loop3A_72  : i32 {
      %parallel_loop3A_113 = arith.constant 2304 : i32
      %parallel_loop3A_114 = arith.addi %parallel_loop3A_113, %parallel_loop3A_112 : i32
      %parallel_loop3A_115 = arith.index_cast %parallel_loop3A_114 : i32 to index
      %parallel_loop3A_116 = tpu.vector_load %arg6[%parallel_loop3A_115] {strides = array<i32>} : memref<3152xi32, #tpu.memory_space<vmem>>, vector<16xi32>,
      %parallel_loop3A_117 = vector.extract_strided_slice %parallel_loop3A_116 {offsets = [0], sizes = [1], strides = [1]} : vector<16xi32> to vector<1xi32>
      %parallel_loop3A_118 = vector.extract %parallel_loop3A_117[0] : i32 from vector<1xi32>
      %parallel_loop3A_119 = arith.constant 128 : i32
      %parallel_loop3A_120 = arith.muli %parallel_loop3A_118, %parallel_loop3A_119 : i32
      %parallel_loop3A_121 = arith.constant 128 : i32
      %parallel_loop3A_122 = arith.muli %parallel_loop3A_112, %parallel_loop3A_121 : i32
      %parallel_loop3A_123 = arith.constant 0 : i32
      %parallel_loop3A_124 = arith.addi %parallel_loop3A_120, %parallel_loop3A_123 : i32
      %parallel_loop3A_125 = arith.index_cast %parallel_loop3A_124 : i32 to index
      %parallel_loop3A_126 = tpu.vector_load %arg5[%parallel_loop3A_125] {strides = array<i32>} : memref<12800xf32, #tpu.memory_space<vmem>>, vector<16xf32>,
      %parallel_loop3A_127 = arith.constant 0 : i32
      %parallel_loop3A_128 = arith.addi %parallel_loop3A_122, %parallel_loop3A_127 : i32
      %parallel_loop3A_129 = arith.index_cast %parallel_loop3A_128 : i32 to index
      %parallel_loop3A_130 = tpu.vector_load %arg7[%parallel_loop3A_129] {strides = array<i32>} : memref<49152xf32, #tpu.memory_space<vmem>>, vector<16xf32>,
      tpu.vector_store %arg7[%parallel_loop3A_129], %parallel_loop3A_126 {strides = array<i32>} : memref<49152xf32, #tpu.memory_space<vmem>>, vector<16xf32>,
      %parallel_loop3A_131 = arith.constant 16 : i32
      %parallel_loop3A_132 = arith.addi %parallel_loop3A_120, %parallel_loop3A_131 : i32
      %parallel_loop3A_133 = arith.index_cast %parallel_loop3A_132 : i32 to index
      %parallel_loop3A_134 = tpu.vector_load %arg5[%parallel_loop3A_133] {strides = array<i32>} : memref<12800xf32, #tpu.memory_space<vmem>>, vector<16xf32>,
      %parallel_loop3A_135 = arith.constant 16 : i32
      %parallel_loop3A_136 = arith.addi %parallel_loop3A_122, %parallel_loop3A_135 : i32
      %parallel_loop3A_137 = arith.index_cast %parallel_loop3A_136 : i32 to index
      %parallel_loop3A_138 = tpu.vector_load %arg7[%parallel_loop3A_137] {strides = array<i32>} : memref<49152xf32, #tpu.memory_space<vmem>>, vector<16xf32>,
      tpu.vector_store %arg7[%parallel_loop3A_137], %parallel_loop3A_134 {strides = array<i32>} : memref<49152xf32, #tpu.memory_space<vmem>>, vector<16xf32>,
      %parallel_loop3A_139 = arith.constant 32 : i32
      %parallel_loop3A_140 = arith.addi %parallel_loop3A_120, %parallel_loop3A_139 : i32
      %parallel_loop3A_141 = arith.index_cast %parallel_loop3A_140 : i32 to index
      %parallel_loop3A_142 = tpu.vector_load %arg5[%parallel_loop3A_141] {strides = array<i32>} : memref<12800xf32, #tpu.memory_space<vmem>>, vector<16xf32>,
      %parallel_loop3A_143 = arith.constant 32 : i32
      %parallel_loop3A_144 = arith.addi %parallel_loop3A_122, %parallel_loop3A_143 : i32
      %parallel_loop3A_145 = arith.index_cast %parallel_loop3A_144 : i32 to index
      %parallel_loop3A_146 = tpu.vector_load %arg7[%parallel_loop3A_145] {strides = array<i32>} : memref<49152xf32, #tpu.memory_space<vmem>>, vector<16xf32>,
      tpu.vector_store %arg7[%parallel_loop3A_145], %parallel_loop3A_142 {strides = array<i32>} : memref<49152xf32, #tpu.memory_space<vmem>>, vector<16xf32>,
      %parallel_loop3A_147 = arith.constant 48 : i32
      %parallel_loop3A_148 = arith.addi %parallel_loop3A_120, %parallel_loop3A_147 : i32
      %parallel_loop3A_149 = arith.index_cast %parallel_loop3A_148 : i32 to index
      %parallel_loop3A_150 = tpu.vector_load %arg5[%parallel_loop3A_149] {strides = array<i32>} : memref<12800xf32, #tpu.memory_space<vmem>>, vector<16xf32>,
      %parallel_loop3A_151 = arith.constant 48 : i32
      %parallel_loop3A_152 = arith.addi %parallel_loop3A_122, %parallel_loop3A_151 : i32
      %parallel_loop3A_153 = arith.index_cast %parallel_loop3A_152 : i32 to index
      %parallel_loop3A_154 = tpu.vector_load %arg7[%parallel_loop3A_153] {strides = array<i32>} : memref<49152xf32, #tpu.memory_space<vmem>>, vector<16xf32>,
      tpu.vector_store %arg7[%parallel_loop3A_153], %parallel_loop3A_150 {strides = array<i32>} : memref<49152xf32, #tpu.memory_space<vmem>>, vector<16xf32>,
      %parallel_loop3A_155 = arith.constant 64 : i32
      %parallel_loop3A_156 = arith.addi %parallel_loop3A_120, %parallel_loop3A_155 : i32
      %parallel_loop3A_157 = arith.index_cast %parallel_loop3A_156 : i32 to index
      %parallel_loop3A_158 = tpu.vector_load %arg5[%parallel_loop3A_157] {strides = array<i32>} : memref<12800xf32, #tpu.memory_space<vmem>>, vector<16xf32>,
      %parallel_loop3A_159 = arith.constant 64 : i32
      %parallel_loop3A_160 = arith.addi %parallel_loop3A_122, %parallel_loop3A_159 : i32
      %parallel_loop3A_161 = arith.index_cast %parallel_loop3A_160 : i32 to index
      %parallel_loop3A_162 = tpu.vector_load %arg7[%parallel_loop3A_161] {strides = array<i32>} : memref<49152xf32, #tpu.memory_space<vmem>>, vector<16xf32>,
      tpu.vector_store %arg7[%parallel_loop3A_161], %parallel_loop3A_158 {strides = array<i32>} : memref<49152xf32, #tpu.memory_space<vmem>>, vector<16xf32>,
      %parallel_loop3A_163 = arith.constant 80 : i32
      %parallel_loop3A_164 = arith.addi %parallel_loop3A_120, %parallel_loop3A_163 : i32
      %parallel_loop3A_165 = arith.index_cast %parallel_loop3A_164 : i32 to index
      %parallel_loop3A_166 = tpu.vector_load %arg5[%parallel_loop3A_165] {strides = array<i32>} : memref<12800xf32, #tpu.memory_space<vmem>>, vector<16xf32>,
      %parallel_loop3A_167 = arith.constant 80 : i32
      %parallel_loop3A_168 = arith.addi %parallel_loop3A_122, %parallel_loop3A_167 : i32
      %parallel_loop3A_169 = arith.index_cast %parallel_loop3A_168 : i32 to index
      %parallel_loop3A_170 = tpu.vector_load %arg7[%parallel_loop3A_169] {strides = array<i32>} : memref<49152xf32, #tpu.memory_space<vmem>>, vector<16xf32>,
      tpu.vector_store %arg7[%parallel_loop3A_169], %parallel_loop3A_166 {strides = array<i32>} : memref<49152xf32, #tpu.memory_space<vmem>>, vector<16xf32>,
      %parallel_loop3A_171 = arith.constant 96 : i32
      %parallel_loop3A_172 = arith.addi %parallel_loop3A_120, %parallel_loop3A_171 : i32
      %parallel_loop3A_173 = arith.index_cast %parallel_loop3A_172 : i32 to index
      %parallel_loop3A_174 = tpu.vector_load %arg5[%parallel_loop3A_173] {strides = array<i32>} : memref<12800xf32, #tpu.memory_space<vmem>>, vector<16xf32>,
      %parallel_loop3A_175 = arith.constant 96 : i32
      %parallel_loop3A_176 = arith.addi %parallel_loop3A_122, %parallel_loop3A_175 : i32
      %parallel_loop3A_177 = arith.index_cast %parallel_loop3A_176 : i32 to index
      %parallel_loop3A_178 = tpu.vector_load %arg7[%parallel_loop3A_177] {strides = array<i32>} : memref<49152xf32, #tpu.memory_space<vmem>>, vector<16xf32>,
      tpu.vector_store %arg7[%parallel_loop3A_177], %parallel_loop3A_174 {strides = array<i32>} : memref<49152xf32, #tpu.memory_space<vmem>>, vector<16xf32>,
      %parallel_loop3A_179 = arith.constant 112 : i32
      %parallel_loop3A_180 = arith.addi %parallel_loop3A_120, %parallel_loop3A_179 : i32
      %parallel_loop3A_181 = arith.index_cast %parallel_loop3A_180 : i32 to index
      %parallel_loop3A_182 = tpu.vector_load %arg5[%parallel_loop3A_181] {strides = array<i32>} : memref<12800xf32, #tpu.memory_space<vmem>>, vector<16xf32>,
      %parallel_loop3A_183 = arith.constant 112 : i32
      %parallel_loop3A_184 = arith.addi %parallel_loop3A_122, %parallel_loop3A_183 : i32
      %parallel_loop3A_185 = arith.index_cast %parallel_loop3A_184 : i32 to index
      %parallel_loop3A_186 = tpu.vector_load %arg7[%parallel_loop3A_185] {strides = array<i32>} : memref<49152xf32, #tpu.memory_space<vmem>>, vector<16xf32>,
      tpu.vector_store %arg7[%parallel_loop3A_185], %parallel_loop3A_182 {strides = array<i32>} : memref<49152xf32, #tpu.memory_space<vmem>>, vector<16xf32>,
    } {sc.loop_unroll_factor = 2 : i64, sc.parallel_access}
    %add3A_73 = arith.constant 2304 : i32
    %add3A_74 = arith.addi %mul3A_2, %add3A_73 : i32
    %mul3A_75 = arith.constant 128 : i32
    %mul3A_76 = arith.muli %add3A_74, %mul3A_75 : i32
    %dma_start3A_77 = tpu.memref_slice %arg4[%mul3A_76] : memref<12800000xf32, #tpu.memory_space<hbm>> -> memref<49152xf32, #tpu.memory_space<hbm>>
    %dma_start3A_78 = tpu.memref_slice %arg4[%mul3A_76] : memref<12800000xf32, #tpu.memory_space<hbm>> -> memref<49152xf32, #tpu.memory_space<hbm>>
    tpu.enqueue_dma source(%arg7 : memref<49152xf32, #tpu.memory_space<vmem>>) target(%dma_start3A_78 : memref<49152xf32, #tpu.memory_space<hbm>>) target_semaphore(%arg11 : memref<!tpu.dma_semaphore, #tpu.memory_space<semaphore_mem>>)
    %dma_wait3A_79 = tpu.memref_slice %arg4[%mul3A_65] : memref<12800000xf32, #tpu.memory_space<hbm>> -> memref<49152xf32, #tpu.memory_space<hbm>>
    %dma_wait3A_80 = tpu.memref_slice %arg4[%mul3A_65] : memref<12800000xf32, #tpu.memory_space<hbm>> -> memref<49152xf32, #tpu.memory_space<hbm>>
    tpu.wait_dma2 semaphore(%arg12 : memref<!tpu.dma_semaphore, #tpu.memory_space<semaphore_mem>>) src(%arg8 : memref<49152xf32, #tpu.memory_space<vmem>>) dst(%dma_wait3A_80 : memref<49152xf32, #tpu.memory_space<hbm>>)
    %parallel_loop3A_81 = arith.constant 0 : i32
    %parallel_loop3A_82 = arith.constant 384 : i32
    %parallel_loop3A_83 = arith.constant 1 : i32
    scf.for %parallel_loop3A_112 = %parallel_loop3A_81 to %parallel_loop3A_82 step %parallel_loop3A_83  : i32 {
      %parallel_loop3A_113 = arith.constant 2688 : i32
      %parallel_loop3A_114 = arith.addi %parallel_loop3A_113, %parallel_loop3A_112 : i32
      %parallel_loop3A_115 = arith.index_cast %parallel_loop3A_114 : i32 to index
      %parallel_loop3A_116 = tpu.vector_load %arg6[%parallel_loop3A_115] {strides = array<i32>} : memref<3152xi32, #tpu.memory_space<vmem>>, vector<16xi32>,
      %parallel_loop3A_117 = vector.extract_strided_slice %parallel_loop3A_116 {offsets = [0], sizes = [1], strides = [1]} : vector<16xi32> to vector<1xi32>
      %parallel_loop3A_118 = vector.extract %parallel_loop3A_117[0] : i32 from vector<1xi32>
      %parallel_loop3A_119 = arith.constant 128 : i32
      %parallel_loop3A_120 = arith.muli %parallel_loop3A_118, %parallel_loop3A_119 : i32
      %parallel_loop3A_121 = arith.constant 128 : i32
      %parallel_loop3A_122 = arith.muli %parallel_loop3A_112, %parallel_loop3A_121 : i32
      %parallel_loop3A_123 = arith.constant 0 : i32
      %parallel_loop3A_124 = arith.addi %parallel_loop3A_120, %parallel_loop3A_123 : i32
      %parallel_loop3A_125 = arith.index_cast %parallel_loop3A_124 : i32 to index
      %parallel_loop3A_126 = tpu.vector_load %arg5[%parallel_loop3A_125] {strides = array<i32>} : memref<12800xf32, #tpu.memory_space<vmem>>, vector<16xf32>,
      %parallel_loop3A_127 = arith.constant 0 : i32
      %parallel_loop3A_128 = arith.addi %parallel_loop3A_122, %parallel_loop3A_127 : i32
      %parallel_loop3A_129 = arith.index_cast %parallel_loop3A_128 : i32 to index
      %parallel_loop3A_130 = tpu.vector_load %arg8[%parallel_loop3A_129] {strides = array<i32>} : memref<49152xf32, #tpu.memory_space<vmem>>, vector<16xf32>,
      tpu.vector_store %arg8[%parallel_loop3A_129], %parallel_loop3A_126 {strides = array<i32>} : memref<49152xf32, #tpu.memory_space<vmem>>, vector<16xf32>,
      %parallel_loop3A_131 = arith.constant 16 : i32
      %parallel_loop3A_132 = arith.addi %parallel_loop3A_120, %parallel_loop3A_131 : i32
      %parallel_loop3A_133 = arith.index_cast %parallel_loop3A_132 : i32 to index
      %parallel_loop3A_134 = tpu.vector_load %arg5[%parallel_loop3A_133] {strides = array<i32>} : memref<12800xf32, #tpu.memory_space<vmem>>, vector<16xf32>,
      %parallel_loop3A_135 = arith.constant 16 : i32
      %parallel_loop3A_136 = arith.addi %parallel_loop3A_122, %parallel_loop3A_135 : i32
      %parallel_loop3A_137 = arith.index_cast %parallel_loop3A_136 : i32 to index
      %parallel_loop3A_138 = tpu.vector_load %arg8[%parallel_loop3A_137] {strides = array<i32>} : memref<49152xf32, #tpu.memory_space<vmem>>, vector<16xf32>,
      tpu.vector_store %arg8[%parallel_loop3A_137], %parallel_loop3A_134 {strides = array<i32>} : memref<49152xf32, #tpu.memory_space<vmem>>, vector<16xf32>,
      %parallel_loop3A_139 = arith.constant 32 : i32
      %parallel_loop3A_140 = arith.addi %parallel_loop3A_120, %parallel_loop3A_139 : i32
      %parallel_loop3A_141 = arith.index_cast %parallel_loop3A_140 : i32 to index
      %parallel_loop3A_142 = tpu.vector_load %arg5[%parallel_loop3A_141] {strides = array<i32>} : memref<12800xf32, #tpu.memory_space<vmem>>, vector<16xf32>,
      %parallel_loop3A_143 = arith.constant 32 : i32
      %parallel_loop3A_144 = arith.addi %parallel_loop3A_122, %parallel_loop3A_143 : i32
      %parallel_loop3A_145 = arith.index_cast %parallel_loop3A_144 : i32 to index
      %parallel_loop3A_146 = tpu.vector_load %arg8[%parallel_loop3A_145] {strides = array<i32>} : memref<49152xf32, #tpu.memory_space<vmem>>, vector<16xf32>,
      tpu.vector_store %arg8[%parallel_loop3A_145], %parallel_loop3A_142 {strides = array<i32>} : memref<49152xf32, #tpu.memory_space<vmem>>, vector<16xf32>,
      %parallel_loop3A_147 = arith.constant 48 : i32
      %parallel_loop3A_148 = arith.addi %parallel_loop3A_120, %parallel_loop3A_147 : i32
      %parallel_loop3A_149 = arith.index_cast %parallel_loop3A_148 : i32 to index
      %parallel_loop3A_150 = tpu.vector_load %arg5[%parallel_loop3A_149] {strides = array<i32>} : memref<12800xf32, #tpu.memory_space<vmem>>, vector<16xf32>,
      %parallel_loop3A_151 = arith.constant 48 : i32
      %parallel_loop3A_152 = arith.addi %parallel_loop3A_122, %parallel_loop3A_151 : i32
      %parallel_loop3A_153 = arith.index_cast %parallel_loop3A_152 : i32 to index
      %parallel_loop3A_154 = tpu.vector_load %arg8[%parallel_loop3A_153] {strides = array<i32>} : memref<49152xf32, #tpu.memory_space<vmem>>, vector<16xf32>,
      tpu.vector_store %arg8[%parallel_loop3A_153], %parallel_loop3A_150 {strides = array<i32>} : memref<49152xf32, #tpu.memory_space<vmem>>, vector<16xf32>,
      %parallel_loop3A_155 = arith.constant 64 : i32
      %parallel_loop3A_156 = arith.addi %parallel_loop3A_120, %parallel_loop3A_155 : i32
      %parallel_loop3A_157 = arith.index_cast %parallel_loop3A_156 : i32 to index
      %parallel_loop3A_158 = tpu.vector_load %arg5[%parallel_loop3A_157] {strides = array<i32>} : memref<12800xf32, #tpu.memory_space<vmem>>, vector<16xf32>,
      %parallel_loop3A_159 = arith.constant 64 : i32
      %parallel_loop3A_160 = arith.addi %parallel_loop3A_122, %parallel_loop3A_159 : i32
      %parallel_loop3A_161 = arith.index_cast %parallel_loop3A_160 : i32 to index
      %parallel_loop3A_162 = tpu.vector_load %arg8[%parallel_loop3A_161] {strides = array<i32>} : memref<49152xf32, #tpu.memory_space<vmem>>, vector<16xf32>,
      tpu.vector_store %arg8[%parallel_loop3A_161], %parallel_loop3A_158 {strides = array<i32>} : memref<49152xf32, #tpu.memory_space<vmem>>, vector<16xf32>,
      %parallel_loop3A_163 = arith.constant 80 : i32
      %parallel_loop3A_164 = arith.addi %parallel_loop3A_120, %parallel_loop3A_163 : i32
      %parallel_loop3A_165 = arith.index_cast %parallel_loop3A_164 : i32 to index
      %parallel_loop3A_166 = tpu.vector_load %arg5[%parallel_loop3A_165] {strides = array<i32>} : memref<12800xf32, #tpu.memory_space<vmem>>, vector<16xf32>,
      %parallel_loop3A_167 = arith.constant 80 : i32
      %parallel_loop3A_168 = arith.addi %parallel_loop3A_122, %parallel_loop3A_167 : i32
      %parallel_loop3A_169 = arith.index_cast %parallel_loop3A_168 : i32 to index
      %parallel_loop3A_170 = tpu.vector_load %arg8[%parallel_loop3A_169] {strides = array<i32>} : memref<49152xf32, #tpu.memory_space<vmem>>, vector<16xf32>,
      tpu.vector_store %arg8[%parallel_loop3A_169], %parallel_loop3A_166 {strides = array<i32>} : memref<49152xf32, #tpu.memory_space<vmem>>, vector<16xf32>,
      %parallel_loop3A_171 = arith.constant 96 : i32
      %parallel_loop3A_172 = arith.addi %parallel_loop3A_120, %parallel_loop3A_171 : i32
      %parallel_loop3A_173 = arith.index_cast %parallel_loop3A_172 : i32 to index
      %parallel_loop3A_174 = tpu.vector_load %arg5[%parallel_loop3A_173] {strides = array<i32>} : memref<12800xf32, #tpu.memory_space<vmem>>, vector<16xf32>,
      %parallel_loop3A_175 = arith.constant 96 : i32
      %parallel_loop3A_176 = arith.addi %parallel_loop3A_122, %parallel_loop3A_175 : i32
      %parallel_loop3A_177 = arith.index_cast %parallel_loop3A_176 : i32 to index
      %parallel_loop3A_178 = tpu.vector_load %arg8[%parallel_loop3A_177] {strides = array<i32>} : memref<49152xf32, #tpu.memory_space<vmem>>, vector<16xf32>,
      tpu.vector_store %arg8[%parallel_loop3A_177], %parallel_loop3A_174 {strides = array<i32>} : memref<49152xf32, #tpu.memory_space<vmem>>, vector<16xf32>,
      %parallel_loop3A_179 = arith.constant 112 : i32
      %parallel_loop3A_180 = arith.addi %parallel_loop3A_120, %parallel_loop3A_179 : i32
      %parallel_loop3A_181 = arith.index_cast %parallel_loop3A_180 : i32 to index
      %parallel_loop3A_182 = tpu.vector_load %arg5[%parallel_loop3A_181] {strides = array<i32>} : memref<12800xf32, #tpu.memory_space<vmem>>, vector<16xf32>,
      %parallel_loop3A_183 = arith.constant 112 : i32
      %parallel_loop3A_184 = arith.addi %parallel_loop3A_122, %parallel_loop3A_183 : i32
      %parallel_loop3A_185 = arith.index_cast %parallel_loop3A_184 : i32 to index
      %parallel_loop3A_186 = tpu.vector_load %arg8[%parallel_loop3A_185] {strides = array<i32>} : memref<49152xf32, #tpu.memory_space<vmem>>, vector<16xf32>,
      tpu.vector_store %arg8[%parallel_loop3A_185], %parallel_loop3A_182 {strides = array<i32>} : memref<49152xf32, #tpu.memory_space<vmem>>, vector<16xf32>,
    } {sc.loop_unroll_factor = 2 : i64, sc.parallel_access}
    %add3A_84 = arith.constant 2688 : i32
    %add3A_85 = arith.addi %mul3A_2, %add3A_84 : i32
    %mul3A_86 = arith.constant 128 : i32
    %mul3A_87 = arith.muli %add3A_85, %mul3A_86 : i32
    %lt3A_88 = arith.constant 31 : i32
    %lt3A_89 = arith.cmpi slt, %add3A, %lt3A_88 : i32
    %convert_element_type3A_90 = arith.extui %lt3A_89 : i1 to i32
    %cond3A_91 = arith.constant 0 : i32
    %cond3A_92 = arith.cmpi ne, %convert_element_type3A_90, %cond3A_91 : i32
    scf.if %cond3A_92 {
      "tpu.region"() ({
        %run_scoped3A = tpu.sem_alloc : memref<!tpu.dma_semaphore, #tpu.memory_space<semaphore_mem>>
        %dma_start3A_112 = tpu.memref_slice %arg4[%mul3A_87] : memref<12800000xf32, #tpu.memory_space<hbm>> -> memref<49152xf32, #tpu.memory_space<hbm>>
        %dma_start3A_113 = tpu.memref_slice %arg4[%mul3A_87] : memref<12800000xf32, #tpu.memory_space<hbm>> -> memref<49152xf32, #tpu.memory_space<hbm>>
        tpu.enqueue_dma source(%arg8 : memref<49152xf32, #tpu.memory_space<vmem>>) target(%dma_start3A_113 : memref<49152xf32, #tpu.memory_space<hbm>>) target_semaphore(%run_scoped3A : memref<!tpu.dma_semaphore, #tpu.memory_space<semaphore_mem>>)
        %dma_wait3A_114 = tpu.memref_slice %arg4[%mul3A_87] : memref<12800000xf32, #tpu.memory_space<hbm>> -> memref<49152xf32, #tpu.memory_space<hbm>>
        %dma_wait3A_115 = tpu.memref_slice %arg4[%mul3A_87] : memref<12800000xf32, #tpu.memory_space<hbm>> -> memref<49152xf32, #tpu.memory_space<hbm>>
        tpu.wait_dma2 semaphore(%run_scoped3A : memref<!tpu.dma_semaphore, #tpu.memory_space<semaphore_mem>>) src(%arg8 : memref<49152xf32, #tpu.memory_space<vmem>>) dst(%dma_wait3A_115 : memref<49152xf32, #tpu.memory_space<hbm>>)
        tpu.yield
      }) : () -> ()
    } else {
    }
    %eq3A_93 = arith.constant 31 : i32
    %eq3A_94 = arith.cmpi eq, %add3A, %eq3A_93 : i32
    %convert_element_type3A_95 = arith.extui %eq3A_94 : i1 to i32
    %cond3A_96 = arith.constant 0 : i32
    %cond3A_97 = arith.cmpi ne, %convert_element_type3A_95, %cond3A_96 : i32
    scf.if %cond3A_97 {
      %add3A_112 = arith.constant 2688 : i32
      %add3A_113 = arith.addi %mul3A_2, %add3A_112 : i32
      %mul3A_114 = arith.constant 128 : i32
      %mul3A_115 = arith.muli %add3A_113, %mul3A_114 : i32
      "tpu.region"() ({
        %run_scoped3A = tpu.sem_alloc : memref<!tpu.dma_semaphore, #tpu.memory_space<semaphore_mem>>
        %dma_start3A_116 = arith.constant 0 : i32
        %dma_start3A_117 = tpu.memref_slice %arg8[%dma_start3A_116] : memref<49152xf32, #tpu.memory_space<vmem>> -> memref<12288xf32, #tpu.memory_space<vmem>>
        %dma_start3A_118 = tpu.memref_slice %arg4[%mul3A_115] : memref<12800000xf32, #tpu.memory_space<hbm>> -> memref<12288xf32, #tpu.memory_space<hbm>>
        %dma_start3A_119 = tpu.memref_slice %arg4[%mul3A_115] : memref<12800000xf32, #tpu.memory_space<hbm>> -> memref<12288xf32, #tpu.memory_space<hbm>>
        %dma_start3A_120 = arith.constant 0 : i32
        %dma_start3A_121 = tpu.memref_slice %arg8[%dma_start3A_120] : memref<49152xf32, #tpu.memory_space<vmem>> -> memref<12288xf32, #tpu.memory_space<vmem>>
        tpu.enqueue_dma source(%dma_start3A_121 : memref<12288xf32, #tpu.memory_space<vmem>>) target(%dma_start3A_119 : memref<12288xf32, #tpu.memory_space<hbm>>) target_semaphore(%run_scoped3A : memref<!tpu.dma_semaphore, #tpu.memory_space<semaphore_mem>>)
        %dma_wait3A_122 = arith.constant 0 : i32
        %dma_wait3A_123 = tpu.memref_slice %arg8[%dma_wait3A_122] : memref<49152xf32, #tpu.memory_space<vmem>> -> memref<12288xf32, #tpu.memory_space<vmem>>
        %dma_wait3A_124 = tpu.memref_slice %arg4[%mul3A_115] : memref<12800000xf32, #tpu.memory_space<hbm>> -> memref<12288xf32, #tpu.memory_space<hbm>>
        %dma_wait3A_125 = tpu.memref_slice %arg4[%mul3A_115] : memref<12800000xf32, #tpu.memory_space<hbm>> -> memref<12288xf32, #tpu.memory_space<hbm>>
        %dma_wait3A_126 = arith.constant 0 : i32
        %dma_wait3A_127 = tpu.memref_slice %arg8[%dma_wait3A_126] : memref<49152xf32, #tpu.memory_space<vmem>> -> memref<12288xf32, #tpu.memory_space<vmem>>
        tpu.wait_dma2 semaphore(%run_scoped3A : memref<!tpu.dma_semaphore, #tpu.memory_space<semaphore_mem>>) src(%dma_wait3A_127 : memref<12288xf32, #tpu.memory_space<vmem>>) dst(%dma_wait3A_125 : memref<12288xf32, #tpu.memory_space<hbm>>)
        tpu.yield
      }) : () -> ()
    } else {
    }
    %dma_wait3A_98 = tpu.memref_slice %arg4[%mul3A_76] : memref<12800000xf32, #tpu.memory_space<hbm>> -> memref<49152xf32, #tpu.memory_space<hbm>>
    %dma_wait3A_99 = tpu.memref_slice %arg4[%mul3A_76] : memref<12800000xf32, #tpu.memory_space<hbm>> -> memref<49152xf32, #tpu.memory_space<hbm>>
    tpu.wait_dma2 semaphore(%arg11 : memref<!tpu.dma_semaphore, #tpu.memory_space<semaphore_mem>>) src(%arg7 : memref<49152xf32, #tpu.memory_space<vmem>>) dst(%dma_wait3A_99 : memref<49152xf32, #tpu.memory_space<hbm>>)
    %parallel_loop3A_100 = arith.constant 0 : i32
    %parallel_loop3A_101 = arith.constant 64 : i32
    %parallel_loop3A_102 = arith.constant 1 : i32
    scf.for %parallel_loop3A_112 = %parallel_loop3A_100 to %parallel_loop3A_101 step %parallel_loop3A_102  : i32 {
      %parallel_loop3A_113 = arith.constant 3072 : i32
      %parallel_loop3A_114 = arith.addi %parallel_loop3A_113, %parallel_loop3A_112 : i32
      %parallel_loop3A_115 = arith.index_cast %parallel_loop3A_114 : i32 to index
      %parallel_loop3A_116 = tpu.vector_load %arg6[%parallel_loop3A_115] {strides = array<i32>} : memref<3152xi32, #tpu.memory_space<vmem>>, vector<16xi32>,
      %parallel_loop3A_117 = vector.extract_strided_slice %parallel_loop3A_116 {offsets = [0], sizes = [1], strides = [1]} : vector<16xi32> to vector<1xi32>
      %parallel_loop3A_118 = vector.extract %parallel_loop3A_117[0] : i32 from vector<1xi32>
      %parallel_loop3A_119 = arith.constant 128 : i32
      %parallel_loop3A_120 = arith.muli %parallel_loop3A_118, %parallel_loop3A_119 : i32
      %parallel_loop3A_121 = arith.constant 128 : i32
      %parallel_loop3A_122 = arith.muli %parallel_loop3A_112, %parallel_loop3A_121 : i32
      %parallel_loop3A_123 = arith.constant 0 : i32
      %parallel_loop3A_124 = arith.addi %parallel_loop3A_120, %parallel_loop3A_123 : i32
      %parallel_loop3A_125 = arith.index_cast %parallel_loop3A_124 : i32 to index
      %parallel_loop3A_126 = tpu.vector_load %arg5[%parallel_loop3A_125] {strides = array<i32>} : memref<12800xf32, #tpu.memory_space<vmem>>, vector<16xf32>,
      %parallel_loop3A_127 = arith.constant 0 : i32
      %parallel_loop3A_128 = arith.addi %parallel_loop3A_122, %parallel_loop3A_127 : i32
      %parallel_loop3A_129 = arith.index_cast %parallel_loop3A_128 : i32 to index
      %parallel_loop3A_130 = tpu.vector_load %arg7[%parallel_loop3A_129] {strides = array<i32>} : memref<49152xf32, #tpu.memory_space<vmem>>, vector<16xf32>,
      tpu.vector_store %arg7[%parallel_loop3A_129], %parallel_loop3A_126 {strides = array<i32>} : memref<49152xf32, #tpu.memory_space<vmem>>, vector<16xf32>,
      %parallel_loop3A_131 = arith.constant 16 : i32
      %parallel_loop3A_132 = arith.addi %parallel_loop3A_120, %parallel_loop3A_131 : i32
      %parallel_loop3A_133 = arith.index_cast %parallel_loop3A_132 : i32 to index
      %parallel_loop3A_134 = tpu.vector_load %arg5[%parallel_loop3A_133] {strides = array<i32>} : memref<12800xf32, #tpu.memory_space<vmem>>, vector<16xf32>,
      %parallel_loop3A_135 = arith.constant 16 : i32
      %parallel_loop3A_136 = arith.addi %parallel_loop3A_122, %parallel_loop3A_135 : i32
      %parallel_loop3A_137 = arith.index_cast %parallel_loop3A_136 : i32 to index
      %parallel_loop3A_138 = tpu.vector_load %arg7[%parallel_loop3A_137] {strides = array<i32>} : memref<49152xf32, #tpu.memory_space<vmem>>, vector<16xf32>,
      tpu.vector_store %arg7[%parallel_loop3A_137], %parallel_loop3A_134 {strides = array<i32>} : memref<49152xf32, #tpu.memory_space<vmem>>, vector<16xf32>,
      %parallel_loop3A_139 = arith.constant 32 : i32
      %parallel_loop3A_140 = arith.addi %parallel_loop3A_120, %parallel_loop3A_139 : i32
      %parallel_loop3A_141 = arith.index_cast %parallel_loop3A_140 : i32 to index
      %parallel_loop3A_142 = tpu.vector_load %arg5[%parallel_loop3A_141] {strides = array<i32>} : memref<12800xf32, #tpu.memory_space<vmem>>, vector<16xf32>,
      %parallel_loop3A_143 = arith.constant 32 : i32
      %parallel_loop3A_144 = arith.addi %parallel_loop3A_122, %parallel_loop3A_143 : i32
      %parallel_loop3A_145 = arith.index_cast %parallel_loop3A_144 : i32 to index
      %parallel_loop3A_146 = tpu.vector_load %arg7[%parallel_loop3A_145] {strides = array<i32>} : memref<49152xf32, #tpu.memory_space<vmem>>, vector<16xf32>,
      tpu.vector_store %arg7[%parallel_loop3A_145], %parallel_loop3A_142 {strides = array<i32>} : memref<49152xf32, #tpu.memory_space<vmem>>, vector<16xf32>,
      %parallel_loop3A_147 = arith.constant 48 : i32
      %parallel_loop3A_148 = arith.addi %parallel_loop3A_120, %parallel_loop3A_147 : i32
      %parallel_loop3A_149 = arith.index_cast %parallel_loop3A_148 : i32 to index
      %parallel_loop3A_150 = tpu.vector_load %arg5[%parallel_loop3A_149] {strides = array<i32>} : memref<12800xf32, #tpu.memory_space<vmem>>, vector<16xf32>,
      %parallel_loop3A_151 = arith.constant 48 : i32
      %parallel_loop3A_152 = arith.addi %parallel_loop3A_122, %parallel_loop3A_151 : i32
      %parallel_loop3A_153 = arith.index_cast %parallel_loop3A_152 : i32 to index
      %parallel_loop3A_154 = tpu.vector_load %arg7[%parallel_loop3A_153] {strides = array<i32>} : memref<49152xf32, #tpu.memory_space<vmem>>, vector<16xf32>,
      tpu.vector_store %arg7[%parallel_loop3A_153], %parallel_loop3A_150 {strides = array<i32>} : memref<49152xf32, #tpu.memory_space<vmem>>, vector<16xf32>,
      %parallel_loop3A_155 = arith.constant 64 : i32
      %parallel_loop3A_156 = arith.addi %parallel_loop3A_120, %parallel_loop3A_155 : i32
      %parallel_loop3A_157 = arith.index_cast %parallel_loop3A_156 : i32 to index
      %parallel_loop3A_158 = tpu.vector_load %arg5[%parallel_loop3A_157] {strides = array<i32>} : memref<12800xf32, #tpu.memory_space<vmem>>, vector<16xf32>,
      %parallel_loop3A_159 = arith.constant 64 : i32
      %parallel_loop3A_160 = arith.addi %parallel_loop3A_122, %parallel_loop3A_159 : i32
      %parallel_loop3A_161 = arith.index_cast %parallel_loop3A_160 : i32 to index
      %parallel_loop3A_162 = tpu.vector_load %arg7[%parallel_loop3A_161] {strides = array<i32>} : memref<49152xf32, #tpu.memory_space<vmem>>, vector<16xf32>,
      tpu.vector_store %arg7[%parallel_loop3A_161], %parallel_loop3A_158 {strides = array<i32>} : memref<49152xf32, #tpu.memory_space<vmem>>, vector<16xf32>,
      %parallel_loop3A_163 = arith.constant 80 : i32
      %parallel_loop3A_164 = arith.addi %parallel_loop3A_120, %parallel_loop3A_163 : i32
      %parallel_loop3A_165 = arith.index_cast %parallel_loop3A_164 : i32 to index
      %parallel_loop3A_166 = tpu.vector_load %arg5[%parallel_loop3A_165] {strides = array<i32>} : memref<12800xf32, #tpu.memory_space<vmem>>, vector<16xf32>,
      %parallel_loop3A_167 = arith.constant 80 : i32
      %parallel_loop3A_168 = arith.addi %parallel_loop3A_122, %parallel_loop3A_167 : i32
      %parallel_loop3A_169 = arith.index_cast %parallel_loop3A_168 : i32 to index
      %parallel_loop3A_170 = tpu.vector_load %arg7[%parallel_loop3A_169] {strides = array<i32>} : memref<49152xf32, #tpu.memory_space<vmem>>, vector<16xf32>,
      tpu.vector_store %arg7[%parallel_loop3A_169], %parallel_loop3A_166 {strides = array<i32>} : memref<49152xf32, #tpu.memory_space<vmem>>, vector<16xf32>,
      %parallel_loop3A_171 = arith.constant 96 : i32
      %parallel_loop3A_172 = arith.addi %parallel_loop3A_120, %parallel_loop3A_171 : i32
      %parallel_loop3A_173 = arith.index_cast %parallel_loop3A_172 : i32 to index
      %parallel_loop3A_174 = tpu.vector_load %arg5[%parallel_loop3A_173] {strides = array<i32>} : memref<12800xf32, #tpu.memory_space<vmem>>, vector<16xf32>,
      %parallel_loop3A_175 = arith.constant 96 : i32
      %parallel_loop3A_176 = arith.addi %parallel_loop3A_122, %parallel_loop3A_175 : i32
      %parallel_loop3A_177 = arith.index_cast %parallel_loop3A_176 : i32 to index
      %parallel_loop3A_178 = tpu.vector_load %arg7[%parallel_loop3A_177] {strides = array<i32>} : memref<49152xf32, #tpu.memory_space<vmem>>, vector<16xf32>,
      tpu.vector_store %arg7[%parallel_loop3A_177], %parallel_loop3A_174 {strides = array<i32>} : memref<49152xf32, #tpu.memory_space<vmem>>, vector<16xf32>,
      %parallel_loop3A_179 = arith.constant 112 : i32
      %parallel_loop3A_180 = arith.addi %parallel_loop3A_120, %parallel_loop3A_179 : i32
      %parallel_loop3A_181 = arith.index_cast %parallel_loop3A_180 : i32 to index
      %parallel_loop3A_182 = tpu.vector_load %arg5[%parallel_loop3A_181] {strides = array<i32>} : memref<12800xf32, #tpu.memory_space<vmem>>, vector<16xf32>,
      %parallel_loop3A_183 = arith.constant 112 : i32
      %parallel_loop3A_184 = arith.addi %parallel_loop3A_122, %parallel_loop3A_183 : i32
      %parallel_loop3A_185 = arith.index_cast %parallel_loop3A_184 : i32 to index
      %parallel_loop3A_186 = tpu.vector_load %arg7[%parallel_loop3A_185] {strides = array<i32>} : memref<49152xf32, #tpu.memory_space<vmem>>, vector<16xf32>,
      tpu.vector_store %arg7[%parallel_loop3A_185], %parallel_loop3A_182 {strides = array<i32>} : memref<49152xf32, #tpu.memory_space<vmem>>, vector<16xf32>,
    } {sc.loop_unroll_factor = 2 : i64, sc.parallel_access}
    %add3A_103 = arith.constant 3072 : i32
    %add3A_104 = arith.addi %mul3A_2, %add3A_103 : i32
    %mul3A_105 = arith.constant 128 : i32
    %mul3A_106 = arith.muli %add3A_104, %mul3A_105 : i32
    %lt3A_107 = arith.constant 31 : i32
    %lt3A_108 = arith.cmpi slt, %add3A, %lt3A_107 : i32
    %convert_element_type3A_109 = arith.extui %lt3A_108 : i1 to i32
    %cond3A_110 = arith.constant 0 : i32
    %cond3A_111 = arith.cmpi ne, %convert_element_type3A_109, %cond3A_110 : i32
    scf.if %cond3A_111 {
      "tpu.region"() ({
        %run_scoped3A = tpu.sem_alloc : memref<!tpu.dma_semaphore, #tpu.memory_space<semaphore_mem>>
        %dma_start3A_112 = arith.constant 0 : i32
        %dma_start3A_113 = tpu.memref_slice %arg7[%dma_start3A_112] : memref<49152xf32, #tpu.memory_space<vmem>> -> memref<8192xf32, #tpu.memory_space<vmem>>
        %dma_start3A_114 = tpu.memref_slice %arg4[%mul3A_106] : memref<12800000xf32, #tpu.memory_space<hbm>> -> memref<8192xf32, #tpu.memory_space<hbm>>
        %dma_start3A_115 = tpu.memref_slice %arg4[%mul3A_106] : memref<12800000xf32, #tpu.memory_space<hbm>> -> memref<8192xf32, #tpu.memory_space<hbm>>
        %dma_start3A_116 = arith.constant 0 : i32
        %dma_start3A_117 = tpu.memref_slice %arg7[%dma_start3A_116] : memref<49152xf32, #tpu.memory_space<vmem>> -> memref<8192xf32, #tpu.memory_space<vmem>>
        tpu.enqueue_dma source(%dma_start3A_117 : memref<8192xf32, #tpu.memory_space<vmem>>) target(%dma_start3A_115 : memref<8192xf32, #tpu.memory_space<hbm>>) target_semaphore(%run_scoped3A : memref<!tpu.dma_semaphore, #tpu.memory_space<semaphore_mem>>)
        %dma_wait3A_118 = arith.constant 0 : i32
        %dma_wait3A_119 = tpu.memref_slice %arg7[%dma_wait3A_118] : memref<49152xf32, #tpu.memory_space<vmem>> -> memref<8192xf32, #tpu.memory_space<vmem>>
        %dma_wait3A_120 = tpu.memref_slice %arg4[%mul3A_106] : memref<12800000xf32, #tpu.memory_space<hbm>> -> memref<8192xf32, #tpu.memory_space<hbm>>
        %dma_wait3A_121 = tpu.memref_slice %arg4[%mul3A_106] : memref<12800000xf32, #tpu.memory_space<hbm>> -> memref<8192xf32, #tpu.memory_space<hbm>>
        %dma_wait3A_122 = arith.constant 0 : i32
        %dma_wait3A_123 = tpu.memref_slice %arg7[%dma_wait3A_122] : memref<49152xf32, #tpu.memory_space<vmem>> -> memref<8192xf32, #tpu.memory_space<vmem>>
        tpu.wait_dma2 semaphore(%run_scoped3A : memref<!tpu.dma_semaphore, #tpu.memory_space<semaphore_mem>>) src(%dma_wait3A_123 : memref<8192xf32, #tpu.memory_space<vmem>>) dst(%dma_wait3A_121 : memref<8192xf32, #tpu.memory_space<hbm>>)
        tpu.yield
      }) : () -> ()
    } else {
    }
    return
  }
}

</mosaic_0001>

<sc_bundles>
// kernel: kernel.3.cloned.1.call-start
scs
__scs_entry_jumppad:
0x0: {  	(pc) =	sbr.rel $0x88, $3  }
0x1: {  	(tag) =	ssettag $0x0;
	lr =	simm.s32 $0x1  }
0x2: {  	[smem:$0x3F9F] =	sst lr;
	_ =	strace $0xD0000000  }
0x3: {  	_ = 	snop  }
0x4: {  	_ = 	snop  }
0x5: {  	_ = 	snop  }
0x6: {  	_ = 	snop  }
0x7: {  	_ = 	snop  }
__scs_overlays_trampoline_lowered:
0x8: {  	[smem:$0x3FAE] =	sst s0  }
0x9: {  	[smem:$0x3FAF] =	sst s1  }
0xa: {  	[smem:$0x3FB0] =	sst s2  }
0xb: {  	[smem:$0x3FB1] =	sst s3  }
0xc: {  	[smem:$0x3FB2] =	sst s4  }
0xd: {  	[smem:$0x3FB3] =	sst s5  }
0xe: {  	[smem:$0x3FB4] =	sst s6  }
0xf: {  	[smem:$0x3FB5] =	sst s7  }
0x10: {  	[smem:$0x3FB6] =	sst s8  }
0x11: {  	[smem:$0x3FB7] =	sst s9;
	s0 =	simm.s32 @!p0 $0x0  }
0x12: {  	s1 =	sld [smem:$0x3F9D];
	s0 =	simm.s32 @p0 $0x1  }
0x13: {  	[smem:$0x3FB8] =	sst s0;
	s0 =	simm.s32 @!p1 $0x0  }
0x14: {  	s2 =	sld [smem:$0x3F9C];
	s0 =	simm.s32 @p1 $0x1  }
0x15: {  	[smem:$0x3FB9] =	sst s0;
	s0 =	simm.s32 @!p2 $0x0  }
0x16: {  	s3 =	sld [smem:$0x3FDB];
	s0 =	simm.s32 @p2 $0x1  }
0x17: {  	s4 =	simm.s32 $0x1BF5;
	[smem:$0x3FBB] =	sst s0  }
0x18: {  	s0 =	sld [smem:$0x3F9E];
	_ =	swait.ge [sflag:s4], $0x0  }
0x19: {  	s7 =	sld [smem:$0x3F9F]  }
0x1a: {  	s8 =	sadd.s32 $0xFFFFE003, lr  }
0x1b: {  	s9 =	sadd.s32 $0xFFFFFEF7, lr;
	s5 =	simm.s32 $0xFFFFFFFF;
	p2 =	slt.u32 s8, $0xFFFFF086  }
0x1c: {  	p1 =	slt.u32 s9, $0xF7A;
	s5 =	simm.s32 @!p2 $0x0  }
0x1d: {  	s5 =	simm.s32 @p1 $0x1;
	p0 =	seq.s32 s7, s2  }
0x1e: {  	s7 =	smul.u32 @!p0 $0xF7A, s2;
	p2 =	seq.s32 @!p0 s5, $0x0  }
0x1f: {  	s9 =	smul.u32 $0xF7A, s1;
	s8 =	simm.s32 @!p0 $0x1BF5;
	p2 =	por !p2, p0  }
0x20: {  	[sflag:s8] =	ssyncset.s32 @!p0 $0xFFFFF086;
	s6 =	sadd.s32 @!p0 s3, s7;
	s7 =	simm.s32 @!p0 $0x108  }
0x21: {  	s3 =	sadd.s32 s3, s9;
	s6 =	sadd.s32 @!p0 $0x88, s6;
	s7 =	simm.s32 @p2 $0x1082  }
0x22: {  	[simem:s7], [sflag:s8] =	dma.local @!p0 [hbm:s6], $0xF7A  }
0x23: {  	s9 =	sor.u32 $0xD0000000, s2;
	s6 =	simm.s32 $0x108;
	_ =	swait.ge @!p0 [sflag:s8], $0x0  }
0x24: {  	s3 =	sadd.s32 $0x88, s3;
	s6 =	simm.s32 @!p1 $0x1082;
	[sflag:s4] =	ssyncset.s32 $0xFFFFF086  }
0x25: {  	[simem:s6], [sflag:s4] =	dma.local [hbm:s3], $0xF7A  }
0x26: {  	[smem:$0x3F9F] =	sst s1;
	(tag) =	ssettag s2;
	_ =	strace s9  }
0x27: {  	s1 =	sld [smem:$0x3FAF]  }
0x28: {  	s2 =	sld [smem:$0x3FB0]  }
0x29: {  	s4 =	sld [smem:$0x3FB2]  }
0x2a: {  	p0 =	seq.s32 s5, $0x0;
	s5 =	sld [smem:$0x3FB3]  }
0x2b: {  	s6 =	sld [smem:$0x3FB4]  }
0x2c: {  	s7 =	sld [smem:$0x3FB5]  }
0x2d: {  	s3 =	simm.s32 $0x108;
	s8 =	sld [smem:$0x3FB6]  }
0x2e: {  	s3 =	simm.s32 @!p0 $0x1082;
	s9 =	sld [smem:$0x3FB7]  }
0x2f: {  	lr =	sadd.s32 s0, s3;
	s0 =	sld [smem:$0x3FAE]  }
0x30: {  	s3 =	sld [smem:$0x3FB1]  }
0x31: {  	[smem:$0x3FBA] =	sst s10  }
0x32: {  	s10 =	sld [smem:$0x3FB8];
	_ =	sdelay $0x3  }
0x33: {  	p0 =	seq.s32 s10, $0x1;
	s10 =	sld [smem:$0x3FBA];
	_ =	sdelay $0x3  }
0x34: {  	[smem:$0x3FBA] =	sst s10  }
0x35: {  	s10 =	sld [smem:$0x3FB9];
	_ =	sdelay $0x3  }
0x36: {  	p1 =	seq.s32 s10, $0x1;
	s10 =	sld [smem:$0x3FBA];
	_ =	sdelay $0x3  }
0x37: {  	[smem:$0x3FBA] =	sst s10  }
0x38: {  	s10 =	sld [smem:$0x3FBB]  }
0x39: {  	_ = 	snop;
	(pc) =	sbr.ind lr, $3  }
0x3a: {  	_ = 	snop  }
0x3b: {  	_ = 	snop  }
0x3c: {  	p2 =	seq.s32 s10, $0x1;
	s10 =	sld [smem:$0x3FBA]  }
0x3d: {  	_ =	shalt  }
0x3e: {  	_ =	shalt  }
0x3f: {  	_ =	shalt  }
0x40: {  	_ =	shalt  }
0x41: {  	_ =	shalt  }
0x42: {  	_ =	shalt  }
0x43: {  	_ =	shalt  }
0x44: {  	_ =	shalt  }
0x45: {  	_ =	shalt  }
0x46: {  	_ =	shalt  }
0x47: {  	_ =	shalt  }
0x48: {  	_ =	shalt  }
0x49: {  	_ =	shalt  }
0x4a: {  	_ =	shalt  }
0x4b: {  	_ =	shalt  }
0x4c: {  	_ =	shalt  }
0x4d: {  	_ =	shalt  }
0x4e: {  	_ =	shalt  }
0x4f: {  	_ =	shalt  }
0x50: {  	_ =	shalt  }
0x51: {  	_ =	shalt  }
0x52: {  	_ =	shalt  }
0x53: {  	_ =	shalt  }
0x54: {  	_ =	shalt  }
0x55: {  	_ =	shalt  }
0x56: {  	_ =	shalt  }
0x57: {  	_ =	shalt  }
0x58: {  	_ =	shalt  }
0x59: {  	_ =	shalt  }
0x5a: {  	_ =	shalt  }
0x5b: {  	_ =	shalt  }
0x5c: {  	_ =	shalt  }
0x5d: {  	_ =	shalt  }
0x5e: {  	_ =	shalt  }
0x5f: {  	_ =	shalt  }
0x60: {  	_ =	shalt  }
0x61: {  	_ =	shalt  }
0x62: {  	_ =	shalt  }
0x63: {  	_ =	shalt  }
0x64: {  	_ =	shalt  }
0x65: {  	_ =	shalt  }
0x66: {  	_ =	shalt  }
0x67: {  	_ =	shalt  }
0x68: {  	_ =	shalt  }
0x69: {  	_ =	shalt  }
0x6a: {  	_ =	shalt  }
0x6b: {  	_ =	shalt  }
0x6c: {  	_ =	shalt  }
0x6d: {  	_ =	shalt  }
0x6e: {  	_ =	shalt  }
0x6f: {  	_ =	shalt  }
0x70: {  	_ =	shalt  }
0x71: {  	_ =	shalt  }
0x72: {  	_ =	shalt  }
0x73: {  	_ =	shalt  }
0x74: {  	_ =	shalt  }
0x75: {  	_ =	shalt  }
0x76: {  	_ =	shalt  }
0x77: {  	_ =	shalt  }
0x78: {  	_ =	shalt  }
0x79: {  	_ =	shalt  }
0x7a: {  	_ =	shalt  }
0x7b: {  	_ =	shalt  }
0x7c: {  	_ =	shalt  }
0x7d: {  	_ =	shalt  }
0x7e: {  	_ =	shalt  }
0x7f: {  	_ =	shalt  }
0x80: {  	_ =	shalt  }
0x81: {  	_ =	shalt  }
0x82: {  	_ =	shalt  }
0x83: {  	_ =	shalt  }
0x84: {  	_ =	shalt  }
0x85: {  	_ =	shalt  }
0x86: {  	_ =	shalt  }
0x87: {  	_ =	shalt  }
.Lfunc_end0:
.L_simem_size_0:
called_computation_lowered:
.L_overlay_start_0:
0x88: {  	s2 =	sld [smem:$0x3FD9]  }
0x89: {  	s3 =	sld [smem:$0x3FFE];
	_ =	sdelay $0x1  }
0x8a: {  	s1 =	srdreg.scid  }
0x8b: {  	s0 =	sand.u32 $0x1, s1  }
0x8c: {  	s18 =	sshll.u32 s0, $0xA;
	s2 =	sadd.s32 s3, s2  }
0x8d: {  	s2 =	sadd.s32 s2, s18  }
0x8e: {  	[smem:$0x3FC6] =	sst s2  }
0x8f: {  	_ = 	snop  }
0x90: {  	s2 =	sld [smem:$0x3FC9]  }
0x91: {  	s19 =	sld [smem:$0x3FC8]  }
0x92: {  	s4 =	sld [smem:$0x3FD0];
	(tm) =	ssettm $0x1  }
0x93: {  	s5 =	sld [smem:$0x3FFB];
	_ =	sdelay $0x3  }
0x94: {  	_ =	strace s5  }
0x95: {  	s5 =	sld [smem:$0x3FFC];
	_ =	sdelay $0x3  }
0x96: {  	_ =	strace s5  }
0x97: {  	s5 =	sld [smem:$0x3FFD];
	_ =	sdelay $0x3  }
0x98: {  	_ =	strace s5  }
0x99: {  	_ =	strace $0x8FFFFFFF  }
0x9a: {  	s20 =	sld [smem:$0x3FDB];
	_ =	sdelay $0x1  }
0x9b: {  	s6 =	simm.s32 $_scs_section_size  }
0x9c: {  	s7 =	simm.s32 $_size__tile_overlayer_lowered;
	s8 =	simm.s32 $_tile_overlayer_lowered  }
0x9d: {  	s23 =	simm.s32 $0x1BFF;
	s22 =	sshll.u32 s8, $0x1;
	s5 =	sadd.s32 s6, s20  }
0x9e: {  	s9 =	simm.s32 $0x0;
	s21 =	sshll.u32 s7, $0x1;
	s7 =	sadd.s32 s22, s5  }
0x9f: {  	[timem:s9], [sflag:s23] =	dma.local [hbm:s7], s21  }
0xa0: {  	_ =	swait.ge [sflag:s23], s21  }
0xa1: {  	s6 =	ssub.s32 $0x0, s21;
	[sflag:s23] =	ssyncset.done $0x0  }
0xa2: {  	[sflag:s23] =	ssyncadd.s32 s6;
	_ =	sdelay $0x1  }
0xa3: {  	s24 =	simm.s32 $0x1B8B  }
0xa4: {  	_ =	swait.ge [sflag:s24], $0x1  }
0xa5: {  	[sflag:s24] =	ssyncset.done $0x0  }
0xa6: {  	s25 =	simm.s32 $0x1B8E;
	[sflag:s24] =	ssyncadd.s32 $0xFFFFFFFF  }
0xa7: {  	s26 =	simm.s32 $execute0_lowered;
	[smem:$0x3FD2] =	sst s25  }
0xa8: {  	s6 =	sshll.u32 s26, $0x1;
	_ =	strace $0x80000046;
	[dreg:$0x1] =	wrdreg $0xFFFFFFFF  }
0xa9: {  	s28 =	simm.s32 $_size_execute0_lowered;
	s5 =	sadd.s32 s5, s6;
	[dreg:$0x0] =	wrdreg $0x0  }
0xaa: {  	s6 =	sshll.u32 s28, $0x1;
	[dreg:$0x2] =	wrdreg s5  }
0xab: {  	[dreg:$0x3] =	wrdreg s6  }
0xac: {  	[dreg:$0x4] =	wrdreg $0xC0  }
0xad: {  	_ =	task [dreg:s9], $0x5FFFF  }
0xae: {  	[dreg:$0x1] =	wrdreg $0xFFFFFFFF  }
0xaf: {  	[dreg:$0x0] =	wrdreg $0x60  }
0xb0: {  	[dreg:$0x2] =	wrdreg s2  }
0xb1: {  	[dreg:$0x3] =	wrdreg s19  }
0xb2: {  	[dreg:$0x4] =	wrdreg s4  }
0xb3: {  	[dreg:$0x5] =	wrdreg $0x9  }
0xb4: {  	_ =	task.clear_ibuf [dreg:s9], $0x6FFFF;
	_ =	strace $0x90000046  }
0xb5: {  	s29 =	simm.s32 $0x9;
	_ =	strace $0x80000048  }
0xb6: {  	_ =	swait.ge [sflag:s29], $0x1  }
0xb7: {  	[sflag:s29] =	ssyncadd.s32 $0xFFFFFFFF  }
0xb8: {  	_ =	strace $0x90000048  }
0xb9: {  	_ =	sfence  }
0xba: {  	s30 =	sld [smem:$0x0];
	_ =	sdelay $0x2  }
0xbb: {  	s31 =	sshll.u32 s1, $0xD;
	s1 =	sshrl.u32 s1, $0x2  }
0xbc: {  	s3 =	sand.u32 $0x4000, s31;
	s1 =	sadd.s32 s1, s30  }
0xbd: {  	s0 =	sor.u32 s3, s0;
	s1 =	sshll.u32 s1, $0x11  }
0xbe: {  	s0 =	sor.u32 s1, s0  }
0xbf: {  	s0 =	sadd.s32 $0x8F2B, s0  }
0xc0: {  	[sflag:s0] =	ssyncadd.remote.s32 $0x1  }
0xc1: {  	_ =	sfence.sel $0xFFFF  }
0xc2: {  	[dreg:$0x0] =	wrdreg $0xFFFFFFFF;
	(pc) =	sbr.abs _section_cstart, $3  }
0xc3: {  	[dreg:$0x1] =	wrdreg $0xFFFFFFFF  }
0xc4: {  	_ =	task.clear_ibuf [dreg:s9], $0x2FFFF;
	_ =	strace $0x9FFFFFFF  }
0xc5: {  	(tm) =	ssettm $0x7FFFFFFF  }
tec
execute0_lowered:
.L_overlay_start_1:
0x0: {  	(tag) =	ssettag $0x1  }
0x1: {  	s0 =	rddreg [dreg:$0x0]  }
0x2: {  	s1 =	srdreg.scid;
	s3 =	stileid.u32  }
0x3: {  	s2 =	rddreg [dreg:$0x2];
	s17 =	simm.s32 $0x1;
	s18 =	simm.s32 $0x3E80  }
0x4: {  	s19 =	simm.s32 $0xFE80;
	s20 =	simm.s32 $0x3;
	s21 =	simm.s32 $0x4  }
0x5: {  	s22 =	simm.s32 $0x0;
	s1 =	sand.u32 $0x1, s1;
	s4 =	sshll.u32 s3, $0x1  }
0x6: {  	s3 =	simm.s32 $0x0;
	s14 =	sadd.s32 $0x186400, s2;
	s4 =	sor.u32 s1, s4  }
0x7: {  	[smem:$0x7FF] =	sst s3;
	s1 =	ssub.s32 $0x2, s1;
	s5 =	smul.u32 $0x62000, s4  }
0x8: {  	_ =	strace $0x80000047;
	s6 =	sshrl.u32 s1, $0x1;
	s7 =	smul.u32 $0x188, s4  }
0x9: {  	s29 =	smul.u32 $0xC400, s4;
	p0 =	seq.s32 s4, $0x1F;
	s1 =	ssub.s32 s1, s6  }
0xa: {  	s8 =	sshrl.u32 s5, $0x3;
	s30 =	sadd.s32 s0, s7;
	s5 =	sadd.s32 $0x2F78, s0  }
0xb: {  	s6 =	sadd.s32 s2, s29;
	s16 =	smax.u32 s1, $0x1;
	s31 =	sadd.s32 s2, s8  }
0xc: {  	[dreg:$0x4] =	wrdreg s30;
	s7 =	sadd.s32 $0x1800, s31;
	s8 =	sadd.s32 $0x3000, s31  }
0xd: {  	s9 =	sadd.s32 $0x4800, s31;
	s10 =	sadd.s32 $0x6000, s31;
	s11 =	sadd.s32 $0x7800, s31  }
0xe: {  	s12 =	sadd.s32 $0x9000, s31;
	s13 =	sadd.s32 $0xA800, s31;
	s15 =	sadd.s32 $0xC000, s31  }
.LBB2_1:
0xf: {  	s0 =	rddreg [dreg:$0x1]  }
0x10: {  	[tilespmem:s3], [sflag:$0x1] =	stream.linear.gather [hbm4b:s0+s3], $0x3200, $0x38;
	[tilespmem:$0x1BE80] =	vst v63  }
0x11: {  	s1 =	simm.s32 @p0 $0x3200;
	s0 =	simm.s32 @p0 $0x0  }
0x12: {  	[tilespmem:s1], [sflag:$0x2] =	stream.linear.gather @p0 [hbm4b:s5+s0], $0xAE0, $0x38;
	[tilespmem:$0x1BE80] =	vst v63  }
0x13: {  	s0 =	simm.s32 @p0 $0x2  }
0x14: {  	_ =	swait.ge @p0 [sflag:s0], $0xAE0  }
0x15: {  	[sflag:s0] =	ssyncset.done @p0 $0x0  }
0x16: {  	v0 =	vimm.s32 @p0 $0x0;
	[sflag:s0] =	ssyncadd.s32 @p0 $0xFFFFF520  }
0x17: {  	[tilespmem:$0x3CE0] =	vst @p0 v0  }
0x18: {  	[tilespmem:$0x3CF0] =	vst @p0 v0  }
0x19: {  	[tilespmem:$0x3D00] =	vst @p0 v0  }
0x1a: {  	[tilespmem:$0x3D10] =	vst @p0 v0  }
0x1b: {  	[tilespmem:$0x3D20] =	vst @p0 v0  }
0x1c: {  	[tilespmem:$0x3D30] =	vst @p0 v0  }
0x1d: {  	[tilespmem:$0x3D40] =	vst @p0 v0  }
0x1e: {  	[tilespmem:$0x3D50] =	vst @p0 v0  }
0x1f: {  	[tilespmem:$0x3D60] =	vst @p0 v0  }
0x20: {  	[tilespmem:$0x3D70] =	vst @p0 v0  }
0x21: {  	[tilespmem:$0x3D80] =	vst @p0 v0  }
0x22: {  	[tilespmem:$0x3D90] =	vst @p0 v0  }
0x23: {  	[tilespmem:$0x3DA0] =	vst @p0 v0  }
0x24: {  	[tilespmem:$0x3DB0] =	vst @p0 v0  }
0x25: {  	[tilespmem:$0x3DC0] =	vst @p0 v0  }
0x26: {  	[tilespmem:$0x3DD0] =	vst @p0 v0  }
0x27: {  	[tilespmem:$0x3DE0] =	vst @p0 v0  }
0x28: {  	[tilespmem:$0x3DF0] =	vst @p0 v0  }
0x29: {  	[tilespmem:$0x3E00] =	vst @p0 v0  }
0x2a: {  	[tilespmem:$0x3E10] =	vst @p0 v0  }
0x2b: {  	[tilespmem:$0x3E20] =	vst @p0 v0  }
0x2c: {  	[tilespmem:$0x3E30] =	vst @p0 v0  }
0x2d: {  	s1 =	simm.s32 @!p0 $0x3200;
	s2 =	rddreg [dreg:$0x4];
	s0 =	simm.s32 @!p0 $0x0;
	[tilespmem:$0x3E40] =	vst @p0 v0  }
0x2e: {  	[tilespmem:s1], [sflag:$0x2] =	stream.linear.gather @!p0 [hbm4b:s2+s0], $0xC40, $0x38;
	[tilespmem:$0x1BE80] =	vst v63  }
0x2f: {  	s0 =	simm.s32 @!p0 $0x2  }
0x30: {  	_ =	swait.ge @!p0 [sflag:s0], $0xC40  }
0x31: {  	[sflag:s0] =	ssyncset.done @!p0 $0x0  }
0x32: {  	[sflag:s0] =	ssyncadd.s32 @!p0 $0xFFFFF3C0  }
0x33: {  	_ =	swait.ge [sflag:s17], $0x3200  }
0x34: {  	[sflag:s17] =	ssyncset.done $0x0  }
0x35: {  	s31 =	simm.s32 $0x3201;
	[sflag:s17] =	ssyncadd.s32 $0xFFFFCE00  }
0x36: {  	v0 =	vld [tilespmem:s31+$0x0];
	_ =	sdelay $0x2  }
0x37: {  	v1 =	vld [tilespmem:s31+$0xFFFFFFFF];
	_ =	sdelay $0x1  }
0x38: {  	(v2sf) =	vpush v0, $0x0;
	_ =	sdelay $0x2  }
0x39: {  	(v2sf) =	vpush v1, $0x0;
	_ =	sdelay $0x7  }
0x3a: {  	s1 =	simm.s32 $0x3203  }
0x3b: {  	v0 =	vld [tilespmem:s1+$0x0];
	_ =	sdelay $0x2  }
0x3c: {  	v1 =	vld [tilespmem:s1+$0xFFFFFFFF];
	s2 =	spop (v2sf)  }
0x3d: {  	s0 =	sshll.u32 s2, $0x9  }
0x3e: {  	(v2sf) =	vpush v0, $0x0;
	s1 =	sshra.s32 s0, $0x2  }
0x3f: {  	s4 =	spop (v2sf);
	v0 =	vld [tilespmem:s1+$0x0]  }
0x40: {  	s0 =	sshll.u32 s4, $0x9  }
0x41: {  	(v2sf) =	vpush v1, $0x0;
	s0 =	sshra.s32 s0, $0x2  }
0x42: {  	v1 =	vld [tilespmem:s0+$0x0]  }
0x43: {  	s26 =	simm.s32 $0x3F00  }
0x44: {  	[tilespmem:s26+$0x0] =	vst v0  }
0x45: {  	v0 =	vld [tilespmem:s1+$0x10];
	_ =	sdelay $0x1  }
0x46: {  	[tilespmem:s26+$0xFFFFFF80] =	vst v1  }
0x47: {  	v1 =	vld [tilespmem:s0+$0x10]  }
0x48: {  	s23 =	simm.s32 $0x3205  }
0x49: {  	[tilespmem:s26+$0x10] =	vst v0;
	v0 =	vld [tilespmem:s23+$0x0]  }
0x4a: {  	v2 =	vld [tilespmem:s1+$0x20];
	_ =	sdelay $0x1  }
0x4b: {  	[tilespmem:s26+$0xFFFFFF90] =	vst v1;
	v1 =	vld [tilespmem:s23+$0xFFFFFFFF];
	s24 =	spop (v2sf)  }
0x4c: {  	s2 =	sshll.u32 s24, $0x9;
	v3 =	vld [tilespmem:s0+$0x20]  }
0x4d: {  	s23 =	sshra.s32 s2, $0x2;
	(v2sf) =	vpush v0, $0x0  }
0x4e: {  	s25 =	spop (v2sf);
	v0 =	vld [tilespmem:s23+$0x0];
	[tilespmem:s26+$0x20] =	vst v2  }
0x4f: {  	s2 =	sshll.u32 s25, $0x9;
	v2 =	vld [tilespmem:s1+$0x30]  }
0x50: {  	s25 =	sshra.s32 s2, $0x2;
	(v2sf) =	vpush v1, $0x0  }
0x51: {  	v1 =	vld [tilespmem:s25+$0x0];
	[tilespmem:s26+$0xFFFFFFA0] =	vst v3  }
0x52: {  	s24 =	simm.s32 $0x4000;
	v3 =	vld [tilespmem:s0+$0x30]  }
0x53: {  	[tilespmem:s24+$0x0] =	vst v0  }
0x54: {  	v0 =	vld [tilespmem:s23+$0x10];
	[tilespmem:s26+$0x30] =	vst v2  }
0x55: {  	v2 =	vld [tilespmem:s1+$0x40]  }
0x56: {  	[tilespmem:s24+$0xFFFFFF80] =	vst v1  }
0x57: {  	v1 =	vld [tilespmem:s25+$0x10];
	[tilespmem:s26+$0xFFFFFFB0] =	vst v3  }
0x58: {  	s31 =	simm.s32 $0x3207;
	v3 =	vld [tilespmem:s0+$0x40]  }
0x59: {  	[tilespmem:s24+$0x10] =	vst v0;
	v0 =	vld [tilespmem:s31+$0x0]  }
0x5a: {  	[tilespmem:s26+$0x40] =	vst v2;
	v2 =	vld [tilespmem:s23+$0x20]  }
0x5b: {  	v4 =	vld [tilespmem:s1+$0x50]  }
0x5c: {  	[tilespmem:s24+$0xFFFFFF90] =	vst v1;
	v1 =	vld [tilespmem:s31+$0xFFFFFFFF];
	s4 =	spop (v2sf)  }
0x5d: {  	[tilespmem:s26+$0xFFFFFFC0] =	vst v3;
	v3 =	vld [tilespmem:s25+$0x20];
	s2 =	sshll.u32 s4, $0x9  }
0x5e: {  	v5 =	vld [tilespmem:s0+$0x50];
	s28 =	sshra.s32 s2, $0x2  }
0x5f: {  	s31 =	spop (v2sf);
	(v2sf) =	vpush v0, $0x0;
	v6 =	vld [tilespmem:s28+$0x0];
	[tilespmem:s24+$0x20] =	vst v2  }
0x60: {  	s2 =	sshll.u32 s31, $0x9;
	v2 =	vld [tilespmem:s23+$0x30];
	[tilespmem:s26+$0x50] =	vst v4  }
0x61: {  	(v2sf) =	vpush v1, $0x0;
	s30 =	sshra.s32 s2, $0x2;
	v4 =	vld [tilespmem:s1+$0x60]  }
0x62: {  	[tilespmem:s24+$0xFFFFFFA0] =	vst v3;
	v3 =	vld [tilespmem:s30+$0x0]  }
0x63: {  	s29 =	simm.s32 $0x4100;
	[tilespmem:s26+$0xFFFFFFD0] =	vst v5;
	v5 =	vld [tilespmem:s25+$0x30]  }
0x64: {  	[tilespmem:s29+$0x0] =	vst v6;
	v6 =	vld [tilespmem:s0+$0x60]  }
0x65: {  	[tilespmem:s24+$0x30] =	vst v2;
	v7 =	vld [tilespmem:s28+$0x10]  }
0x66: {  	[tilespmem:s26+$0x60] =	vst v4;
	v2 =	vld [tilespmem:s23+$0x40]  }
0x67: {  	[tilespmem:s29+$0xFFFFFF80] =	vst v3;
	v3 =	vld [tilespmem:s1+$0x70]  }
0x68: {  	[tilespmem:s24+$0xFFFFFFB0] =	vst v5;
	v4 =	vld [tilespmem:s30+$0x10]  }
0x69: {  	v0 =	vld [tilespmem:s25+$0x40];
	[tilespmem:s26+$0xFFFFFFE0] =	vst v6  }
0x6a: {  	s2 =	simm.s32 $0x3209;
	s1 =	simm.s32 $0x6;
	[tilespmem:s29+$0x10] =	vst v7;
	v1 =	vld [tilespmem:s0+$0x70]  }
.LBB2_2:
0x6b: {  	v5 =	vld [tilespmem:s2+$0x0];
	[tilespmem:s24+$0x40] =	vst v2  }
0x6c: {  	v2 =	vld [tilespmem:s28+$0x20];
	[tilespmem:s26+$0x70] =	vst v3  }
0x6d: {  	[tilespmem:s29+$0xFFFFFF90] =	vst v4;
	v3 =	vld [tilespmem:s23+$0x50]  }
0x6e: {  	s1 =	sadd.s32 $0x2, s1;
	v4 =	vld [tilespmem:s2+$0xFFFFFFFF];
	s0 =	spop (v2sf);
	[tilespmem:s24+$0xFFFFFFC0] =	vst v0  }
0x6f: {  	p1 =	slt.u32 s1, $0x17E;
	s0 =	sshll.u32 s0, $0x9;
	v0 =	vld [tilespmem:s30+$0x20];
	[tilespmem:s26+$0xFFFFFFF0] =	vst v1;
	s26 =	smov.u32 s24  }
0x70: {  	s24 =	smov.u32 s29;
	s0 =	sshra.s32 s0, $0x2;
	s4 =	spop (v2sf);
	v1 =	vld [tilespmem:s25+$0x50]  }
0x71: {  	(v2sf) =	vpush v5, $0x0;
	s4 =	sshll.u32 s4, $0x9;
	v5 =	vld [tilespmem:s0+$0x0];
	[tilespmem:s29+$0x20] =	vst v2  }
0x72: {  	s4 =	sshra.s32 s4, $0x2;
	v2 =	vld [tilespmem:s28+$0x30];
	[tilespmem:s26+$0x50] =	vst v3  }
0x73: {  	(v2sf) =	vpush v4, $0x0;
	v3 =	vld [tilespmem:s23+$0x60]  }
0x74: {  	v4 =	vld [tilespmem:s4+$0x0];
	[tilespmem:s29+$0xFFFFFFA0] =	vst v0  }
0x75: {  	s29 =	sadd.s32 $0x100, s29;
	v0 =	vld [tilespmem:s30+$0x30];
	[tilespmem:s26+$0xFFFFFFD0] =	vst v1  }
0x76: {  	[tilespmem:s29+$0x0] =	vst v5;
	v1 =	vld [tilespmem:s25+$0x60]  }
0x77: {  	v5 =	vld [tilespmem:s0+$0x10];
	[tilespmem:s24+$0x30] =	vst v2  }
.Ltmp0:
0x78: {  	v2 =	vld [tilespmem:s28+$0x40];
	[tilespmem:s26+$0x60] =	vst v3;
	(pc) =	sbr.rel @p1 .LBB2_2-.Ltmp0, $4  }
0x79: {  	[tilespmem:s29+$0xFFFFFF80] =	vst v4;
	v3 =	vld [tilespmem:s23+$0x70];
	s23 =	smov.u32 s28;
	s28 =	smov.u32 s0  }
0x7a: {  	v4 =	vld [tilespmem:s4+$0x10];
	[tilespmem:s24+$0xFFFFFFB0] =	vst v0  }
0x7b: {  	v0 =	vld [tilespmem:s30+$0x40];
	[tilespmem:s26+$0xFFFFFFE0] =	vst v1  }
0x7c: {  	s2 =	sadd.s32 $0x2, s2;
	[tilespmem:s29+$0x10] =	vst v5;
	v1 =	vld [tilespmem:s25+$0x70];
	s25 =	smov.u32 s30;
	s30 =	smov.u32 s4  }
0x7d: {  	_ =	sdelay $0x3  }
0x7e: {  	s0 =	spop (v2sf)  }
0x7f: {  	s0 =	sshll.u32 s0, $0x9;
	s2 =	spop (v2sf)  }
0x80: {  	s1 =	sshra.s32 s0, $0x2;
	s2 =	sshll.u32 s2, $0x9  }
0x81: {  	v5 =	vld [tilespmem:s1+$0x0];
	s2 =	sshra.s32 s2, $0x2  }
0x82: {  	v6 =	vld [tilespmem:s2+$0x0];
	_ =	sdelay $0x2  }
0x83: {  	s4 =	sadd.s32 $0x100, s29  }
0x84: {  	[tilespmem:s4+$0x0] =	vst v5  }
0x85: {  	v5 =	vld [tilespmem:s1+$0x10];
	[tilespmem:s4+$0xFFFFFF80] =	vst v6  }
0x86: {  	v6 =	vld [tilespmem:s2+$0x10];
	_ =	sdelay $0x1  }
0x87: {  	v7 =	vld [tilespmem:s28+$0x20];
	[tilespmem:s29+$0xFFFFFF90] =	vst v4  }
0x88: {  	v4 =	vld [tilespmem:s30+$0x20]  }
0x89: {  	[tilespmem:s4+$0x10] =	vst v5  }
0x8a: {  	v5 =	vld [tilespmem:s1+$0x20];
	[tilespmem:s4+$0xFFFFFF90] =	vst v6  }
0x8b: {  	v6 =	vld [tilespmem:s2+$0x20]  }
0x8c: {  	[tilespmem:s29+$0x20] =	vst v7  }
0x8d: {  	[tilespmem:s29+$0xFFFFFFA0] =	vst v4;
	v4 =	vld [tilespmem:s28+$0x30]  }
0x8e: {  	[tilespmem:s24+$0x40] =	vst v2  }
0x8f: {  	[tilespmem:s4+$0x20] =	vst v5;
	v5 =	vld [tilespmem:s30+$0x30]  }
0x90: {  	[tilespmem:s4+$0xFFFFFFA0] =	vst v6;
	v6 =	vld [tilespmem:s1+$0x30]  }
0x91: {  	[tilespmem:s26+$0x70] =	vst v3;
	v2 =	vld [tilespmem:s2+$0x30]  }
0x92: {  	[tilespmem:s29+$0x30] =	vst v4  }
0x93: {  	[tilespmem:s24+$0xFFFFFFC0] =	vst v0;
	v3 =	vld [tilespmem:s28+$0x40]  }
0x94: {  	[tilespmem:s29+$0xFFFFFFB0] =	vst v5  }
0x95: {  	v4 =	vld [tilespmem:s30+$0x40];
	[tilespmem:s4+$0x30] =	vst v6  }
0x96: {  	v5 =	vld [tilespmem:s1+$0x40];
	[tilespmem:s4+$0xFFFFFFB0] =	vst v2  }
0x97: {  	[tilespmem:s26+$0xFFFFFFF0] =	vst v1;
	v0 =	vld [tilespmem:s2+$0x40]  }
0x98: {  	v1 =	vld [tilespmem:s25+$0x50];
	[tilespmem:s29+$0x40] =	vst v3  }
0x99: {  	v3 =	vld [tilespmem:s28+$0x50]  }
0x9a: {  	v2 =	vld [tilespmem:s23+$0x50];
	[tilespmem:s29+$0xFFFFFFC0] =	vst v4  }
0x9b: {  	v4 =	vld [tilespmem:s30+$0x50];
	[tilespmem:s4+$0x40] =	vst v5  }
0x9c: {  	v5 =	vld [tilespmem:s1+$0x50];
	[tilespmem:s4+$0xFFFFFFC0] =	vst v0  }
0x9d: {  	[tilespmem:s24+$0xFFFFFFD0] =	vst v1;
	v0 =	vld [tilespmem:s2+$0x50]  }
0x9e: {  	v1 =	vld [tilespmem:s25+$0x60];
	[tilespmem:s29+$0x50] =	vst v3  }
0x9f: {  	v3 =	vld [tilespmem:s28+$0x60];
	[tilespmem:s24+$0x50] =	vst v2  }
0xa0: {  	v2 =	vld [tilespmem:s23+$0x60];
	[tilespmem:s29+$0xFFFFFFD0] =	vst v4  }
0xa1: {  	v4 =	vld [tilespmem:s30+$0x60];
	[tilespmem:s4+$0x50] =	vst v5  }
0xa2: {  	v5 =	vld [tilespmem:s1+$0x60];
	[tilespmem:s4+$0xFFFFFFD0] =	vst v0  }
0xa3: {  	[tilespmem:s24+$0xFFFFFFE0] =	vst v1;
	v0 =	vld [tilespmem:s2+$0x60]  }
0xa4: {  	v1 =	vld [tilespmem:s25+$0x70];
	[tilespmem:s29+$0x60] =	vst v3  }
0xa5: {  	v3 =	vld [tilespmem:s28+$0x70];
	[tilespmem:s24+$0x60] =	vst v2  }
0xa6: {  	v2 =	vld [tilespmem:s23+$0x70];
	[tilespmem:s29+$0xFFFFFFE0] =	vst v4  }
0xa7: {  	v4 =	vld [tilespmem:s30+$0x70];
	[tilespmem:s4+$0x60] =	vst v5  }
0xa8: {  	v5 =	vld [tilespmem:s1+$0x70];
	[tilespmem:s4+$0xFFFFFFE0] =	vst v0  }
0xa9: {  	[tilespmem:s24+$0xFFFFFFF0] =	vst v1;
	v0 =	vld [tilespmem:s2+$0x70]  }
0xaa: {  	[tilespmem:s29+$0x70] =	vst v3  }
0xab: {  	[tilespmem:s24+$0x70] =	vst v2  }
0xac: {  	[tilespmem:s29+$0xFFFFFFF0] =	vst v4  }
0xad: {  	[tilespmem:s4+$0x70] =	vst v5  }
0xae: {  	s26 =	simm.s32 $0x0;
	s25 =	simm.s32 $0x3381;
	[tilespmem:s4+$0xFFFFFFF0] =	vst v0  }
0xaf: {  	[hbm4b:s6+s3] =	stream.linear.scatter [tilespmem:s18], [sflag:$0x3], $0xC000, $0x38;
	[tilespmem:$0x1BE80] =	vst v63  }
0xb0: {  	s2 =	sand.u32 $0x1FE, s26;
	v0 =	vld [tilespmem:s25+$0x0]  }
0xb1: {  	v1 =	vld [tilespmem:s2+$0x3380];
	_ =	sdelay $0x3  }
0xb2: {  	(v2sf) =	vpush v0, $0x0  }
0xb3: {  	(v2sf) =	vpush v1, $0x0;
	_ =	sdelay $0x9  }
0xb4: {  	s23 =	simm.s32 $0x2;
	s4 =	simm.s32 $0x3383  }
0xb5: {  	s24 =	sand.u32 $0x1FE, s23;
	v0 =	vld [tilespmem:s4+$0x0]  }
0xb6: {  	v1 =	vld [tilespmem:s24+$0x3380];
	_ =	sdelay $0x1  }
0xb7: {  	s25 =	spop (v2sf)  }
0xb8: {  	s26 =	spop (v2sf)  }
0xb9: {  	(v2sf) =	vpush v0, $0x0;
	s1 =	sshll.u32 s26, $0x9  }
0xba: {  	(v2sf) =	vpush v1, $0x0;
	s29 =	sshra.s32 s1, $0x2  }
0xbb: {  	s0 =	sshll.u32 s25, $0x9;
	v0 =	vld [tilespmem:s29+$0x0]  }
0xbc: {  	s28 =	sshra.s32 s0, $0x2  }
0xbd: {  	v1 =	vld [tilespmem:s28+$0x0];
	_ =	sdelay $0x1  }
0xbe: {  	s26 =	simm.s32 $0xFF00  }
0xbf: {  	[tilespmem:s26+$0xFFFFFF80] =	vst v0  }
0xc0: {  	v0 =	vld [tilespmem:s29+$0x10]  }
0xc1: {  	[tilespmem:s26+$0x0] =	vst v1  }
0xc2: {  	v1 =	vld [tilespmem:s28+$0x10]  }
0xc3: {  	s2 =	simm.s32 $0x3385;
	s4 =	simm.s32 $0x4  }
0xc4: {  	v2 =	vld [tilespmem:s2+$0x0];
	s23 =	sand.u32 $0x1FE, s4  }
0xc5: {  	[tilespmem:s26+$0xFFFFFF90] =	vst v0;
	v0 =	vld [tilespmem:s23+$0x3380]  }
0xc6: {  	v3 =	vld [tilespmem:s29+$0x20]  }
0xc7: {  	[tilespmem:s26+$0x10] =	vst v1;
	s24 =	spop (v2sf)  }
0xc8: {  	v1 =	vld [tilespmem:s28+$0x20];
	s25 =	spop (v2sf)  }
0xc9: {  	(v2sf) =	vpush v2, $0x0;
	s1 =	sshll.u32 s25, $0x9  }
0xca: {  	s23 =	sshra.s32 s1, $0x2;
	(v2sf) =	vpush v0, $0x0  }
0xcb: {  	s0 =	sshll.u32 s24, $0x9;
	v0 =	vld [tilespmem:s23+$0x0];
	[tilespmem:s26+$0xFFFFFFA0] =	vst v3  }
0xcc: {  	s25 =	sshra.s32 s0, $0x2;
	v2 =	vld [tilespmem:s29+$0x30]  }
0xcd: {  	[tilespmem:s26+$0x20] =	vst v1;
	v3 =	vld [tilespmem:s25+$0x0]  }
0xce: {  	v1 =	vld [tilespmem:s28+$0x30]  }
0xcf: {  	s24 =	simm.s32 $0x10000  }
0xd0: {  	[tilespmem:s24+$0xFFFFFF80] =	vst v0  }
0xd1: {  	v0 =	vld [tilespmem:s23+$0x10];
	[tilespmem:s26+$0xFFFFFFB0] =	vst v2  }
0xd2: {  	[tilespmem:s24+$0x0] =	vst v3;
	v2 =	vld [tilespmem:s29+$0x40]  }
0xd3: {  	[tilespmem:s26+$0x30] =	vst v1;
	v3 =	vld [tilespmem:s25+$0x10]  }
0xd4: {  	s2 =	simm.s32 $0x3387;
	s0 =	simm.s32 $0x6;
	v1 =	vld [tilespmem:s28+$0x40]  }
0xd5: {  	v6 =	vld [tilespmem:s2+$0x0];
	s4 =	sand.u32 $0x1FE, s0  }
0xd6: {  	v7 =	vld [tilespmem:s4+$0x3380];
	[tilespmem:s24+$0xFFFFFF90] =	vst v0  }
0xd7: {  	v0 =	vld [tilespmem:s23+$0x20];
	[tilespmem:s26+$0xFFFFFFC0] =	vst v2  }
0xd8: {  	s2 =	spop (v2sf);
	[tilespmem:s24+$0x10] =	vst v3;
	v2 =	vld [tilespmem:s29+$0x50]  }
0xd9: {  	s1 =	sshll.u32 s2, $0x9;
	[tilespmem:s26+$0x40] =	vst v1;
	v4 =	vld [tilespmem:s25+$0x20];
	s4 =	spop (v2sf)  }
0xda: {  	s31 =	sshra.s32 s1, $0x2;
	v8 =	vld [tilespmem:s28+$0x50];
	s2 =	sshll.u32 s4, $0x9  }
0xdb: {  	(v2sf) =	vpush v6, $0x0;
	v1 =	vld [tilespmem:s31+$0x0];
	s1 =	sshra.s32 s2, $0x2  }
0xdc: {  	(v2sf) =	vpush v7, $0x0;
	[tilespmem:s24+$0xFFFFFFA0] =	vst v0;
	v5 =	vld [tilespmem:s1+$0x0]  }
0xdd: {  	v3 =	vld [tilespmem:s23+$0x30];
	[tilespmem:s26+$0xFFFFFFD0] =	vst v2  }
0xde: {  	[tilespmem:s24+$0x20] =	vst v4;
	v4 =	vld [tilespmem:s29+$0x60]  }
0xdf: {  	[tilespmem:s26+$0x50] =	vst v8;
	v0 =	vld [tilespmem:s25+$0x30]  }
0xe0: {  	s30 =	simm.s32 $0x10100;
	s2 =	simm.s32 $0x3389;
	v2 =	vld [tilespmem:s28+$0x60]  }
.LBB2_4:
0xe1: {  	v6 =	vld [tilespmem:s2+$0x0];
	[tilespmem:s30+$0xFFFFFF80] =	vst v5  }
0xe2: {  	v5 =	vld [tilespmem:s1+$0x10];
	[tilespmem:s24+$0xFFFFFFB0] =	vst v3  }
0xe3: {  	v3 =	vld [tilespmem:s23+$0x40];
	[tilespmem:s26+$0xFFFFFFE0] =	vst v4  }
0xe4: {  	[tilespmem:s30+$0x0] =	vst v1;
	v1 =	vld [tilespmem:s29+$0x70];
	s29 =	smov.u32 s23;
	s23 =	smov.u32 s1  }
0xe5: {  	v4 =	vld [tilespmem:s31+$0x10];
	[tilespmem:s24+$0x30] =	vst v0  }
0xe6: {  	s0 =	sadd.s32 $0x2, s0;
	v0 =	vld [tilespmem:s25+$0x40];
	[tilespmem:s26+$0x60] =	vst v2  }
0xe7: {  	s1 =	sand.u32 $0x1FE, s0;
	[tilespmem:s30+$0xFFFFFF90] =	vst v5;
	v2 =	vld [tilespmem:s28+$0x70];
	s28 =	smov.u32 s25;
	s25 =	smov.u32 s31  }
0xe8: {  	v5 =	vld [tilespmem:s1+$0x3380];
	[tilespmem:s24+$0xFFFFFFC0] =	vst v3  }
0xe9: {  	p1 =	slt.u32 s0, $0x17E;
	v3 =	vld [tilespmem:s23+$0x20];
	[tilespmem:s26+$0xFFFFFFF0] =	vst v1  }
0xea: {  	s1 =	spop (v2sf);
	[tilespmem:s30+$0x10] =	vst v4;
	v4 =	vld [tilespmem:s29+$0x50]  }
0xeb: {  	s1 =	sshll.u32 s1, $0x9;
	s4 =	spop (v2sf);
	v7 =	vld [tilespmem:s25+$0x20];
	[tilespmem:s24+$0x40] =	vst v0  }
0xec: {  	s4 =	sshll.u32 s4, $0x9;
	s31 =	sshra.s32 s1, $0x2;
	v8 =	vld [tilespmem:s28+$0x50];
	[tilespmem:s26+$0x70] =	vst v2;
	s26 =	smov.u32 s24  }
0xed: {  	s24 =	smov.u32 s30;
	(v2sf) =	vpush v6, $0x0;
	s1 =	sshra.s32 s4, $0x2;
	v1 =	vld [tilespmem:s31+$0x0]  }
.Ltmp1:
0xee: {  	(v2sf) =	vpush v5, $0x0;
	v5 =	vld [tilespmem:s1+$0x0];
	[tilespmem:s30+$0xFFFFFFA0] =	vst v3;
	(pc) =	sbr.rel @p1 .LBB2_4-.Ltmp1, $4  }
0xef: {  	v3 =	vld [tilespmem:s23+$0x30];
	[tilespmem:s26+$0xFFFFFFD0] =	vst v4  }
0xf0: {  	[tilespmem:s30+$0x20] =	vst v7;
	v4 =	vld [tilespmem:s29+$0x60]  }
0xf1: {  	v0 =	vld [tilespmem:s25+$0x30];
	[tilespmem:s26+$0x50] =	vst v8  }
0xf2: {  	s2 =	sadd.s32 $0x2, s2;
	s30 =	sadd.s32 $0x100, s30;
	v2 =	vld [tilespmem:s28+$0x60]  }
0xf3: {  	_ =	sdelay $0x8  }
0xf4: {  	s0 =	spop (v2sf)  }
0xf5: {  	s2 =	spop (v2sf);
	s0 =	sshll.u32 s0, $0x9  }
0xf6: {  	s2 =	sshll.u32 s2, $0x9;
	s0 =	sshra.s32 s0, $0x2  }
0xf7: {  	s4 =	sshra.s32 s2, $0x2;
	v7 =	vld [tilespmem:s0+$0x0]  }
0xf8: {  	[tilespmem:s30+$0xFFFFFF80] =	vst v5;
	v6 =	vld [tilespmem:s4+$0x0]  }
0xf9: {  	[tilespmem:s30+$0x0] =	vst v1;
	v1 =	vld [tilespmem:s1+$0x10]  }
0xfa: {  	v5 =	vld [tilespmem:s31+$0x10]  }
0xfb: {  	[tilespmem:s24+$0xFFFFFFB0] =	vst v3;
	s2 =	sadd.s32 $0x100, s30  }
0xfc: {  	[tilespmem:s2+$0x0] =	vst v7  }
0xfd: {  	[tilespmem:s2+$0xFFFFFF80] =	vst v6;
	v3 =	vld [tilespmem:s0+$0x10]  }
0xfe: {  	[tilespmem:s30+$0xFFFFFF90] =	vst v1;
	v6 =	vld [tilespmem:s4+$0x10]  }
0xff: {  	[tilespmem:s30+$0x10] =	vst v5;
	v1 =	vld [tilespmem:s1+$0x20]  }
0x100: {  	[tilespmem:s26+$0xFFFFFFE0] =	vst v4;
	v4 =	vld [tilespmem:s31+$0x20]  }
0x101: {  	[tilespmem:s24+$0x30] =	vst v0  }
0x102: {  	[tilespmem:s2+$0x10] =	vst v3  }
0x103: {  	[tilespmem:s2+$0xFFFFFF90] =	vst v6;
	v0 =	vld [tilespmem:s0+$0x20]  }
0x104: {  	[tilespmem:s30+$0xFFFFFFA0] =	vst v1;
	v5 =	vld [tilespmem:s4+$0x20]  }
0x105: {  	[tilespmem:s30+$0x20] =	vst v4;
	v1 =	vld [tilespmem:s1+$0x30]  }
0x106: {  	v4 =	vld [tilespmem:s31+$0x30]  }
0x107: {  	[tilespmem:s26+$0x60] =	vst v2;
	v2 =	vld [tilespmem:s29+$0x70]  }
0x108: {  	v3 =	vld [tilespmem:s23+$0x40];
	[tilespmem:s2+$0x20] =	vst v0  }
0x109: {  	[tilespmem:s2+$0xFFFFFFA0] =	vst v5;
	v0 =	vld [tilespmem:s0+$0x30]  }
0x10a: {  	[tilespmem:s30+$0xFFFFFFB0] =	vst v1;
	v5 =	vld [tilespmem:s4+$0x30]  }
0x10b: {  	[tilespmem:s30+$0x30] =	vst v4;
	v1 =	vld [tilespmem:s1+$0x40]  }
0x10c: {  	[tilespmem:s26+$0xFFFFFFF0] =	vst v2;
	v4 =	vld [tilespmem:s31+$0x40]  }
0x10d: {  	v2 =	vld [tilespmem:s28+$0x70];
	[tilespmem:s24+$0xFFFFFFC0] =	vst v3  }
0x10e: {  	v3 =	vld [tilespmem:s25+$0x40];
	[tilespmem:s2+$0x30] =	vst v0  }
0x10f: {  	[tilespmem:s2+$0xFFFFFFB0] =	vst v5;
	v0 =	vld [tilespmem:s0+$0x40]  }
0x110: {  	[tilespmem:s30+$0xFFFFFFC0] =	vst v1;
	v5 =	vld [tilespmem:s4+$0x40]  }
0x111: {  	[tilespmem:s30+$0x40] =	vst v4;
	v1 =	vld [tilespmem:s1+$0x50]  }
0x112: {  	[tilespmem:s26+$0x70] =	vst v2;
	v4 =	vld [tilespmem:s31+$0x50]  }
0x113: {  	[tilespmem:s24+$0x40] =	vst v3;
	v3 =	vld [tilespmem:s23+$0x50]  }
0x114: {  	v2 =	vld [tilespmem:s25+$0x50];
	[tilespmem:s2+$0x40] =	vst v0  }
0x115: {  	[tilespmem:s2+$0xFFFFFFC0] =	vst v5;
	v0 =	vld [tilespmem:s0+$0x50]  }
0x116: {  	[tilespmem:s30+$0xFFFFFFD0] =	vst v1;
	v5 =	vld [tilespmem:s4+$0x50]  }
0x117: {  	[tilespmem:s30+$0x50] =	vst v4;
	v1 =	vld [tilespmem:s1+$0x60]  }
0x118: {  	v4 =	vld [tilespmem:s31+$0x60];
	[tilespmem:s24+$0xFFFFFFD0] =	vst v3  }
0x119: {  	v3 =	vld [tilespmem:s23+$0x60];
	[tilespmem:s24+$0x50] =	vst v2  }
0x11a: {  	v2 =	vld [tilespmem:s25+$0x60];
	[tilespmem:s2+$0x50] =	vst v0  }
0x11b: {  	[tilespmem:s2+$0xFFFFFFD0] =	vst v5;
	v0 =	vld [tilespmem:s0+$0x60]  }
0x11c: {  	[tilespmem:s30+$0xFFFFFFE0] =	vst v1;
	v5 =	vld [tilespmem:s4+$0x60]  }
0x11d: {  	[tilespmem:s30+$0x60] =	vst v4;
	v1 =	vld [tilespmem:s1+$0x70]  }
0x11e: {  	v4 =	vld [tilespmem:s31+$0x70];
	[tilespmem:s24+$0xFFFFFFE0] =	vst v3  }
0x11f: {  	v3 =	vld [tilespmem:s23+$0x70];
	[tilespmem:s24+$0x60] =	vst v2  }
0x120: {  	v2 =	vld [tilespmem:s25+$0x70];
	[tilespmem:s2+$0x60] =	vst v0  }
0x121: {  	[tilespmem:s2+$0xFFFFFFE0] =	vst v5;
	v0 =	vld [tilespmem:s0+$0x70]  }
0x122: {  	[tilespmem:s30+$0xFFFFFFF0] =	vst v1;
	v5 =	vld [tilespmem:s4+$0x70]  }
0x123: {  	[tilespmem:s30+$0x70] =	vst v4  }
0x124: {  	[tilespmem:s24+$0xFFFFFFF0] =	vst v3  }
0x125: {  	[tilespmem:s24+$0x70] =	vst v2  }
0x126: {  	[tilespmem:s2+$0x70] =	vst v0  }
0x127: {  	[tilespmem:s2+$0xFFFFFFF0] =	vst v5  }
0x128: {  	[hbm4b:s7+s3] =	stream.linear.scatter [tilespmem:s19], [sflag:$0x4], $0xC000, $0x38;
	[tilespmem:$0x1BE80] =	vst v63  }
0x129: {  	_ =	swait.ge [sflag:s20], $0xC000  }
0x12a: {  	[sflag:s20] =	ssyncset.done $0x0  }
0x12b: {  	s26 =	simm.s32 $0x0;
	s25 =	simm.s32 $0x3501;
	[sflag:s20] =	ssyncadd.s32 $0xFFFF4000  }
0x12c: {  	s2 =	sand.u32 $0x1FE, s26;
	v0 =	vld [tilespmem:s25+$0x0]  }
0x12d: {  	v1 =	vld [tilespmem:s2+$0x3500];
	_ =	sdelay $0x3  }
0x12e: {  	(v2sf) =	vpush v0, $0x0  }
0x12f: {  	(v2sf) =	vpush v1, $0x0;
	_ =	sdelay $0x9  }
0x130: {  	s23 =	simm.s32 $0x2;
	s4 =	simm.s32 $0x3503  }
0x131: {  	s24 =	sand.u32 $0x1FE, s23;
	v0 =	vld [tilespmem:s4+$0x0]  }
0x132: {  	v1 =	vld [tilespmem:s24+$0x3500];
	_ =	sdelay $0x1  }
0x133: {  	s25 =	spop (v2sf)  }
0x134: {  	s26 =	spop (v2sf)  }
0x135: {  	(v2sf) =	vpush v0, $0x0;
	s1 =	sshll.u32 s26, $0x9  }
0x136: {  	(v2sf) =	vpush v1, $0x0;
	s29 =	sshra.s32 s1, $0x2  }
0x137: {  	s0 =	sshll.u32 s25, $0x9;
	v0 =	vld [tilespmem:s29+$0x0]  }
0x138: {  	s28 =	sshra.s32 s0, $0x2  }
0x139: {  	v1 =	vld [tilespmem:s28+$0x0];
	_ =	sdelay $0x1  }
0x13a: {  	s26 =	simm.s32 $0x3F00  }
0x13b: {  	[tilespmem:s26+$0xFFFFFF80] =	vst v0  }
0x13c: {  	v0 =	vld [tilespmem:s29+$0x10]  }
0x13d: {  	[tilespmem:s26+$0x0] =	vst v1  }
0x13e: {  	v1 =	vld [tilespmem:s28+$0x10]  }
0x13f: {  	s2 =	simm.s32 $0x3505;
	s4 =	simm.s32 $0x4  }
0x140: {  	v2 =	vld [tilespmem:s2+$0x0];
	s23 =	sand.u32 $0x1FE, s4  }
0x141: {  	[tilespmem:s26+$0xFFFFFF90] =	vst v0;
	v0 =	vld [tilespmem:s23+$0x3500]  }
0x142: {  	v3 =	vld [tilespmem:s29+$0x20]  }
0x143: {  	[tilespmem:s26+$0x10] =	vst v1;
	s24 =	spop (v2sf)  }
0x144: {  	v1 =	vld [tilespmem:s28+$0x20];
	s25 =	spop (v2sf)  }
0x145: {  	(v2sf) =	vpush v2, $0x0;
	s1 =	sshll.u32 s25, $0x9  }
0x146: {  	s23 =	sshra.s32 s1, $0x2;
	(v2sf) =	vpush v0, $0x0  }
0x147: {  	s0 =	sshll.u32 s24, $0x9;
	v0 =	vld [tilespmem:s23+$0x0];
	[tilespmem:s26+$0xFFFFFFA0] =	vst v3  }
0x148: {  	s25 =	sshra.s32 s0, $0x2;
	v2 =	vld [tilespmem:s29+$0x30]  }
0x149: {  	[tilespmem:s26+$0x20] =	vst v1;
	v3 =	vld [tilespmem:s25+$0x0]  }
0x14a: {  	v1 =	vld [tilespmem:s28+$0x30]  }
0x14b: {  	s24 =	simm.s32 $0x4000  }
0x14c: {  	[tilespmem:s24+$0xFFFFFF80] =	vst v0  }
0x14d: {  	v0 =	vld [tilespmem:s23+$0x10];
	[tilespmem:s26+$0xFFFFFFB0] =	vst v2  }
0x14e: {  	[tilespmem:s24+$0x0] =	vst v3;
	v2 =	vld [tilespmem:s29+$0x40]  }
0x14f: {  	[tilespmem:s26+$0x30] =	vst v1;
	v3 =	vld [tilespmem:s25+$0x10]  }
0x150: {  	s2 =	simm.s32 $0x3507;
	s0 =	simm.s32 $0x6;
	v1 =	vld [tilespmem:s28+$0x40]  }
0x151: {  	v6 =	vld [tilespmem:s2+$0x0];
	s4 =	sand.u32 $0x1FE, s0  }
0x152: {  	v7 =	vld [tilespmem:s4+$0x3500];
	[tilespmem:s24+$0xFFFFFF90] =	vst v0  }
0x153: {  	v0 =	vld [tilespmem:s23+$0x20];
	[tilespmem:s26+$0xFFFFFFC0] =	vst v2  }
0x154: {  	s2 =	spop (v2sf);
	[tilespmem:s24+$0x10] =	vst v3;
	v2 =	vld [tilespmem:s29+$0x50]  }
0x155: {  	s1 =	sshll.u32 s2, $0x9;
	[tilespmem:s26+$0x40] =	vst v1;
	v4 =	vld [tilespmem:s25+$0x20];
	s4 =	spop (v2sf)  }
0x156: {  	s31 =	sshra.s32 s1, $0x2;
	v8 =	vld [tilespmem:s28+$0x50];
	s2 =	sshll.u32 s4, $0x9  }
0x157: {  	(v2sf) =	vpush v6, $0x0;
	v1 =	vld [tilespmem:s31+$0x0];
	s1 =	sshra.s32 s2, $0x2  }
0x158: {  	(v2sf) =	vpush v7, $0x0;
	[tilespmem:s24+$0xFFFFFFA0] =	vst v0;
	v5 =	vld [tilespmem:s1+$0x0]  }
0x159: {  	v3 =	vld [tilespmem:s23+$0x30];
	[tilespmem:s26+$0xFFFFFFD0] =	vst v2  }
0x15a: {  	[tilespmem:s24+$0x20] =	vst v4;
	v4 =	vld [tilespmem:s29+$0x60]  }
0x15b: {  	[tilespmem:s26+$0x50] =	vst v8;
	v0 =	vld [tilespmem:s25+$0x30]  }
0x15c: {  	s30 =	simm.s32 $0x4100;
	s2 =	simm.s32 $0x3509;
	v2 =	vld [tilespmem:s28+$0x60]  }
.LBB2_6:
0x15d: {  	v6 =	vld [tilespmem:s2+$0x0];
	[tilespmem:s30+$0xFFFFFF80] =	vst v5  }
0x15e: {  	v5 =	vld [tilespmem:s1+$0x10];
	[tilespmem:s24+$0xFFFFFFB0] =	vst v3  }
0x15f: {  	v3 =	vld [tilespmem:s23+$0x40];
	[tilespmem:s26+$0xFFFFFFE0] =	vst v4  }
0x160: {  	[tilespmem:s30+$0x0] =	vst v1;
	v1 =	vld [tilespmem:s29+$0x70];
	s29 =	smov.u32 s23;
	s23 =	smov.u32 s1  }
0x161: {  	v4 =	vld [tilespmem:s31+$0x10];
	[tilespmem:s24+$0x30] =	vst v0  }
0x162: {  	s0 =	sadd.s32 $0x2, s0;
	v0 =	vld [tilespmem:s25+$0x40];
	[tilespmem:s26+$0x60] =	vst v2  }
0x163: {  	s1 =	sand.u32 $0x1FE, s0;
	[tilespmem:s30+$0xFFFFFF90] =	vst v5;
	v2 =	vld [tilespmem:s28+$0x70];
	s28 =	smov.u32 s25;
	s25 =	smov.u32 s31  }
0x164: {  	v5 =	vld [tilespmem:s1+$0x3500];
	[tilespmem:s24+$0xFFFFFFC0] =	vst v3  }
0x165: {  	p1 =	slt.u32 s0, $0x17E;
	v3 =	vld [tilespmem:s23+$0x20];
	[tilespmem:s26+$0xFFFFFFF0] =	vst v1  }
0x166: {  	s1 =	spop (v2sf);
	[tilespmem:s30+$0x10] =	vst v4;
	v4 =	vld [tilespmem:s29+$0x50]  }
0x167: {  	s1 =	sshll.u32 s1, $0x9;
	s4 =	spop (v2sf);
	v7 =	vld [tilespmem:s25+$0x20];
	[tilespmem:s24+$0x40] =	vst v0  }
0x168: {  	s4 =	sshll.u32 s4, $0x9;
	s31 =	sshra.s32 s1, $0x2;
	v8 =	vld [tilespmem:s28+$0x50];
	[tilespmem:s26+$0x70] =	vst v2;
	s26 =	smov.u32 s24  }
0x169: {  	s24 =	smov.u32 s30;
	(v2sf) =	vpush v6, $0x0;
	s1 =	sshra.s32 s4, $0x2;
	v1 =	vld [tilespmem:s31+$0x0]  }
.Ltmp2:
0x16a: {  	(v2sf) =	vpush v5, $0x0;
	v5 =	vld [tilespmem:s1+$0x0];
	[tilespmem:s30+$0xFFFFFFA0] =	vst v3;
	(pc) =	sbr.rel @p1 .LBB2_6-.Ltmp2, $4  }
0x16b: {  	v3 =	vld [tilespmem:s23+$0x30];
	[tilespmem:s26+$0xFFFFFFD0] =	vst v4  }
0x16c: {  	[tilespmem:s30+$0x20] =	vst v7;
	v4 =	vld [tilespmem:s29+$0x60]  }
0x16d: {  	v0 =	vld [tilespmem:s25+$0x30];
	[tilespmem:s26+$0x50] =	vst v8  }
0x16e: {  	s2 =	sadd.s32 $0x2, s2;
	s30 =	sadd.s32 $0x100, s30;
	v2 =	vld [tilespmem:s28+$0x60]  }
0x16f: {  	_ =	sdelay $0x8  }
0x170: {  	s0 =	spop (v2sf)  }
0x171: {  	s2 =	spop (v2sf);
	s0 =	sshll.u32 s0, $0x9  }
0x172: {  	s2 =	sshll.u32 s2, $0x9;
	s0 =	sshra.s32 s0, $0x2  }
0x173: {  	s4 =	sshra.s32 s2, $0x2;
	v7 =	vld [tilespmem:s0+$0x0]  }
0x174: {  	[tilespmem:s30+$0xFFFFFF80] =	vst v5;
	v6 =	vld [tilespmem:s4+$0x0]  }
0x175: {  	[tilespmem:s30+$0x0] =	vst v1;
	v1 =	vld [tilespmem:s1+$0x10]  }
0x176: {  	v5 =	vld [tilespmem:s31+$0x10]  }
0x177: {  	[tilespmem:s24+$0xFFFFFFB0] =	vst v3;
	s2 =	sadd.s32 $0x100, s30  }
0x178: {  	[tilespmem:s2+$0x0] =	vst v7  }
0x179: {  	[tilespmem:s2+$0xFFFFFF80] =	vst v6;
	v3 =	vld [tilespmem:s0+$0x10]  }
0x17a: {  	[tilespmem:s30+$0xFFFFFF90] =	vst v1;
	v6 =	vld [tilespmem:s4+$0x10]  }
0x17b: {  	[tilespmem:s30+$0x10] =	vst v5;
	v1 =	vld [tilespmem:s1+$0x20]  }
0x17c: {  	[tilespmem:s26+$0xFFFFFFE0] =	vst v4;
	v4 =	vld [tilespmem:s31+$0x20]  }
0x17d: {  	[tilespmem:s24+$0x30] =	vst v0  }
0x17e: {  	[tilespmem:s2+$0x10] =	vst v3  }
0x17f: {  	[tilespmem:s2+$0xFFFFFF90] =	vst v6;
	v0 =	vld [tilespmem:s0+$0x20]  }
0x180: {  	[tilespmem:s30+$0xFFFFFFA0] =	vst v1;
	v5 =	vld [tilespmem:s4+$0x20]  }
0x181: {  	[tilespmem:s30+$0x20] =	vst v4;
	v1 =	vld [tilespmem:s1+$0x30]  }
0x182: {  	v4 =	vld [tilespmem:s31+$0x30]  }
0x183: {  	[tilespmem:s26+$0x60] =	vst v2;
	v2 =	vld [tilespmem:s29+$0x70]  }
0x184: {  	v3 =	vld [tilespmem:s23+$0x40];
	[tilespmem:s2+$0x20] =	vst v0  }
0x185: {  	[tilespmem:s2+$0xFFFFFFA0] =	vst v5;
	v0 =	vld [tilespmem:s0+$0x30]  }
0x186: {  	[tilespmem:s30+$0xFFFFFFB0] =	vst v1;
	v5 =	vld [tilespmem:s4+$0x30]  }
0x187: {  	[tilespmem:s30+$0x30] =	vst v4;
	v1 =	vld [tilespmem:s1+$0x40]  }
0x188: {  	[tilespmem:s26+$0xFFFFFFF0] =	vst v2;
	v4 =	vld [tilespmem:s31+$0x40]  }
0x189: {  	v2 =	vld [tilespmem:s28+$0x70];
	[tilespmem:s24+$0xFFFFFFC0] =	vst v3  }
0x18a: {  	v3 =	vld [tilespmem:s25+$0x40];
	[tilespmem:s2+$0x30] =	vst v0  }
0x18b: {  	[tilespmem:s2+$0xFFFFFFB0] =	vst v5;
	v0 =	vld [tilespmem:s0+$0x40]  }
0x18c: {  	[tilespmem:s30+$0xFFFFFFC0] =	vst v1;
	v5 =	vld [tilespmem:s4+$0x40]  }
0x18d: {  	[tilespmem:s30+$0x40] =	vst v4;
	v1 =	vld [tilespmem:s1+$0x50]  }
0x18e: {  	[tilespmem:s26+$0x70] =	vst v2;
	v4 =	vld [tilespmem:s31+$0x50]  }
0x18f: {  	[tilespmem:s24+$0x40] =	vst v3;
	v3 =	vld [tilespmem:s23+$0x50]  }
0x190: {  	v2 =	vld [tilespmem:s25+$0x50];
	[tilespmem:s2+$0x40] =	vst v0  }
0x191: {  	[tilespmem:s2+$0xFFFFFFC0] =	vst v5;
	v0 =	vld [tilespmem:s0+$0x50]  }
0x192: {  	[tilespmem:s30+$0xFFFFFFD0] =	vst v1;
	v5 =	vld [tilespmem:s4+$0x50]  }
0x193: {  	[tilespmem:s30+$0x50] =	vst v4;
	v1 =	vld [tilespmem:s1+$0x60]  }
0x194: {  	v4 =	vld [tilespmem:s31+$0x60];
	[tilespmem:s24+$0xFFFFFFD0] =	vst v3  }
0x195: {  	v3 =	vld [tilespmem:s23+$0x60];
	[tilespmem:s24+$0x50] =	vst v2  }
0x196: {  	v2 =	vld [tilespmem:s25+$0x60];
	[tilespmem:s2+$0x50] =	vst v0  }
0x197: {  	[tilespmem:s2+$0xFFFFFFD0] =	vst v5;
	v0 =	vld [tilespmem:s0+$0x60]  }
0x198: {  	[tilespmem:s30+$0xFFFFFFE0] =	vst v1;
	v5 =	vld [tilespmem:s4+$0x60]  }
0x199: {  	[tilespmem:s30+$0x60] =	vst v4;
	v1 =	vld [tilespmem:s1+$0x70]  }
0x19a: {  	v4 =	vld [tilespmem:s31+$0x70];
	[tilespmem:s24+$0xFFFFFFE0] =	vst v3  }
0x19b: {  	v3 =	vld [tilespmem:s23+$0x70];
	[tilespmem:s24+$0x60] =	vst v2  }
0x19c: {  	v2 =	vld [tilespmem:s25+$0x70];
	[tilespmem:s2+$0x60] =	vst v0  }
0x19d: {  	[tilespmem:s2+$0xFFFFFFE0] =	vst v5;
	v0 =	vld [tilespmem:s0+$0x70]  }
0x19e: {  	[tilespmem:s30+$0xFFFFFFF0] =	vst v1;
	v5 =	vld [tilespmem:s4+$0x70]  }
0x19f: {  	[tilespmem:s30+$0x70] =	vst v4  }
0x1a0: {  	[tilespmem:s24+$0xFFFFFFF0] =	vst v3  }
0x1a1: {  	[tilespmem:s24+$0x70] =	vst v2  }
0x1a2: {  	[tilespmem:s2+$0x70] =	vst v0  }
0x1a3: {  	[tilespmem:s2+$0xFFFFFFF0] =	vst v5  }
0x1a4: {  	[hbm4b:s8+s3] =	stream.linear.scatter [tilespmem:s18], [sflag:$0x3], $0xC000, $0x38;
	[tilespmem:$0x1BE80] =	vst v63  }
0x1a5: {  	_ =	swait.ge [sflag:s21], $0xC000  }
0x1a6: {  	[sflag:s21] =	ssyncset.done $0x0  }
0x1a7: {  	s26 =	simm.s32 $0x0;
	s25 =	simm.s32 $0x3681;
	[sflag:s21] =	ssyncadd.s32 $0xFFFF4000  }
0x1a8: {  	s2 =	sand.u32 $0x1FE, s26;
	v0 =	vld [tilespmem:s25+$0x0]  }
0x1a9: {  	v1 =	vld [tilespmem:s2+$0x3680];
	_ =	sdelay $0x3  }
0x1aa: {  	(v2sf) =	vpush v0, $0x0  }
0x1ab: {  	(v2sf) =	vpush v1, $0x0;
	_ =	sdelay $0x9  }
0x1ac: {  	s23 =	simm.s32 $0x2;
	s4 =	simm.s32 $0x3683  }
0x1ad: {  	s24 =	sand.u32 $0x1FE, s23;
	v0 =	vld [tilespmem:s4+$0x0]  }
0x1ae: {  	v1 =	vld [tilespmem:s24+$0x3680];
	_ =	sdelay $0x1  }
0x1af: {  	s25 =	spop (v2sf)  }
0x1b0: {  	s26 =	spop (v2sf)  }
0x1b1: {  	(v2sf) =	vpush v0, $0x0;
	s1 =	sshll.u32 s26, $0x9  }
0x1b2: {  	(v2sf) =	vpush v1, $0x0;
	s29 =	sshra.s32 s1, $0x2  }
0x1b3: {  	s0 =	sshll.u32 s25, $0x9;
	v0 =	vld [tilespmem:s29+$0x0]  }
0x1b4: {  	s28 =	sshra.s32 s0, $0x2  }
0x1b5: {  	v1 =	vld [tilespmem:s28+$0x0];
	_ =	sdelay $0x1  }
0x1b6: {  	s26 =	simm.s32 $0xFF00  }
0x1b7: {  	[tilespmem:s26+$0xFFFFFF80] =	vst v0  }
0x1b8: {  	v0 =	vld [tilespmem:s29+$0x10]  }
0x1b9: {  	[tilespmem:s26+$0x0] =	vst v1  }
0x1ba: {  	v1 =	vld [tilespmem:s28+$0x10]  }
0x1bb: {  	s2 =	simm.s32 $0x3685;
	s4 =	simm.s32 $0x4  }
0x1bc: {  	v2 =	vld [tilespmem:s2+$0x0];
	s23 =	sand.u32 $0x1FE, s4  }
0x1bd: {  	[tilespmem:s26+$0xFFFFFF90] =	vst v0;
	v0 =	vld [tilespmem:s23+$0x3680]  }
0x1be: {  	v3 =	vld [tilespmem:s29+$0x20]  }
0x1bf: {  	[tilespmem:s26+$0x10] =	vst v1;
	s24 =	spop (v2sf)  }
0x1c0: {  	v1 =	vld [tilespmem:s28+$0x20];
	s25 =	spop (v2sf)  }
0x1c1: {  	(v2sf) =	vpush v2, $0x0;
	s1 =	sshll.u32 s25, $0x9  }
0x1c2: {  	s23 =	sshra.s32 s1, $0x2;
	(v2sf) =	vpush v0, $0x0  }
0x1c3: {  	s0 =	sshll.u32 s24, $0x9;
	v0 =	vld [tilespmem:s23+$0x0];
	[tilespmem:s26+$0xFFFFFFA0] =	vst v3  }
0x1c4: {  	s25 =	sshra.s32 s0, $0x2;
	v2 =	vld [tilespmem:s29+$0x30]  }
0x1c5: {  	[tilespmem:s26+$0x20] =	vst v1;
	v3 =	vld [tilespmem:s25+$0x0]  }
0x1c6: {  	v1 =	vld [tilespmem:s28+$0x30]  }
0x1c7: {  	s24 =	simm.s32 $0x10000  }
0x1c8: {  	[tilespmem:s24+$0xFFFFFF80] =	vst v0  }
0x1c9: {  	v0 =	vld [tilespmem:s23+$0x10];
	[tilespmem:s26+$0xFFFFFFB0] =	vst v2  }
0x1ca: {  	[tilespmem:s24+$0x0] =	vst v3;
	v2 =	vld [tilespmem:s29+$0x40]  }
0x1cb: {  	[tilespmem:s26+$0x30] =	vst v1;
	v3 =	vld [tilespmem:s25+$0x10]  }
0x1cc: {  	s2 =	simm.s32 $0x3687;
	s0 =	simm.s32 $0x6;
	v1 =	vld [tilespmem:s28+$0x40]  }
0x1cd: {  	v6 =	vld [tilespmem:s2+$0x0];
	s4 =	sand.u32 $0x1FE, s0  }
0x1ce: {  	v7 =	vld [tilespmem:s4+$0x3680];
	[tilespmem:s24+$0xFFFFFF90] =	vst v0  }
0x1cf: {  	v0 =	vld [tilespmem:s23+$0x20];
	[tilespmem:s26+$0xFFFFFFC0] =	vst v2  }
0x1d0: {  	s2 =	spop (v2sf);
	[tilespmem:s24+$0x10] =	vst v3;
	v2 =	vld [tilespmem:s29+$0x50]  }
0x1d1: {  	s1 =	sshll.u32 s2, $0x9;
	[tilespmem:s26+$0x40] =	vst v1;
	v4 =	vld [tilespmem:s25+$0x20];
	s4 =	spop (v2sf)  }
0x1d2: {  	s31 =	sshra.s32 s1, $0x2;
	v8 =	vld [tilespmem:s28+$0x50];
	s2 =	sshll.u32 s4, $0x9  }
0x1d3: {  	(v2sf) =	vpush v6, $0x0;
	v1 =	vld [tilespmem:s31+$0x0];
	s1 =	sshra.s32 s2, $0x2  }
0x1d4: {  	(v2sf) =	vpush v7, $0x0;
	[tilespmem:s24+$0xFFFFFFA0] =	vst v0;
	v5 =	vld [tilespmem:s1+$0x0]  }
0x1d5: {  	v3 =	vld [tilespmem:s23+$0x30];
	[tilespmem:s26+$0xFFFFFFD0] =	vst v2  }
0x1d6: {  	[tilespmem:s24+$0x20] =	vst v4;
	v4 =	vld [tilespmem:s29+$0x60]  }
0x1d7: {  	[tilespmem:s26+$0x50] =	vst v8;
	v0 =	vld [tilespmem:s25+$0x30]  }
0x1d8: {  	s30 =	simm.s32 $0x10100;
	s2 =	simm.s32 $0x3689;
	v2 =	vld [tilespmem:s28+$0x60]  }
.LBB2_8:
0x1d9: {  	v6 =	vld [tilespmem:s2+$0x0];
	[tilespmem:s30+$0xFFFFFF80] =	vst v5  }
0x1da: {  	v5 =	vld [tilespmem:s1+$0x10];
	[tilespmem:s24+$0xFFFFFFB0] =	vst v3  }
0x1db: {  	v3 =	vld [tilespmem:s23+$0x40];
	[tilespmem:s26+$0xFFFFFFE0] =	vst v4  }
0x1dc: {  	[tilespmem:s30+$0x0] =	vst v1;
	v1 =	vld [tilespmem:s29+$0x70];
	s29 =	smov.u32 s23;
	s23 =	smov.u32 s1  }
0x1dd: {  	v4 =	vld [tilespmem:s31+$0x10];
	[tilespmem:s24+$0x30] =	vst v0  }
0x1de: {  	s0 =	sadd.s32 $0x2, s0;
	v0 =	vld [tilespmem:s25+$0x40];
	[tilespmem:s26+$0x60] =	vst v2  }
0x1df: {  	s1 =	sand.u32 $0x1FE, s0;
	[tilespmem:s30+$0xFFFFFF90] =	vst v5;
	v2 =	vld [tilespmem:s28+$0x70];
	s28 =	smov.u32 s25;
	s25 =	smov.u32 s31  }
0x1e0: {  	v5 =	vld [tilespmem:s1+$0x3680];
	[tilespmem:s24+$0xFFFFFFC0] =	vst v3  }
0x1e1: {  	p1 =	slt.u32 s0, $0x17E;
	v3 =	vld [tilespmem:s23+$0x20];
	[tilespmem:s26+$0xFFFFFFF0] =	vst v1  }
0x1e2: {  	s1 =	spop (v2sf);
	[tilespmem:s30+$0x10] =	vst v4;
	v4 =	vld [tilespmem:s29+$0x50]  }
0x1e3: {  	s1 =	sshll.u32 s1, $0x9;
	s4 =	spop (v2sf);
	v7 =	vld [tilespmem:s25+$0x20];
	[tilespmem:s24+$0x40] =	vst v0  }
0x1e4: {  	s4 =	sshll.u32 s4, $0x9;
	s31 =	sshra.s32 s1, $0x2;
	v8 =	vld [tilespmem:s28+$0x50];
	[tilespmem:s26+$0x70] =	vst v2;
	s26 =	smov.u32 s24  }
0x1e5: {  	s24 =	smov.u32 s30;
	(v2sf) =	vpush v6, $0x0;
	s1 =	sshra.s32 s4, $0x2;
	v1 =	vld [tilespmem:s31+$0x0]  }
.Ltmp3:
0x1e6: {  	(v2sf) =	vpush v5, $0x0;
	v5 =	vld [tilespmem:s1+$0x0];
	[tilespmem:s30+$0xFFFFFFA0] =	vst v3;
	(pc) =	sbr.rel @p1 .LBB2_8-.Ltmp3, $4  }
0x1e7: {  	v3 =	vld [tilespmem:s23+$0x30];
	[tilespmem:s26+$0xFFFFFFD0] =	vst v4  }
0x1e8: {  	[tilespmem:s30+$0x20] =	vst v7;
	v4 =	vld [tilespmem:s29+$0x60]  }
0x1e9: {  	v0 =	vld [tilespmem:s25+$0x30];
	[tilespmem:s26+$0x50] =	vst v8  }
0x1ea: {  	s2 =	sadd.s32 $0x2, s2;
	s30 =	sadd.s32 $0x100, s30;
	v2 =	vld [tilespmem:s28+$0x60]  }
0x1eb: {  	_ =	sdelay $0x8  }
0x1ec: {  	s0 =	spop (v2sf)  }
0x1ed: {  	s2 =	spop (v2sf);
	s0 =	sshll.u32 s0, $0x9  }
0x1ee: {  	s2 =	sshll.u32 s2, $0x9;
	s0 =	sshra.s32 s0, $0x2  }
0x1ef: {  	s4 =	sshra.s32 s2, $0x2;
	v7 =	vld [tilespmem:s0+$0x0]  }
0x1f0: {  	[tilespmem:s30+$0xFFFFFF80] =	vst v5;
	v6 =	vld [tilespmem:s4+$0x0]  }
0x1f1: {  	[tilespmem:s30+$0x0] =	vst v1;
	v1 =	vld [tilespmem:s1+$0x10]  }
0x1f2: {  	v5 =	vld [tilespmem:s31+$0x10]  }
0x1f3: {  	[tilespmem:s24+$0xFFFFFFB0] =	vst v3;
	s2 =	sadd.s32 $0x100, s30  }
0x1f4: {  	[tilespmem:s2+$0x0] =	vst v7  }
0x1f5: {  	[tilespmem:s2+$0xFFFFFF80] =	vst v6;
	v3 =	vld [tilespmem:s0+$0x10]  }
0x1f6: {  	[tilespmem:s30+$0xFFFFFF90] =	vst v1;
	v6 =	vld [tilespmem:s4+$0x10]  }
0x1f7: {  	[tilespmem:s30+$0x10] =	vst v5;
	v1 =	vld [tilespmem:s1+$0x20]  }
0x1f8: {  	[tilespmem:s26+$0xFFFFFFE0] =	vst v4;
	v4 =	vld [tilespmem:s31+$0x20]  }
0x1f9: {  	[tilespmem:s24+$0x30] =	vst v0  }
0x1fa: {  	[tilespmem:s2+$0x10] =	vst v3  }
0x1fb: {  	[tilespmem:s2+$0xFFFFFF90] =	vst v6;
	v0 =	vld [tilespmem:s0+$0x20]  }
0x1fc: {  	[tilespmem:s30+$0xFFFFFFA0] =	vst v1;
	v5 =	vld [tilespmem:s4+$0x20]  }
0x1fd: {  	[tilespmem:s30+$0x20] =	vst v4;
	v1 =	vld [tilespmem:s1+$0x30]  }
0x1fe: {  	v4 =	vld [tilespmem:s31+$0x30]  }
0x1ff: {  	[tilespmem:s26+$0x60] =	vst v2;
	v2 =	vld [tilespmem:s29+$0x70]  }
0x200: {  	v3 =	vld [tilespmem:s23+$0x40];
	[tilespmem:s2+$0x20] =	vst v0  }
0x201: {  	[tilespmem:s2+$0xFFFFFFA0] =	vst v5;
	v0 =	vld [tilespmem:s0+$0x30]  }
0x202: {  	[tilespmem:s30+$0xFFFFFFB0] =	vst v1;
	v5 =	vld [tilespmem:s4+$0x30]  }
0x203: {  	[tilespmem:s30+$0x30] =	vst v4;
	v1 =	vld [tilespmem:s1+$0x40]  }
0x204: {  	[tilespmem:s26+$0xFFFFFFF0] =	vst v2;
	v4 =	vld [tilespmem:s31+$0x40]  }
0x205: {  	v2 =	vld [tilespmem:s28+$0x70];
	[tilespmem:s24+$0xFFFFFFC0] =	vst v3  }
0x206: {  	v3 =	vld [tilespmem:s25+$0x40];
	[tilespmem:s2+$0x30] =	vst v0  }
0x207: {  	[tilespmem:s2+$0xFFFFFFB0] =	vst v5;
	v0 =	vld [tilespmem:s0+$0x40]  }
0x208: {  	[tilespmem:s30+$0xFFFFFFC0] =	vst v1;
	v5 =	vld [tilespmem:s4+$0x40]  }
0x209: {  	[tilespmem:s30+$0x40] =	vst v4;
	v1 =	vld [tilespmem:s1+$0x50]  }
0x20a: {  	[tilespmem:s26+$0x70] =	vst v2;
	v4 =	vld [tilespmem:s31+$0x50]  }
0x20b: {  	[tilespmem:s24+$0x40] =	vst v3;
	v3 =	vld [tilespmem:s23+$0x50]  }
0x20c: {  	v2 =	vld [tilespmem:s25+$0x50];
	[tilespmem:s2+$0x40] =	vst v0  }
0x20d: {  	[tilespmem:s2+$0xFFFFFFC0] =	vst v5;
	v0 =	vld [tilespmem:s0+$0x50]  }
0x20e: {  	[tilespmem:s30+$0xFFFFFFD0] =	vst v1;
	v5 =	vld [tilespmem:s4+$0x50]  }
0x20f: {  	[tilespmem:s30+$0x50] =	vst v4;
	v1 =	vld [tilespmem:s1+$0x60]  }
0x210: {  	v4 =	vld [tilespmem:s31+$0x60];
	[tilespmem:s24+$0xFFFFFFD0] =	vst v3  }
0x211: {  	v3 =	vld [tilespmem:s23+$0x60];
	[tilespmem:s24+$0x50] =	vst v2  }
0x212: {  	v2 =	vld [tilespmem:s25+$0x60];
	[tilespmem:s2+$0x50] =	vst v0  }
0x213: {  	[tilespmem:s2+$0xFFFFFFD0] =	vst v5;
	v0 =	vld [tilespmem:s0+$0x60]  }
0x214: {  	[tilespmem:s30+$0xFFFFFFE0] =	vst v1;
	v5 =	vld [tilespmem:s4+$0x60]  }
0x215: {  	[tilespmem:s30+$0x60] =	vst v4;
	v1 =	vld [tilespmem:s1+$0x70]  }
0x216: {  	v4 =	vld [tilespmem:s31+$0x70];
	[tilespmem:s24+$0xFFFFFFE0] =	vst v3  }
0x217: {  	v3 =	vld [tilespmem:s23+$0x70];
	[tilespmem:s24+$0x60] =	vst v2  }
0x218: {  	v2 =	vld [tilespmem:s25+$0x70];
	[tilespmem:s2+$0x60] =	vst v0  }
0x219: {  	[tilespmem:s2+$0xFFFFFFE0] =	vst v5;
	v0 =	vld [tilespmem:s0+$0x70]  }
0x21a: {  	[tilespmem:s30+$0xFFFFFFF0] =	vst v1;
	v5 =	vld [tilespmem:s4+$0x70]  }
0x21b: {  	[tilespmem:s30+$0x70] =	vst v4  }
0x21c: {  	[tilespmem:s24+$0xFFFFFFF0] =	vst v3  }
0x21d: {  	[tilespmem:s24+$0x70] =	vst v2  }
0x21e: {  	[tilespmem:s2+$0x70] =	vst v0  }
0x21f: {  	[tilespmem:s2+$0xFFFFFFF0] =	vst v5  }
0x220: {  	[hbm4b:s9+s3] =	stream.linear.scatter [tilespmem:s19], [sflag:$0x4], $0xC000, $0x38;
	[tilespmem:$0x1BE80] =	vst v63  }
0x221: {  	_ =	swait.ge [sflag:s20], $0xC000  }
0x222: {  	[sflag:s20] =	ssyncset.done $0x0  }
0x223: {  	s26 =	simm.s32 $0x0;
	s25 =	simm.s32 $0x3801;
	[sflag:s20] =	ssyncadd.s32 $0xFFFF4000  }
0x224: {  	s2 =	sand.u32 $0x1FE, s26;
	v0 =	vld [tilespmem:s25+$0x0]  }
0x225: {  	v1 =	vld [tilespmem:s2+$0x3800];
	_ =	sdelay $0x3  }
0x226: {  	(v2sf) =	vpush v0, $0x0  }
0x227: {  	(v2sf) =	vpush v1, $0x0;
	_ =	sdelay $0x9  }
0x228: {  	s23 =	simm.s32 $0x2;
	s4 =	simm.s32 $0x3803  }
0x229: {  	s24 =	sand.u32 $0x1FE, s23;
	v0 =	vld [tilespmem:s4+$0x0]  }
0x22a: {  	v1 =	vld [tilespmem:s24+$0x3800];
	_ =	sdelay $0x1  }
0x22b: {  	s25 =	spop (v2sf)  }
0x22c: {  	s26 =	spop (v2sf)  }
0x22d: {  	(v2sf) =	vpush v0, $0x0;
	s1 =	sshll.u32 s26, $0x9  }
0x22e: {  	(v2sf) =	vpush v1, $0x0;
	s29 =	sshra.s32 s1, $0x2  }
0x22f: {  	s0 =	sshll.u32 s25, $0x9;
	v0 =	vld [tilespmem:s29+$0x0]  }
0x230: {  	s28 =	sshra.s32 s0, $0x2  }
0x231: {  	v1 =	vld [tilespmem:s28+$0x0];
	_ =	sdelay $0x1  }
0x232: {  	s26 =	simm.s32 $0x3F00  }
0x233: {  	[tilespmem:s26+$0xFFFFFF80] =	vst v0  }
0x234: {  	v0 =	vld [tilespmem:s29+$0x10]  }
0x235: {  	[tilespmem:s26+$0x0] =	vst v1  }
0x236: {  	v1 =	vld [tilespmem:s28+$0x10]  }
0x237: {  	s2 =	simm.s32 $0x3805;
	s4 =	simm.s32 $0x4  }
0x238: {  	v2 =	vld [tilespmem:s2+$0x0];
	s23 =	sand.u32 $0x1FE, s4  }
0x239: {  	[tilespmem:s26+$0xFFFFFF90] =	vst v0;
	v0 =	vld [tilespmem:s23+$0x3800]  }
0x23a: {  	v3 =	vld [tilespmem:s29+$0x20]  }
0x23b: {  	[tilespmem:s26+$0x10] =	vst v1;
	s24 =	spop (v2sf)  }
0x23c: {  	v1 =	vld [tilespmem:s28+$0x20];
	s25 =	spop (v2sf)  }
0x23d: {  	(v2sf) =	vpush v2, $0x0;
	s1 =	sshll.u32 s25, $0x9  }
0x23e: {  	s23 =	sshra.s32 s1, $0x2;
	(v2sf) =	vpush v0, $0x0  }
0x23f: {  	s0 =	sshll.u32 s24, $0x9;
	v0 =	vld [tilespmem:s23+$0x0];
	[tilespmem:s26+$0xFFFFFFA0] =	vst v3  }
0x240: {  	s25 =	sshra.s32 s0, $0x2;
	v2 =	vld [tilespmem:s29+$0x30]  }
0x241: {  	[tilespmem:s26+$0x20] =	vst v1;
	v3 =	vld [tilespmem:s25+$0x0]  }
0x242: {  	v1 =	vld [tilespmem:s28+$0x30]  }
0x243: {  	s24 =	simm.s32 $0x4000  }
0x244: {  	[tilespmem:s24+$0xFFFFFF80] =	vst v0  }
0x245: {  	v0 =	vld [tilespmem:s23+$0x10];
	[tilespmem:s26+$0xFFFFFFB0] =	vst v2  }
0x246: {  	[tilespmem:s24+$0x0] =	vst v3;
	v2 =	vld [tilespmem:s29+$0x40]  }
0x247: {  	[tilespmem:s26+$0x30] =	vst v1;
	v3 =	vld [tilespmem:s25+$0x10]  }
0x248: {  	s2 =	simm.s32 $0x3807;
	s0 =	simm.s32 $0x6;
	v1 =	vld [tilespmem:s28+$0x40]  }
0x249: {  	v6 =	vld [tilespmem:s2+$0x0];
	s4 =	sand.u32 $0x1FE, s0  }
0x24a: {  	v7 =	vld [tilespmem:s4+$0x3800];
	[tilespmem:s24+$0xFFFFFF90] =	vst v0  }
0x24b: {  	v0 =	vld [tilespmem:s23+$0x20];
	[tilespmem:s26+$0xFFFFFFC0] =	vst v2  }
0x24c: {  	s2 =	spop (v2sf);
	[tilespmem:s24+$0x10] =	vst v3;
	v2 =	vld [tilespmem:s29+$0x50]  }
0x24d: {  	s1 =	sshll.u32 s2, $0x9;
	[tilespmem:s26+$0x40] =	vst v1;
	v4 =	vld [tilespmem:s25+$0x20];
	s4 =	spop (v2sf)  }
0x24e: {  	s31 =	sshra.s32 s1, $0x2;
	v8 =	vld [tilespmem:s28+$0x50];
	s2 =	sshll.u32 s4, $0x9  }
0x24f: {  	(v2sf) =	vpush v6, $0x0;
	v1 =	vld [tilespmem:s31+$0x0];
	s1 =	sshra.s32 s2, $0x2  }
0x250: {  	(v2sf) =	vpush v7, $0x0;
	[tilespmem:s24+$0xFFFFFFA0] =	vst v0;
	v5 =	vld [tilespmem:s1+$0x0]  }
0x251: {  	v3 =	vld [tilespmem:s23+$0x30];
	[tilespmem:s26+$0xFFFFFFD0] =	vst v2  }
0x252: {  	[tilespmem:s24+$0x20] =	vst v4;
	v4 =	vld [tilespmem:s29+$0x60]  }
0x253: {  	[tilespmem:s26+$0x50] =	vst v8;
	v0 =	vld [tilespmem:s25+$0x30]  }
0x254: {  	s30 =	simm.s32 $0x4100;
	s2 =	simm.s32 $0x3809;
	v2 =	vld [tilespmem:s28+$0x60]  }
.LBB2_10:
0x255: {  	v6 =	vld [tilespmem:s2+$0x0];
	[tilespmem:s30+$0xFFFFFF80] =	vst v5  }
0x256: {  	v5 =	vld [tilespmem:s1+$0x10];
	[tilespmem:s24+$0xFFFFFFB0] =	vst v3  }
0x257: {  	v3 =	vld [tilespmem:s23+$0x40];
	[tilespmem:s26+$0xFFFFFFE0] =	vst v4  }
0x258: {  	[tilespmem:s30+$0x0] =	vst v1;
	v1 =	vld [tilespmem:s29+$0x70];
	s29 =	smov.u32 s23;
	s23 =	smov.u32 s1  }
0x259: {  	v4 =	vld [tilespmem:s31+$0x10];
	[tilespmem:s24+$0x30] =	vst v0  }
0x25a: {  	s0 =	sadd.s32 $0x2, s0;
	v0 =	vld [tilespmem:s25+$0x40];
	[tilespmem:s26+$0x60] =	vst v2  }
0x25b: {  	s1 =	sand.u32 $0x1FE, s0;
	[tilespmem:s30+$0xFFFFFF90] =	vst v5;
	v2 =	vld [tilespmem:s28+$0x70];
	s28 =	smov.u32 s25;
	s25 =	smov.u32 s31  }
0x25c: {  	v5 =	vld [tilespmem:s1+$0x3800];
	[tilespmem:s24+$0xFFFFFFC0] =	vst v3  }
0x25d: {  	p1 =	slt.u32 s0, $0x17E;
	v3 =	vld [tilespmem:s23+$0x20];
	[tilespmem:s26+$0xFFFFFFF0] =	vst v1  }
0x25e: {  	s1 =	spop (v2sf);
	[tilespmem:s30+$0x10] =	vst v4;
	v4 =	vld [tilespmem:s29+$0x50]  }
0x25f: {  	s1 =	sshll.u32 s1, $0x9;
	s4 =	spop (v2sf);
	v7 =	vld [tilespmem:s25+$0x20];
	[tilespmem:s24+$0x40] =	vst v0  }
0x260: {  	s4 =	sshll.u32 s4, $0x9;
	s31 =	sshra.s32 s1, $0x2;
	v8 =	vld [tilespmem:s28+$0x50];
	[tilespmem:s26+$0x70] =	vst v2;
	s26 =	smov.u32 s24  }
0x261: {  	s24 =	smov.u32 s30;
	(v2sf) =	vpush v6, $0x0;
	s1 =	sshra.s32 s4, $0x2;
	v1 =	vld [tilespmem:s31+$0x0]  }
.Ltmp4:
0x262: {  	(v2sf) =	vpush v5, $0x0;
	v5 =	vld [tilespmem:s1+$0x0];
	[tilespmem:s30+$0xFFFFFFA0] =	vst v3;
	(pc) =	sbr.rel @p1 .LBB2_10-.Ltmp4, $4  }
0x263: {  	v3 =	vld [tilespmem:s23+$0x30];
	[tilespmem:s26+$0xFFFFFFD0] =	vst v4  }
0x264: {  	[tilespmem:s30+$0x20] =	vst v7;
	v4 =	vld [tilespmem:s29+$0x60]  }
0x265: {  	v0 =	vld [tilespmem:s25+$0x30];
	[tilespmem:s26+$0x50] =	vst v8  }
0x266: {  	s2 =	sadd.s32 $0x2, s2;
	s30 =	sadd.s32 $0x100, s30;
	v2 =	vld [tilespmem:s28+$0x60]  }
0x267: {  	_ =	sdelay $0x8  }
0x268: {  	s0 =	spop (v2sf)  }
0x269: {  	s2 =	spop (v2sf);
	s0 =	sshll.u32 s0, $0x9  }
0x26a: {  	s2 =	sshll.u32 s2, $0x9;
	s0 =	sshra.s32 s0, $0x2  }
0x26b: {  	s4 =	sshra.s32 s2, $0x2;
	v7 =	vld [tilespmem:s0+$0x0]  }
0x26c: {  	[tilespmem:s30+$0xFFFFFF80] =	vst v5;
	v6 =	vld [tilespmem:s4+$0x0]  }
0x26d: {  	[tilespmem:s30+$0x0] =	vst v1;
	v1 =	vld [tilespmem:s1+$0x10]  }
0x26e: {  	v5 =	vld [tilespmem:s31+$0x10]  }
0x26f: {  	[tilespmem:s24+$0xFFFFFFB0] =	vst v3;
	s2 =	sadd.s32 $0x100, s30  }
0x270: {  	[tilespmem:s2+$0x0] =	vst v7  }
0x271: {  	[tilespmem:s2+$0xFFFFFF80] =	vst v6;
	v3 =	vld [tilespmem:s0+$0x10]  }
0x272: {  	[tilespmem:s30+$0xFFFFFF90] =	vst v1;
	v6 =	vld [tilespmem:s4+$0x10]  }
0x273: {  	[tilespmem:s30+$0x10] =	vst v5;
	v1 =	vld [tilespmem:s1+$0x20]  }
0x274: {  	[tilespmem:s26+$0xFFFFFFE0] =	vst v4;
	v4 =	vld [tilespmem:s31+$0x20]  }
0x275: {  	[tilespmem:s24+$0x30] =	vst v0  }
0x276: {  	[tilespmem:s2+$0x10] =	vst v3  }
0x277: {  	[tilespmem:s2+$0xFFFFFF90] =	vst v6;
	v0 =	vld [tilespmem:s0+$0x20]  }
0x278: {  	[tilespmem:s30+$0xFFFFFFA0] =	vst v1;
	v5 =	vld [tilespmem:s4+$0x20]  }
0x279: {  	[tilespmem:s30+$0x20] =	vst v4;
	v1 =	vld [tilespmem:s1+$0x30]  }
0x27a: {  	v4 =	vld [tilespmem:s31+$0x30]  }
0x27b: {  	[tilespmem:s26+$0x60] =	vst v2;
	v2 =	vld [tilespmem:s29+$0x70]  }
0x27c: {  	v3 =	vld [tilespmem:s23+$0x40];
	[tilespmem:s2+$0x20] =	vst v0  }
0x27d: {  	[tilespmem:s2+$0xFFFFFFA0] =	vst v5;
	v0 =	vld [tilespmem:s0+$0x30]  }
0x27e: {  	[tilespmem:s30+$0xFFFFFFB0] =	vst v1;
	v5 =	vld [tilespmem:s4+$0x30]  }
0x27f: {  	[tilespmem:s30+$0x30] =	vst v4;
	v1 =	vld [tilespmem:s1+$0x40]  }
0x280: {  	[tilespmem:s26+$0xFFFFFFF0] =	vst v2;
	v4 =	vld [tilespmem:s31+$0x40]  }
0x281: {  	v2 =	vld [tilespmem:s28+$0x70];
	[tilespmem:s24+$0xFFFFFFC0] =	vst v3  }
0x282: {  	v3 =	vld [tilespmem:s25+$0x40];
	[tilespmem:s2+$0x30] =	vst v0  }
0x283: {  	[tilespmem:s2+$0xFFFFFFB0] =	vst v5;
	v0 =	vld [tilespmem:s0+$0x40]  }
0x284: {  	[tilespmem:s30+$0xFFFFFFC0] =	vst v1;
	v5 =	vld [tilespmem:s4+$0x40]  }
0x285: {  	[tilespmem:s30+$0x40] =	vst v4;
	v1 =	vld [tilespmem:s1+$0x50]  }
0x286: {  	[tilespmem:s26+$0x70] =	vst v2;
	v4 =	vld [tilespmem:s31+$0x50]  }
0x287: {  	[tilespmem:s24+$0x40] =	vst v3;
	v3 =	vld [tilespmem:s23+$0x50]  }
0x288: {  	v2 =	vld [tilespmem:s25+$0x50];
	[tilespmem:s2+$0x40] =	vst v0  }
0x289: {  	[tilespmem:s2+$0xFFFFFFC0] =	vst v5;
	v0 =	vld [tilespmem:s0+$0x50]  }
0x28a: {  	[tilespmem:s30+$0xFFFFFFD0] =	vst v1;
	v5 =	vld [tilespmem:s4+$0x50]  }
0x28b: {  	[tilespmem:s30+$0x50] =	vst v4;
	v1 =	vld [tilespmem:s1+$0x60]  }
0x28c: {  	v4 =	vld [tilespmem:s31+$0x60];
	[tilespmem:s24+$0xFFFFFFD0] =	vst v3  }
0x28d: {  	v3 =	vld [tilespmem:s23+$0x60];
	[tilespmem:s24+$0x50] =	vst v2  }
0x28e: {  	v2 =	vld [tilespmem:s25+$0x60];
	[tilespmem:s2+$0x50] =	vst v0  }
0x28f: {  	[tilespmem:s2+$0xFFFFFFD0] =	vst v5;
	v0 =	vld [tilespmem:s0+$0x60]  }
0x290: {  	[tilespmem:s30+$0xFFFFFFE0] =	vst v1;
	v5 =	vld [tilespmem:s4+$0x60]  }
0x291: {  	[tilespmem:s30+$0x60] =	vst v4;
	v1 =	vld [tilespmem:s1+$0x70]  }
0x292: {  	v4 =	vld [tilespmem:s31+$0x70];
	[tilespmem:s24+$0xFFFFFFE0] =	vst v3  }
0x293: {  	v3 =	vld [tilespmem:s23+$0x70];
	[tilespmem:s24+$0x60] =	vst v2  }
0x294: {  	v2 =	vld [tilespmem:s25+$0x70];
	[tilespmem:s2+$0x60] =	vst v0  }
0x295: {  	[tilespmem:s2+$0xFFFFFFE0] =	vst v5;
	v0 =	vld [tilespmem:s0+$0x70]  }
0x296: {  	[tilespmem:s30+$0xFFFFFFF0] =	vst v1;
	v5 =	vld [tilespmem:s4+$0x70]  }
0x297: {  	[tilespmem:s30+$0x70] =	vst v4  }
0x298: {  	[tilespmem:s24+$0xFFFFFFF0] =	vst v3  }
0x299: {  	[tilespmem:s24+$0x70] =	vst v2  }
0x29a: {  	[tilespmem:s2+$0x70] =	vst v0  }
0x29b: {  	[tilespmem:s2+$0xFFFFFFF0] =	vst v5  }
0x29c: {  	[hbm4b:s10+s3] =	stream.linear.scatter [tilespmem:s18], [sflag:$0x3], $0xC000, $0x38;
	[tilespmem:$0x1BE80] =	vst v63  }
0x29d: {  	_ =	swait.ge [sflag:s21], $0xC000  }
0x29e: {  	[sflag:s21] =	ssyncset.done $0x0  }
0x29f: {  	s26 =	simm.s32 $0x0;
	s25 =	simm.s32 $0x3981;
	[sflag:s21] =	ssyncadd.s32 $0xFFFF4000  }
0x2a0: {  	s2 =	sand.u32 $0x1FE, s26;
	v0 =	vld [tilespmem:s25+$0x0]  }
0x2a1: {  	v1 =	vld [tilespmem:s2+$0x3980];
	_ =	sdelay $0x3  }
0x2a2: {  	(v2sf) =	vpush v0, $0x0  }
0x2a3: {  	(v2sf) =	vpush v1, $0x0;
	_ =	sdelay $0x9  }
0x2a4: {  	s23 =	simm.s32 $0x2;
	s4 =	simm.s32 $0x3983  }
0x2a5: {  	s24 =	sand.u32 $0x1FE, s23;
	v0 =	vld [tilespmem:s4+$0x0]  }
0x2a6: {  	v1 =	vld [tilespmem:s24+$0x3980];
	_ =	sdelay $0x1  }
0x2a7: {  	s25 =	spop (v2sf)  }
0x2a8: {  	s26 =	spop (v2sf)  }
0x2a9: {  	(v2sf) =	vpush v0, $0x0;
	s1 =	sshll.u32 s26, $0x9  }
0x2aa: {  	(v2sf) =	vpush v1, $0x0;
	s29 =	sshra.s32 s1, $0x2  }
0x2ab: {  	s0 =	sshll.u32 s25, $0x9;
	v0 =	vld [tilespmem:s29+$0x0]  }
0x2ac: {  	s28 =	sshra.s32 s0, $0x2  }
0x2ad: {  	v1 =	vld [tilespmem:s28+$0x0];
	_ =	sdelay $0x1  }
0x2ae: {  	s26 =	simm.s32 $0xFF00  }
0x2af: {  	[tilespmem:s26+$0xFFFFFF80] =	vst v0  }
0x2b0: {  	v0 =	vld [tilespmem:s29+$0x10]  }
0x2b1: {  	[tilespmem:s26+$0x0] =	vst v1  }
0x2b2: {  	v1 =	vld [tilespmem:s28+$0x10]  }
0x2b3: {  	s2 =	simm.s32 $0x3985;
	s4 =	simm.s32 $0x4  }
0x2b4: {  	v2 =	vld [tilespmem:s2+$0x0];
	s23 =	sand.u32 $0x1FE, s4  }
0x2b5: {  	[tilespmem:s26+$0xFFFFFF90] =	vst v0;
	v0 =	vld [tilespmem:s23+$0x3980]  }
0x2b6: {  	v3 =	vld [tilespmem:s29+$0x20]  }
0x2b7: {  	[tilespmem:s26+$0x10] =	vst v1;
	s24 =	spop (v2sf)  }
0x2b8: {  	v1 =	vld [tilespmem:s28+$0x20];
	s25 =	spop (v2sf)  }
0x2b9: {  	(v2sf) =	vpush v2, $0x0;
	s1 =	sshll.u32 s25, $0x9  }
0x2ba: {  	s23 =	sshra.s32 s1, $0x2;
	(v2sf) =	vpush v0, $0x0  }
0x2bb: {  	s0 =	sshll.u32 s24, $0x9;
	v0 =	vld [tilespmem:s23+$0x0];
	[tilespmem:s26+$0xFFFFFFA0] =	vst v3  }
0x2bc: {  	s25 =	sshra.s32 s0, $0x2;
	v2 =	vld [tilespmem:s29+$0x30]  }
0x2bd: {  	[tilespmem:s26+$0x20] =	vst v1;
	v3 =	vld [tilespmem:s25+$0x0]  }
0x2be: {  	v1 =	vld [tilespmem:s28+$0x30]  }
0x2bf: {  	s24 =	simm.s32 $0x10000  }
0x2c0: {  	[tilespmem:s24+$0xFFFFFF80] =	vst v0  }
0x2c1: {  	v0 =	vld [tilespmem:s23+$0x10];
	[tilespmem:s26+$0xFFFFFFB0] =	vst v2  }
0x2c2: {  	[tilespmem:s24+$0x0] =	vst v3;
	v2 =	vld [tilespmem:s29+$0x40]  }
0x2c3: {  	[tilespmem:s26+$0x30] =	vst v1;
	v3 =	vld [tilespmem:s25+$0x10]  }
0x2c4: {  	s2 =	simm.s32 $0x3987;
	s0 =	simm.s32 $0x6;
	v1 =	vld [tilespmem:s28+$0x40]  }
0x2c5: {  	v6 =	vld [tilespmem:s2+$0x0];
	s4 =	sand.u32 $0x1FE, s0  }
0x2c6: {  	v7 =	vld [tilespmem:s4+$0x3980];
	[tilespmem:s24+$0xFFFFFF90] =	vst v0  }
0x2c7: {  	v0 =	vld [tilespmem:s23+$0x20];
	[tilespmem:s26+$0xFFFFFFC0] =	vst v2  }
0x2c8: {  	s2 =	spop (v2sf);
	[tilespmem:s24+$0x10] =	vst v3;
	v2 =	vld [tilespmem:s29+$0x50]  }
0x2c9: {  	s1 =	sshll.u32 s2, $0x9;
	[tilespmem:s26+$0x40] =	vst v1;
	v4 =	vld [tilespmem:s25+$0x20];
	s4 =	spop (v2sf)  }
0x2ca: {  	s31 =	sshra.s32 s1, $0x2;
	v8 =	vld [tilespmem:s28+$0x50];
	s2 =	sshll.u32 s4, $0x9  }
0x2cb: {  	(v2sf) =	vpush v6, $0x0;
	v1 =	vld [tilespmem:s31+$0x0];
	s1 =	sshra.s32 s2, $0x2  }
0x2cc: {  	(v2sf) =	vpush v7, $0x0;
	[tilespmem:s24+$0xFFFFFFA0] =	vst v0;
	v5 =	vld [tilespmem:s1+$0x0]  }
0x2cd: {  	v3 =	vld [tilespmem:s23+$0x30];
	[tilespmem:s26+$0xFFFFFFD0] =	vst v2  }
0x2ce: {  	[tilespmem:s24+$0x20] =	vst v4;
	v4 =	vld [tilespmem:s29+$0x60]  }
0x2cf: {  	[tilespmem:s26+$0x50] =	vst v8;
	v0 =	vld [tilespmem:s25+$0x30]  }
0x2d0: {  	s30 =	simm.s32 $0x10100;
	s2 =	simm.s32 $0x3989;
	v2 =	vld [tilespmem:s28+$0x60]  }
.LBB2_12:
0x2d1: {  	v6 =	vld [tilespmem:s2+$0x0];
	[tilespmem:s30+$0xFFFFFF80] =	vst v5  }
0x2d2: {  	v5 =	vld [tilespmem:s1+$0x10];
	[tilespmem:s24+$0xFFFFFFB0] =	vst v3  }
0x2d3: {  	v3 =	vld [tilespmem:s23+$0x40];
	[tilespmem:s26+$0xFFFFFFE0] =	vst v4  }
0x2d4: {  	[tilespmem:s30+$0x0] =	vst v1;
	v1 =	vld [tilespmem:s29+$0x70];
	s29 =	smov.u32 s23;
	s23 =	smov.u32 s1  }
0x2d5: {  	v4 =	vld [tilespmem:s31+$0x10];
	[tilespmem:s24+$0x30] =	vst v0  }
0x2d6: {  	s0 =	sadd.s32 $0x2, s0;
	v0 =	vld [tilespmem:s25+$0x40];
	[tilespmem:s26+$0x60] =	vst v2  }
0x2d7: {  	s1 =	sand.u32 $0x1FE, s0;
	[tilespmem:s30+$0xFFFFFF90] =	vst v5;
	v2 =	vld [tilespmem:s28+$0x70];
	s28 =	smov.u32 s25;
	s25 =	smov.u32 s31  }
0x2d8: {  	v5 =	vld [tilespmem:s1+$0x3980];
	[tilespmem:s24+$0xFFFFFFC0] =	vst v3  }
0x2d9: {  	p1 =	slt.u32 s0, $0x17E;
	v3 =	vld [tilespmem:s23+$0x20];
	[tilespmem:s26+$0xFFFFFFF0] =	vst v1  }
0x2da: {  	s1 =	spop (v2sf);
	[tilespmem:s30+$0x10] =	vst v4;
	v4 =	vld [tilespmem:s29+$0x50]  }
0x2db: {  	s1 =	sshll.u32 s1, $0x9;
	s4 =	spop (v2sf);
	v7 =	vld [tilespmem:s25+$0x20];
	[tilespmem:s24+$0x40] =	vst v0  }
0x2dc: {  	s4 =	sshll.u32 s4, $0x9;
	s31 =	sshra.s32 s1, $0x2;
	v8 =	vld [tilespmem:s28+$0x50];
	[tilespmem:s26+$0x70] =	vst v2;
	s26 =	smov.u32 s24  }
0x2dd: {  	s24 =	smov.u32 s30;
	(v2sf) =	vpush v6, $0x0;
	s1 =	sshra.s32 s4, $0x2;
	v1 =	vld [tilespmem:s31+$0x0]  }
.Ltmp5:
0x2de: {  	(v2sf) =	vpush v5, $0x0;
	v5 =	vld [tilespmem:s1+$0x0];
	[tilespmem:s30+$0xFFFFFFA0] =	vst v3;
	(pc) =	sbr.rel @p1 .LBB2_12-.Ltmp5, $4  }
0x2df: {  	v3 =	vld [tilespmem:s23+$0x30];
	[tilespmem:s26+$0xFFFFFFD0] =	vst v4  }
0x2e0: {  	[tilespmem:s30+$0x20] =	vst v7;
	v4 =	vld [tilespmem:s29+$0x60]  }
0x2e1: {  	v0 =	vld [tilespmem:s25+$0x30];
	[tilespmem:s26+$0x50] =	vst v8  }
0x2e2: {  	s2 =	sadd.s32 $0x2, s2;
	s30 =	sadd.s32 $0x100, s30;
	v2 =	vld [tilespmem:s28+$0x60]  }
0x2e3: {  	_ =	sdelay $0x8  }
0x2e4: {  	s0 =	spop (v2sf)  }
0x2e5: {  	s2 =	spop (v2sf);
	s0 =	sshll.u32 s0, $0x9  }
0x2e6: {  	s2 =	sshll.u32 s2, $0x9;
	s0 =	sshra.s32 s0, $0x2  }
0x2e7: {  	s4 =	sshra.s32 s2, $0x2;
	v7 =	vld [tilespmem:s0+$0x0]  }
0x2e8: {  	[tilespmem:s30+$0xFFFFFF80] =	vst v5;
	v6 =	vld [tilespmem:s4+$0x0]  }
0x2e9: {  	[tilespmem:s30+$0x0] =	vst v1;
	v1 =	vld [tilespmem:s1+$0x10]  }
0x2ea: {  	v5 =	vld [tilespmem:s31+$0x10]  }
0x2eb: {  	[tilespmem:s24+$0xFFFFFFB0] =	vst v3;
	s2 =	sadd.s32 $0x100, s30  }
0x2ec: {  	[tilespmem:s2+$0x0] =	vst v7  }
0x2ed: {  	[tilespmem:s2+$0xFFFFFF80] =	vst v6;
	v3 =	vld [tilespmem:s0+$0x10]  }
0x2ee: {  	[tilespmem:s30+$0xFFFFFF90] =	vst v1;
	v6 =	vld [tilespmem:s4+$0x10]  }
0x2ef: {  	[tilespmem:s30+$0x10] =	vst v5;
	v1 =	vld [tilespmem:s1+$0x20]  }
0x2f0: {  	[tilespmem:s26+$0xFFFFFFE0] =	vst v4;
	v4 =	vld [tilespmem:s31+$0x20]  }
0x2f1: {  	[tilespmem:s24+$0x30] =	vst v0  }
0x2f2: {  	[tilespmem:s2+$0x10] =	vst v3  }
0x2f3: {  	[tilespmem:s2+$0xFFFFFF90] =	vst v6;
	v0 =	vld [tilespmem:s0+$0x20]  }
0x2f4: {  	[tilespmem:s30+$0xFFFFFFA0] =	vst v1;
	v5 =	vld [tilespmem:s4+$0x20]  }
0x2f5: {  	[tilespmem:s30+$0x20] =	vst v4;
	v1 =	vld [tilespmem:s1+$0x30]  }
0x2f6: {  	v4 =	vld [tilespmem:s31+$0x30]  }
0x2f7: {  	[tilespmem:s26+$0x60] =	vst v2;
	v2 =	vld [tilespmem:s29+$0x70]  }
0x2f8: {  	v3 =	vld [tilespmem:s23+$0x40];
	[tilespmem:s2+$0x20] =	vst v0  }
0x2f9: {  	[tilespmem:s2+$0xFFFFFFA0] =	vst v5;
	v0 =	vld [tilespmem:s0+$0x30]  }
0x2fa: {  	[tilespmem:s30+$0xFFFFFFB0] =	vst v1;
	v5 =	vld [tilespmem:s4+$0x30]  }
0x2fb: {  	[tilespmem:s30+$0x30] =	vst v4;
	v1 =	vld [tilespmem:s1+$0x40]  }
0x2fc: {  	[tilespmem:s26+$0xFFFFFFF0] =	vst v2;
	v4 =	vld [tilespmem:s31+$0x40]  }
0x2fd: {  	v2 =	vld [tilespmem:s28+$0x70];
	[tilespmem:s24+$0xFFFFFFC0] =	vst v3  }
0x2fe: {  	v3 =	vld [tilespmem:s25+$0x40];
	[tilespmem:s2+$0x30] =	vst v0  }
0x2ff: {  	[tilespmem:s2+$0xFFFFFFB0] =	vst v5;
	v0 =	vld [tilespmem:s0+$0x40]  }
0x300: {  	[tilespmem:s30+$0xFFFFFFC0] =	vst v1;
	v5 =	vld [tilespmem:s4+$0x40]  }
0x301: {  	[tilespmem:s30+$0x40] =	vst v4;
	v1 =	vld [tilespmem:s1+$0x50]  }
0x302: {  	[tilespmem:s26+$0x70] =	vst v2;
	v4 =	vld [tilespmem:s31+$0x50]  }
0x303: {  	[tilespmem:s24+$0x40] =	vst v3;
	v3 =	vld [tilespmem:s23+$0x50]  }
0x304: {  	v2 =	vld [tilespmem:s25+$0x50];
	[tilespmem:s2+$0x40] =	vst v0  }
0x305: {  	[tilespmem:s2+$0xFFFFFFC0] =	vst v5;
	v0 =	vld [tilespmem:s0+$0x50]  }
0x306: {  	[tilespmem:s30+$0xFFFFFFD0] =	vst v1;
	v5 =	vld [tilespmem:s4+$0x50]  }
0x307: {  	[tilespmem:s30+$0x50] =	vst v4;
	v1 =	vld [tilespmem:s1+$0x60]  }
0x308: {  	v4 =	vld [tilespmem:s31+$0x60];
	[tilespmem:s24+$0xFFFFFFD0] =	vst v3  }
0x309: {  	v3 =	vld [tilespmem:s23+$0x60];
	[tilespmem:s24+$0x50] =	vst v2  }
0x30a: {  	v2 =	vld [tilespmem:s25+$0x60];
	[tilespmem:s2+$0x50] =	vst v0  }
0x30b: {  	[tilespmem:s2+$0xFFFFFFD0] =	vst v5;
	v0 =	vld [tilespmem:s0+$0x60]  }
0x30c: {  	[tilespmem:s30+$0xFFFFFFE0] =	vst v1;
	v5 =	vld [tilespmem:s4+$0x60]  }
0x30d: {  	[tilespmem:s30+$0x60] =	vst v4;
	v1 =	vld [tilespmem:s1+$0x70]  }
0x30e: {  	v4 =	vld [tilespmem:s31+$0x70];
	[tilespmem:s24+$0xFFFFFFE0] =	vst v3  }
0x30f: {  	v3 =	vld [tilespmem:s23+$0x70];
	[tilespmem:s24+$0x60] =	vst v2  }
0x310: {  	v2 =	vld [tilespmem:s25+$0x70];
	[tilespmem:s2+$0x60] =	vst v0  }
0x311: {  	[tilespmem:s2+$0xFFFFFFE0] =	vst v5;
	v0 =	vld [tilespmem:s0+$0x70]  }
0x312: {  	[tilespmem:s30+$0xFFFFFFF0] =	vst v1;
	v5 =	vld [tilespmem:s4+$0x70]  }
0x313: {  	[tilespmem:s30+$0x70] =	vst v4  }
0x314: {  	[tilespmem:s24+$0xFFFFFFF0] =	vst v3  }
0x315: {  	[tilespmem:s24+$0x70] =	vst v2  }
0x316: {  	[tilespmem:s2+$0x70] =	vst v0  }
0x317: {  	[tilespmem:s2+$0xFFFFFFF0] =	vst v5  }
0x318: {  	[hbm4b:s11+s3] =	stream.linear.scatter [tilespmem:s19], [sflag:$0x4], $0xC000, $0x38;
	[tilespmem:$0x1BE80] =	vst v63  }
0x319: {  	_ =	swait.ge [sflag:s20], $0xC000  }
0x31a: {  	[sflag:s20] =	ssyncset.done $0x0  }
0x31b: {  	s26 =	simm.s32 $0x0;
	s25 =	simm.s32 $0x3B01;
	[sflag:s20] =	ssyncadd.s32 $0xFFFF4000  }
0x31c: {  	s2 =	sand.u32 $0x1FE, s26;
	v0 =	vld [tilespmem:s25+$0x0]  }
0x31d: {  	v1 =	vld [tilespmem:s2+$0x3B00];
	_ =	sdelay $0x3  }
0x31e: {  	(v2sf) =	vpush v0, $0x0  }
0x31f: {  	(v2sf) =	vpush v1, $0x0;
	_ =	sdelay $0x9  }
0x320: {  	s23 =	simm.s32 $0x2;
	s4 =	simm.s32 $0x3B03  }
0x321: {  	s24 =	sand.u32 $0x1FE, s23;
	v0 =	vld [tilespmem:s4+$0x0]  }
0x322: {  	v1 =	vld [tilespmem:s24+$0x3B00];
	_ =	sdelay $0x1  }
0x323: {  	s25 =	spop (v2sf)  }
0x324: {  	s26 =	spop (v2sf)  }
0x325: {  	(v2sf) =	vpush v0, $0x0;
	s1 =	sshll.u32 s26, $0x9  }
0x326: {  	(v2sf) =	vpush v1, $0x0;
	s29 =	sshra.s32 s1, $0x2  }
0x327: {  	s0 =	sshll.u32 s25, $0x9;
	v0 =	vld [tilespmem:s29+$0x0]  }
0x328: {  	s28 =	sshra.s32 s0, $0x2  }
0x329: {  	v1 =	vld [tilespmem:s28+$0x0];
	_ =	sdelay $0x1  }
0x32a: {  	s26 =	simm.s32 $0x3F00  }
0x32b: {  	[tilespmem:s26+$0xFFFFFF80] =	vst v0  }
0x32c: {  	v0 =	vld [tilespmem:s29+$0x10]  }
0x32d: {  	[tilespmem:s26+$0x0] =	vst v1  }
0x32e: {  	v1 =	vld [tilespmem:s28+$0x10]  }
0x32f: {  	s2 =	simm.s32 $0x3B05;
	s4 =	simm.s32 $0x4  }
0x330: {  	v2 =	vld [tilespmem:s2+$0x0];
	s23 =	sand.u32 $0x1FE, s4  }
0x331: {  	[tilespmem:s26+$0xFFFFFF90] =	vst v0;
	v0 =	vld [tilespmem:s23+$0x3B00]  }
0x332: {  	v3 =	vld [tilespmem:s29+$0x20]  }
0x333: {  	[tilespmem:s26+$0x10] =	vst v1;
	s24 =	spop (v2sf)  }
0x334: {  	v1 =	vld [tilespmem:s28+$0x20];
	s25 =	spop (v2sf)  }
0x335: {  	(v2sf) =	vpush v2, $0x0;
	s1 =	sshll.u32 s25, $0x9  }
0x336: {  	s23 =	sshra.s32 s1, $0x2;
	(v2sf) =	vpush v0, $0x0  }
0x337: {  	s0 =	sshll.u32 s24, $0x9;
	v0 =	vld [tilespmem:s23+$0x0];
	[tilespmem:s26+$0xFFFFFFA0] =	vst v3  }
0x338: {  	s25 =	sshra.s32 s0, $0x2;
	v2 =	vld [tilespmem:s29+$0x30]  }
0x339: {  	[tilespmem:s26+$0x20] =	vst v1;
	v3 =	vld [tilespmem:s25+$0x0]  }
0x33a: {  	v1 =	vld [tilespmem:s28+$0x30]  }
0x33b: {  	s24 =	simm.s32 $0x4000  }
0x33c: {  	[tilespmem:s24+$0xFFFFFF80] =	vst v0  }
0x33d: {  	v0 =	vld [tilespmem:s23+$0x10];
	[tilespmem:s26+$0xFFFFFFB0] =	vst v2  }
0x33e: {  	[tilespmem:s24+$0x0] =	vst v3;
	v2 =	vld [tilespmem:s29+$0x40]  }
0x33f: {  	[tilespmem:s26+$0x30] =	vst v1;
	v3 =	vld [tilespmem:s25+$0x10]  }
0x340: {  	s2 =	simm.s32 $0x3B07;
	s0 =	simm.s32 $0x6;
	v1 =	vld [tilespmem:s28+$0x40]  }
0x341: {  	v6 =	vld [tilespmem:s2+$0x0];
	s4 =	sand.u32 $0x1FE, s0  }
0x342: {  	v7 =	vld [tilespmem:s4+$0x3B00];
	[tilespmem:s24+$0xFFFFFF90] =	vst v0  }
0x343: {  	v0 =	vld [tilespmem:s23+$0x20];
	[tilespmem:s26+$0xFFFFFFC0] =	vst v2  }
0x344: {  	s2 =	spop (v2sf);
	[tilespmem:s24+$0x10] =	vst v3;
	v2 =	vld [tilespmem:s29+$0x50]  }
0x345: {  	s1 =	sshll.u32 s2, $0x9;
	[tilespmem:s26+$0x40] =	vst v1;
	v4 =	vld [tilespmem:s25+$0x20];
	s4 =	spop (v2sf)  }
0x346: {  	s31 =	sshra.s32 s1, $0x2;
	v8 =	vld [tilespmem:s28+$0x50];
	s2 =	sshll.u32 s4, $0x9  }
0x347: {  	(v2sf) =	vpush v6, $0x0;
	v1 =	vld [tilespmem:s31+$0x0];
	s1 =	sshra.s32 s2, $0x2  }
0x348: {  	(v2sf) =	vpush v7, $0x0;
	[tilespmem:s24+$0xFFFFFFA0] =	vst v0;
	v5 =	vld [tilespmem:s1+$0x0]  }
0x349: {  	v3 =	vld [tilespmem:s23+$0x30];
	[tilespmem:s26+$0xFFFFFFD0] =	vst v2  }
0x34a: {  	[tilespmem:s24+$0x20] =	vst v4;
	v4 =	vld [tilespmem:s29+$0x60]  }
0x34b: {  	[tilespmem:s26+$0x50] =	vst v8;
	v0 =	vld [tilespmem:s25+$0x30]  }
0x34c: {  	s30 =	simm.s32 $0x4100;
	s2 =	simm.s32 $0x3B09;
	v2 =	vld [tilespmem:s28+$0x60]  }
.LBB2_14:
0x34d: {  	v6 =	vld [tilespmem:s2+$0x0];
	[tilespmem:s30+$0xFFFFFF80] =	vst v5  }
0x34e: {  	v5 =	vld [tilespmem:s1+$0x10];
	[tilespmem:s24+$0xFFFFFFB0] =	vst v3  }
0x34f: {  	v3 =	vld [tilespmem:s23+$0x40];
	[tilespmem:s26+$0xFFFFFFE0] =	vst v4  }
0x350: {  	[tilespmem:s30+$0x0] =	vst v1;
	v1 =	vld [tilespmem:s29+$0x70];
	s29 =	smov.u32 s23;
	s23 =	smov.u32 s1  }
0x351: {  	v4 =	vld [tilespmem:s31+$0x10];
	[tilespmem:s24+$0x30] =	vst v0  }
0x352: {  	s0 =	sadd.s32 $0x2, s0;
	v0 =	vld [tilespmem:s25+$0x40];
	[tilespmem:s26+$0x60] =	vst v2  }
0x353: {  	s1 =	sand.u32 $0x1FE, s0;
	[tilespmem:s30+$0xFFFFFF90] =	vst v5;
	v2 =	vld [tilespmem:s28+$0x70];
	s28 =	smov.u32 s25;
	s25 =	smov.u32 s31  }
0x354: {  	v5 =	vld [tilespmem:s1+$0x3B00];
	[tilespmem:s24+$0xFFFFFFC0] =	vst v3  }
0x355: {  	p1 =	slt.u32 s0, $0x17E;
	v3 =	vld [tilespmem:s23+$0x20];
	[tilespmem:s26+$0xFFFFFFF0] =	vst v1  }
0x356: {  	s1 =	spop (v2sf);
	[tilespmem:s30+$0x10] =	vst v4;
	v4 =	vld [tilespmem:s29+$0x50]  }
0x357: {  	s1 =	sshll.u32 s1, $0x9;
	s4 =	spop (v2sf);
	v7 =	vld [tilespmem:s25+$0x20];
	[tilespmem:s24+$0x40] =	vst v0  }
0x358: {  	s4 =	sshll.u32 s4, $0x9;
	s31 =	sshra.s32 s1, $0x2;
	v8 =	vld [tilespmem:s28+$0x50];
	[tilespmem:s26+$0x70] =	vst v2;
	s26 =	smov.u32 s24  }
0x359: {  	s24 =	smov.u32 s30;
	(v2sf) =	vpush v6, $0x0;
	s1 =	sshra.s32 s4, $0x2;
	v1 =	vld [tilespmem:s31+$0x0]  }
.Ltmp6:
0x35a: {  	(v2sf) =	vpush v5, $0x0;
	v5 =	vld [tilespmem:s1+$0x0];
	[tilespmem:s30+$0xFFFFFFA0] =	vst v3;
	(pc) =	sbr.rel @p1 .LBB2_14-.Ltmp6, $4  }
0x35b: {  	v3 =	vld [tilespmem:s23+$0x30];
	[tilespmem:s26+$0xFFFFFFD0] =	vst v4  }
0x35c: {  	[tilespmem:s30+$0x20] =	vst v7;
	v4 =	vld [tilespmem:s29+$0x60]  }
0x35d: {  	v0 =	vld [tilespmem:s25+$0x30];
	[tilespmem:s26+$0x50] =	vst v8  }
0x35e: {  	s2 =	sadd.s32 $0x2, s2;
	s30 =	sadd.s32 $0x100, s30;
	v2 =	vld [tilespmem:s28+$0x60]  }
0x35f: {  	_ =	sdelay $0x8  }
0x360: {  	s0 =	spop (v2sf)  }
0x361: {  	s2 =	spop (v2sf);
	s0 =	sshll.u32 s0, $0x9  }
0x362: {  	s2 =	sshll.u32 s2, $0x9;
	s0 =	sshra.s32 s0, $0x2  }
0x363: {  	s4 =	sshra.s32 s2, $0x2;
	v7 =	vld [tilespmem:s0+$0x0]  }
0x364: {  	[tilespmem:s30+$0xFFFFFF80] =	vst v5;
	v6 =	vld [tilespmem:s4+$0x0]  }
0x365: {  	[tilespmem:s30+$0x0] =	vst v1;
	v1 =	vld [tilespmem:s1+$0x10]  }
0x366: {  	v5 =	vld [tilespmem:s31+$0x10]  }
0x367: {  	[tilespmem:s24+$0xFFFFFFB0] =	vst v3;
	s2 =	sadd.s32 $0x100, s30  }
0x368: {  	[tilespmem:s2+$0x0] =	vst v7  }
0x369: {  	[tilespmem:s2+$0xFFFFFF80] =	vst v6;
	v3 =	vld [tilespmem:s0+$0x10]  }
0x36a: {  	[tilespmem:s30+$0xFFFFFF90] =	vst v1;
	v6 =	vld [tilespmem:s4+$0x10]  }
0x36b: {  	[tilespmem:s30+$0x10] =	vst v5;
	v1 =	vld [tilespmem:s1+$0x20]  }
0x36c: {  	[tilespmem:s26+$0xFFFFFFE0] =	vst v4;
	v4 =	vld [tilespmem:s31+$0x20]  }
0x36d: {  	[tilespmem:s24+$0x30] =	vst v0  }
0x36e: {  	[tilespmem:s2+$0x10] =	vst v3  }
0x36f: {  	[tilespmem:s2+$0xFFFFFF90] =	vst v6;
	v0 =	vld [tilespmem:s0+$0x20]  }
0x370: {  	[tilespmem:s30+$0xFFFFFFA0] =	vst v1;
	v5 =	vld [tilespmem:s4+$0x20]  }
0x371: {  	[tilespmem:s30+$0x20] =	vst v4;
	v1 =	vld [tilespmem:s1+$0x30]  }
0x372: {  	v4 =	vld [tilespmem:s31+$0x30]  }
0x373: {  	[tilespmem:s26+$0x60] =	vst v2;
	v2 =	vld [tilespmem:s29+$0x70]  }
0x374: {  	v3 =	vld [tilespmem:s23+$0x40];
	[tilespmem:s2+$0x20] =	vst v0  }
0x375: {  	[tilespmem:s2+$0xFFFFFFA0] =	vst v5;
	v0 =	vld [tilespmem:s0+$0x30]  }
0x376: {  	[tilespmem:s30+$0xFFFFFFB0] =	vst v1;
	v5 =	vld [tilespmem:s4+$0x30]  }
0x377: {  	[tilespmem:s30+$0x30] =	vst v4;
	v1 =	vld [tilespmem:s1+$0x40]  }
0x378: {  	[tilespmem:s26+$0xFFFFFFF0] =	vst v2;
	v4 =	vld [tilespmem:s31+$0x40]  }
0x379: {  	v2 =	vld [tilespmem:s28+$0x70];
	[tilespmem:s24+$0xFFFFFFC0] =	vst v3  }
0x37a: {  	v3 =	vld [tilespmem:s25+$0x40];
	[tilespmem:s2+$0x30] =	vst v0  }
0x37b: {  	[tilespmem:s2+$0xFFFFFFB0] =	vst v5;
	v0 =	vld [tilespmem:s0+$0x40]  }
0x37c: {  	[tilespmem:s30+$0xFFFFFFC0] =	vst v1;
	v5 =	vld [tilespmem:s4+$0x40]  }
0x37d: {  	[tilespmem:s30+$0x40] =	vst v4;
	v1 =	vld [tilespmem:s1+$0x50]  }
0x37e: {  	[tilespmem:s26+$0x70] =	vst v2;
	v4 =	vld [tilespmem:s31+$0x50]  }
0x37f: {  	[tilespmem:s24+$0x40] =	vst v3;
	v3 =	vld [tilespmem:s23+$0x50]  }
0x380: {  	v2 =	vld [tilespmem:s25+$0x50];
	[tilespmem:s2+$0x40] =	vst v0  }
0x381: {  	[tilespmem:s2+$0xFFFFFFC0] =	vst v5;
	v0 =	vld [tilespmem:s0+$0x50]  }
0x382: {  	[tilespmem:s30+$0xFFFFFFD0] =	vst v1;
	v5 =	vld [tilespmem:s4+$0x50]  }
0x383: {  	[tilespmem:s30+$0x50] =	vst v4;
	v1 =	vld [tilespmem:s1+$0x60]  }
0x384: {  	v4 =	vld [tilespmem:s31+$0x60];
	[tilespmem:s24+$0xFFFFFFD0] =	vst v3  }
0x385: {  	v3 =	vld [tilespmem:s23+$0x60];
	[tilespmem:s24+$0x50] =	vst v2  }
0x386: {  	v2 =	vld [tilespmem:s25+$0x60];
	[tilespmem:s2+$0x50] =	vst v0  }
0x387: {  	[tilespmem:s2+$0xFFFFFFD0] =	vst v5;
	v0 =	vld [tilespmem:s0+$0x60]  }
0x388: {  	[tilespmem:s30+$0xFFFFFFE0] =	vst v1;
	v5 =	vld [tilespmem:s4+$0x60]  }
0x389: {  	[tilespmem:s30+$0x60] =	vst v4;
	v1 =	vld [tilespmem:s1+$0x70]  }
0x38a: {  	v4 =	vld [tilespmem:s31+$0x70];
	[tilespmem:s24+$0xFFFFFFE0] =	vst v3  }
0x38b: {  	v3 =	vld [tilespmem:s23+$0x70];
	[tilespmem:s24+$0x60] =	vst v2  }
0x38c: {  	v2 =	vld [tilespmem:s25+$0x70];
	[tilespmem:s2+$0x60] =	vst v0  }
0x38d: {  	[tilespmem:s2+$0xFFFFFFE0] =	vst v5;
	v0 =	vld [tilespmem:s0+$0x70]  }
0x38e: {  	[tilespmem:s30+$0xFFFFFFF0] =	vst v1;
	v5 =	vld [tilespmem:s4+$0x70]  }
0x38f: {  	[tilespmem:s30+$0x70] =	vst v4  }
0x390: {  	[tilespmem:s24+$0xFFFFFFF0] =	vst v3  }
0x391: {  	[tilespmem:s24+$0x70] =	vst v2  }
0x392: {  	[tilespmem:s2+$0x70] =	vst v0  }
0x393: {  	[tilespmem:s2+$0xFFFFFFF0] =	vst v5  }
0x394: {  	[hbm4b:s12+s3] =	stream.linear.scatter [tilespmem:s18], [sflag:$0x3], $0xC000, $0x38;
	[tilespmem:$0x1BE80] =	vst v63  }
0x395: {  	_ =	swait.ge [sflag:s21], $0xC000  }
0x396: {  	[sflag:s21] =	ssyncset.done $0x0  }
0x397: {  	s26 =	simm.s32 $0x0;
	s25 =	simm.s32 $0x3C81;
	[sflag:s21] =	ssyncadd.s32 $0xFFFF4000  }
0x398: {  	s2 =	sand.u32 $0x1FE, s26;
	v0 =	vld [tilespmem:s25+$0x0]  }
0x399: {  	v1 =	vld [tilespmem:s2+$0x3C80];
	_ =	sdelay $0x3  }
0x39a: {  	(v2sf) =	vpush v0, $0x0  }
0x39b: {  	(v2sf) =	vpush v1, $0x0;
	_ =	sdelay $0x9  }
0x39c: {  	s23 =	simm.s32 $0x2;
	s4 =	simm.s32 $0x3C83  }
0x39d: {  	s24 =	sand.u32 $0x1FE, s23;
	v0 =	vld [tilespmem:s4+$0x0]  }
0x39e: {  	v1 =	vld [tilespmem:s24+$0x3C80];
	_ =	sdelay $0x1  }
0x39f: {  	s25 =	spop (v2sf)  }
0x3a0: {  	s26 =	spop (v2sf)  }
0x3a1: {  	(v2sf) =	vpush v0, $0x0;
	s1 =	sshll.u32 s26, $0x9  }
0x3a2: {  	(v2sf) =	vpush v1, $0x0;
	s29 =	sshra.s32 s1, $0x2  }
0x3a3: {  	s0 =	sshll.u32 s25, $0x9;
	v0 =	vld [tilespmem:s29+$0x0]  }
0x3a4: {  	s28 =	sshra.s32 s0, $0x2  }
0x3a5: {  	v1 =	vld [tilespmem:s28+$0x0];
	_ =	sdelay $0x1  }
0x3a6: {  	s26 =	simm.s32 $0xFF00  }
0x3a7: {  	[tilespmem:s26+$0xFFFFFF80] =	vst v0  }
0x3a8: {  	v0 =	vld [tilespmem:s29+$0x10]  }
0x3a9: {  	[tilespmem:s26+$0x0] =	vst v1  }
0x3aa: {  	v1 =	vld [tilespmem:s28+$0x10]  }
0x3ab: {  	s2 =	simm.s32 $0x3C85;
	s4 =	simm.s32 $0x4  }
0x3ac: {  	v2 =	vld [tilespmem:s2+$0x0];
	s23 =	sand.u32 $0x1FE, s4  }
0x3ad: {  	[tilespmem:s26+$0xFFFFFF90] =	vst v0;
	v0 =	vld [tilespmem:s23+$0x3C80]  }
0x3ae: {  	v3 =	vld [tilespmem:s29+$0x20]  }
0x3af: {  	[tilespmem:s26+$0x10] =	vst v1;
	s24 =	spop (v2sf)  }
0x3b0: {  	v1 =	vld [tilespmem:s28+$0x20];
	s25 =	spop (v2sf)  }
0x3b1: {  	(v2sf) =	vpush v2, $0x0;
	s1 =	sshll.u32 s25, $0x9  }
0x3b2: {  	s23 =	sshra.s32 s1, $0x2;
	(v2sf) =	vpush v0, $0x0  }
0x3b3: {  	s0 =	sshll.u32 s24, $0x9;
	v0 =	vld [tilespmem:s23+$0x0];
	[tilespmem:s26+$0xFFFFFFA0] =	vst v3  }
0x3b4: {  	s25 =	sshra.s32 s0, $0x2;
	v2 =	vld [tilespmem:s29+$0x30]  }
0x3b5: {  	[tilespmem:s26+$0x20] =	vst v1;
	v3 =	vld [tilespmem:s25+$0x0]  }
0x3b6: {  	v1 =	vld [tilespmem:s28+$0x30]  }
0x3b7: {  	s24 =	simm.s32 $0x10000  }
0x3b8: {  	[tilespmem:s24+$0xFFFFFF80] =	vst v0  }
0x3b9: {  	v0 =	vld [tilespmem:s23+$0x10];
	[tilespmem:s26+$0xFFFFFFB0] =	vst v2  }
0x3ba: {  	[tilespmem:s24+$0x0] =	vst v3;
	v2 =	vld [tilespmem:s29+$0x40]  }
0x3bb: {  	[tilespmem:s26+$0x30] =	vst v1;
	v3 =	vld [tilespmem:s25+$0x10]  }
0x3bc: {  	s2 =	simm.s32 $0x3C87;
	s0 =	simm.s32 $0x6;
	v1 =	vld [tilespmem:s28+$0x40]  }
0x3bd: {  	v6 =	vld [tilespmem:s2+$0x0];
	s4 =	sand.u32 $0x1FE, s0  }
0x3be: {  	v7 =	vld [tilespmem:s4+$0x3C80];
	[tilespmem:s24+$0xFFFFFF90] =	vst v0  }
0x3bf: {  	v0 =	vld [tilespmem:s23+$0x20];
	[tilespmem:s26+$0xFFFFFFC0] =	vst v2  }
0x3c0: {  	s2 =	spop (v2sf);
	[tilespmem:s24+$0x10] =	vst v3;
	v2 =	vld [tilespmem:s29+$0x50]  }
0x3c1: {  	s1 =	sshll.u32 s2, $0x9;
	[tilespmem:s26+$0x40] =	vst v1;
	v4 =	vld [tilespmem:s25+$0x20];
	s4 =	spop (v2sf)  }
0x3c2: {  	s31 =	sshra.s32 s1, $0x2;
	v8 =	vld [tilespmem:s28+$0x50];
	s2 =	sshll.u32 s4, $0x9  }
0x3c3: {  	(v2sf) =	vpush v6, $0x0;
	v1 =	vld [tilespmem:s31+$0x0];
	s1 =	sshra.s32 s2, $0x2  }
0x3c4: {  	(v2sf) =	vpush v7, $0x0;
	[tilespmem:s24+$0xFFFFFFA0] =	vst v0;
	v5 =	vld [tilespmem:s1+$0x0]  }
0x3c5: {  	v3 =	vld [tilespmem:s23+$0x30];
	[tilespmem:s26+$0xFFFFFFD0] =	vst v2  }
0x3c6: {  	[tilespmem:s24+$0x20] =	vst v4;
	v4 =	vld [tilespmem:s29+$0x60]  }
0x3c7: {  	[tilespmem:s26+$0x50] =	vst v8;
	v0 =	vld [tilespmem:s25+$0x30]  }
0x3c8: {  	s30 =	simm.s32 $0x10100;
	s2 =	simm.s32 $0x3C89;
	v2 =	vld [tilespmem:s28+$0x60]  }
.LBB2_16:
0x3c9: {  	v6 =	vld [tilespmem:s2+$0x0];
	[tilespmem:s30+$0xFFFFFF80] =	vst v5  }
0x3ca: {  	v5 =	vld [tilespmem:s1+$0x10];
	[tilespmem:s24+$0xFFFFFFB0] =	vst v3  }
0x3cb: {  	v3 =	vld [tilespmem:s23+$0x40];
	[tilespmem:s26+$0xFFFFFFE0] =	vst v4  }
0x3cc: {  	[tilespmem:s30+$0x0] =	vst v1;
	v1 =	vld [tilespmem:s29+$0x70];
	s29 =	smov.u32 s23;
	s23 =	smov.u32 s1  }
0x3cd: {  	v4 =	vld [tilespmem:s31+$0x10];
	[tilespmem:s24+$0x30] =	vst v0  }
0x3ce: {  	s0 =	sadd.s32 $0x2, s0;
	v0 =	vld [tilespmem:s25+$0x40];
	[tilespmem:s26+$0x60] =	vst v2  }
0x3cf: {  	s1 =	sand.u32 $0x1FE, s0;
	[tilespmem:s30+$0xFFFFFF90] =	vst v5;
	v2 =	vld [tilespmem:s28+$0x70];
	s28 =	smov.u32 s25;
	s25 =	smov.u32 s31  }
0x3d0: {  	v5 =	vld [tilespmem:s1+$0x3C80];
	[tilespmem:s24+$0xFFFFFFC0] =	vst v3  }
0x3d1: {  	p1 =	slt.u32 s0, $0x17E;
	v3 =	vld [tilespmem:s23+$0x20];
	[tilespmem:s26+$0xFFFFFFF0] =	vst v1  }
0x3d2: {  	s1 =	spop (v2sf);
	[tilespmem:s30+$0x10] =	vst v4;
	v4 =	vld [tilespmem:s29+$0x50]  }
0x3d3: {  	s1 =	sshll.u32 s1, $0x9;
	s4 =	spop (v2sf);
	v7 =	vld [tilespmem:s25+$0x20];
	[tilespmem:s24+$0x40] =	vst v0  }
0x3d4: {  	s4 =	sshll.u32 s4, $0x9;
	s31 =	sshra.s32 s1, $0x2;
	v8 =	vld [tilespmem:s28+$0x50];
	[tilespmem:s26+$0x70] =	vst v2;
	s26 =	smov.u32 s24  }
0x3d5: {  	s24 =	smov.u32 s30;
	(v2sf) =	vpush v6, $0x0;
	s1 =	sshra.s32 s4, $0x2;
	v1 =	vld [tilespmem:s31+$0x0]  }
.Ltmp7:
0x3d6: {  	(v2sf) =	vpush v5, $0x0;
	v5 =	vld [tilespmem:s1+$0x0];
	[tilespmem:s30+$0xFFFFFFA0] =	vst v3;
	(pc) =	sbr.rel @p1 .LBB2_16-.Ltmp7, $4  }
0x3d7: {  	v3 =	vld [tilespmem:s23+$0x30];
	[tilespmem:s26+$0xFFFFFFD0] =	vst v4  }
0x3d8: {  	[tilespmem:s30+$0x20] =	vst v7;
	v4 =	vld [tilespmem:s29+$0x60]  }
0x3d9: {  	v0 =	vld [tilespmem:s25+$0x30];
	[tilespmem:s26+$0x50] =	vst v8  }
0x3da: {  	s2 =	sadd.s32 $0x2, s2;
	s30 =	sadd.s32 $0x100, s30;
	v2 =	vld [tilespmem:s28+$0x60]  }
0x3db: {  	_ =	sdelay $0x8  }
0x3dc: {  	s0 =	spop (v2sf)  }
0x3dd: {  	s2 =	spop (v2sf);
	s0 =	sshll.u32 s0, $0x9  }
0x3de: {  	s2 =	sshll.u32 s2, $0x9;
	s0 =	sshra.s32 s0, $0x2  }
0x3df: {  	s4 =	sshra.s32 s2, $0x2;
	v7 =	vld [tilespmem:s0+$0x0]  }
0x3e0: {  	[tilespmem:s30+$0xFFFFFF80] =	vst v5;
	v6 =	vld [tilespmem:s4+$0x0]  }
0x3e1: {  	[tilespmem:s30+$0x0] =	vst v1;
	v1 =	vld [tilespmem:s1+$0x10]  }
0x3e2: {  	v5 =	vld [tilespmem:s31+$0x10]  }
0x3e3: {  	[tilespmem:s24+$0xFFFFFFB0] =	vst v3;
	s2 =	sadd.s32 $0x100, s30  }
0x3e4: {  	[tilespmem:s2+$0x0] =	vst v7  }
0x3e5: {  	[tilespmem:s2+$0xFFFFFF80] =	vst v6;
	v3 =	vld [tilespmem:s0+$0x10]  }
0x3e6: {  	[tilespmem:s30+$0xFFFFFF90] =	vst v1;
	v6 =	vld [tilespmem:s4+$0x10]  }
0x3e7: {  	[tilespmem:s30+$0x10] =	vst v5;
	v1 =	vld [tilespmem:s1+$0x20]  }
0x3e8: {  	[tilespmem:s26+$0xFFFFFFE0] =	vst v4;
	v4 =	vld [tilespmem:s31+$0x20]  }
0x3e9: {  	[tilespmem:s24+$0x30] =	vst v0  }
0x3ea: {  	[tilespmem:s2+$0x10] =	vst v3  }
0x3eb: {  	[tilespmem:s2+$0xFFFFFF90] =	vst v6;
	v0 =	vld [tilespmem:s0+$0x20]  }
0x3ec: {  	[tilespmem:s30+$0xFFFFFFA0] =	vst v1;
	v5 =	vld [tilespmem:s4+$0x20]  }
0x3ed: {  	[tilespmem:s30+$0x20] =	vst v4;
	v1 =	vld [tilespmem:s1+$0x30]  }
0x3ee: {  	v4 =	vld [tilespmem:s31+$0x30]  }
0x3ef: {  	[tilespmem:s26+$0x60] =	vst v2;
	v2 =	vld [tilespmem:s29+$0x70]  }
0x3f0: {  	v3 =	vld [tilespmem:s23+$0x40];
	[tilespmem:s2+$0x20] =	vst v0  }
0x3f1: {  	[tilespmem:s2+$0xFFFFFFA0] =	vst v5;
	v0 =	vld [tilespmem:s0+$0x30]  }
0x3f2: {  	[tilespmem:s30+$0xFFFFFFB0] =	vst v1;
	v5 =	vld [tilespmem:s4+$0x30]  }
0x3f3: {  	[tilespmem:s30+$0x30] =	vst v4;
	v1 =	vld [tilespmem:s1+$0x40]  }
0x3f4: {  	[tilespmem:s26+$0xFFFFFFF0] =	vst v2;
	v4 =	vld [tilespmem:s31+$0x40]  }
0x3f5: {  	v2 =	vld [tilespmem:s28+$0x70];
	[tilespmem:s24+$0xFFFFFFC0] =	vst v3  }
0x3f6: {  	v3 =	vld [tilespmem:s25+$0x40];
	[tilespmem:s2+$0x30] =	vst v0  }
0x3f7: {  	[tilespmem:s2+$0xFFFFFFB0] =	vst v5;
	v0 =	vld [tilespmem:s0+$0x40]  }
0x3f8: {  	[tilespmem:s30+$0xFFFFFFC0] =	vst v1;
	v5 =	vld [tilespmem:s4+$0x40]  }
0x3f9: {  	[tilespmem:s30+$0x40] =	vst v4;
	v1 =	vld [tilespmem:s1+$0x50]  }
0x3fa: {  	[tilespmem:s26+$0x70] =	vst v2;
	v4 =	vld [tilespmem:s31+$0x50]  }
0x3fb: {  	[tilespmem:s24+$0x40] =	vst v3;
	v3 =	vld [tilespmem:s23+$0x50]  }
0x3fc: {  	v2 =	vld [tilespmem:s25+$0x50];
	[tilespmem:s2+$0x40] =	vst v0  }
0x3fd: {  	[tilespmem:s2+$0xFFFFFFC0] =	vst v5;
	v0 =	vld [tilespmem:s0+$0x50]  }
0x3fe: {  	[tilespmem:s30+$0xFFFFFFD0] =	vst v1;
	v5 =	vld [tilespmem:s4+$0x50]  }
0x3ff: {  	[tilespmem:s30+$0x50] =	vst v4;
	v1 =	vld [tilespmem:s1+$0x60]  }
0x400: {  	v4 =	vld [tilespmem:s31+$0x60];
	[tilespmem:s24+$0xFFFFFFD0] =	vst v3  }
0x401: {  	v3 =	vld [tilespmem:s23+$0x60];
	[tilespmem:s24+$0x50] =	vst v2  }
0x402: {  	v2 =	vld [tilespmem:s25+$0x60];
	[tilespmem:s2+$0x50] =	vst v0  }
0x403: {  	[tilespmem:s2+$0xFFFFFFD0] =	vst v5;
	v0 =	vld [tilespmem:s0+$0x60]  }
0x404: {  	[tilespmem:s30+$0xFFFFFFE0] =	vst v1;
	v5 =	vld [tilespmem:s4+$0x60]  }
0x405: {  	[tilespmem:s30+$0x60] =	vst v4;
	v1 =	vld [tilespmem:s1+$0x70]  }
0x406: {  	v4 =	vld [tilespmem:s31+$0x70];
	[tilespmem:s24+$0xFFFFFFE0] =	vst v3  }
0x407: {  	v3 =	vld [tilespmem:s23+$0x70];
	[tilespmem:s24+$0x60] =	vst v2  }
0x408: {  	v2 =	vld [tilespmem:s25+$0x70];
	[tilespmem:s2+$0x60] =	vst v0  }
0x409: {  	[tilespmem:s2+$0xFFFFFFE0] =	vst v5;
	v0 =	vld [tilespmem:s0+$0x70]  }
0x40a: {  	[tilespmem:s30+$0xFFFFFFF0] =	vst v1;
	v5 =	vld [tilespmem:s4+$0x70]  }
0x40b: {  	[tilespmem:s30+$0x70] =	vst v4  }
0x40c: {  	[tilespmem:s24+$0xFFFFFFF0] =	vst v3  }
0x40d: {  	[tilespmem:s24+$0x70] =	vst v2  }
0x40e: {  	[tilespmem:s2+$0x70] =	vst v0  }
0x40f: {  	s1 =	simm.s32 @p0 $0xFE80;
	s0 =	simm.s32 @p0 $0x0;
	[tilespmem:s2+$0xFFFFFFF0] =	vst v5  }
0x410: {  	[hbm4b:s14+s0] =	stream.linear.scatter @p0 [tilespmem:s1], [sflag:$0x5], $0x3000, $0x38;
	[tilespmem:$0x1BE80] =	vst v63  }
0x411: {  	s0 =	simm.s32 @p0 $0x5  }
0x412: {  	_ =	swait.ge @p0 [sflag:s0], $0x3000  }
0x413: {  	[sflag:s0] =	ssyncset.done @p0 $0x0  }
0x414: {  	s1 =	simm.s32 @!p0 $0xFE80;
	[sflag:s0] =	ssyncadd.s32 @p0 $0xFFFFD000;
	s0 =	simm.s32 @!p0 $0x0  }
0x415: {  	[hbm4b:s13+s0] =	stream.linear.scatter @!p0 [tilespmem:s1], [sflag:$0x5], $0xC000, $0x38;
	[tilespmem:$0x1BE80] =	vst v63  }
0x416: {  	s0 =	simm.s32 @!p0 $0x5  }
0x417: {  	_ =	swait.ge @!p0 [sflag:s0], $0xC000  }
0x418: {  	[sflag:s0] =	ssyncset.done @!p0 $0x0  }
0x419: {  	[sflag:s0] =	ssyncadd.s32 @!p0 $0xFFFF4000  }
0x41a: {  	_ =	swait.ge [sflag:s20], $0xC000  }
0x41b: {  	[sflag:s20] =	ssyncset.done $0x0  }
0x41c: {  	s31 =	simm.s32 $0x3E01;
	[sflag:s20] =	ssyncadd.s32 $0xFFFF4000  }
0x41d: {  	v0 =	vld [tilespmem:s31+$0x0];
	_ =	sdelay $0x2  }
0x41e: {  	v1 =	vld [tilespmem:s31+$0xFFFFFFFF];
	_ =	sdelay $0x1  }
0x41f: {  	(v2sf) =	vpush v0, $0x0;
	_ =	sdelay $0x2  }
0x420: {  	(v2sf) =	vpush v1, $0x0;
	_ =	sdelay $0x7  }
0x421: {  	s1 =	simm.s32 $0x3E03  }
0x422: {  	v0 =	vld [tilespmem:s1+$0x0];
	_ =	sdelay $0x2  }
0x423: {  	v1 =	vld [tilespmem:s1+$0xFFFFFFFF];
	s2 =	spop (v2sf)  }
0x424: {  	s0 =	sshll.u32 s2, $0x9  }
0x425: {  	(v2sf) =	vpush v0, $0x0;
	s1 =	sshra.s32 s0, $0x2  }
0x426: {  	s4 =	spop (v2sf);
	v0 =	vld [tilespmem:s1+$0x0]  }
0x427: {  	s0 =	sshll.u32 s4, $0x9  }
0x428: {  	(v2sf) =	vpush v1, $0x0;
	s0 =	sshra.s32 s0, $0x2  }
0x429: {  	v1 =	vld [tilespmem:s0+$0x0]  }
0x42a: {  	s26 =	simm.s32 $0x3F00  }
0x42b: {  	[tilespmem:s26+$0x0] =	vst v0  }
0x42c: {  	v0 =	vld [tilespmem:s1+$0x10];
	_ =	sdelay $0x1  }
0x42d: {  	[tilespmem:s26+$0xFFFFFF80] =	vst v1  }
0x42e: {  	v1 =	vld [tilespmem:s0+$0x10]  }
0x42f: {  	s23 =	simm.s32 $0x3E05  }
0x430: {  	[tilespmem:s26+$0x10] =	vst v0;
	v0 =	vld [tilespmem:s23+$0x0]  }
0x431: {  	v2 =	vld [tilespmem:s1+$0x20];
	_ =	sdelay $0x1  }
0x432: {  	[tilespmem:s26+$0xFFFFFF90] =	vst v1;
	v1 =	vld [tilespmem:s23+$0xFFFFFFFF];
	s24 =	spop (v2sf)  }
0x433: {  	s2 =	sshll.u32 s24, $0x9;
	v3 =	vld [tilespmem:s0+$0x20]  }
0x434: {  	s23 =	sshra.s32 s2, $0x2;
	(v2sf) =	vpush v0, $0x0  }
0x435: {  	s25 =	spop (v2sf);
	v0 =	vld [tilespmem:s23+$0x0];
	[tilespmem:s26+$0x20] =	vst v2  }
0x436: {  	s2 =	sshll.u32 s25, $0x9;
	v2 =	vld [tilespmem:s1+$0x30]  }
0x437: {  	s25 =	sshra.s32 s2, $0x2;
	(v2sf) =	vpush v1, $0x0  }
0x438: {  	v1 =	vld [tilespmem:s25+$0x0];
	[tilespmem:s26+$0xFFFFFFA0] =	vst v3  }
0x439: {  	s24 =	simm.s32 $0x4000;
	v3 =	vld [tilespmem:s0+$0x30]  }
0x43a: {  	[tilespmem:s24+$0x0] =	vst v0  }
0x43b: {  	v0 =	vld [tilespmem:s23+$0x10];
	[tilespmem:s26+$0x30] =	vst v2  }
0x43c: {  	v2 =	vld [tilespmem:s1+$0x40]  }
0x43d: {  	[tilespmem:s24+$0xFFFFFF80] =	vst v1  }
0x43e: {  	v1 =	vld [tilespmem:s25+$0x10];
	[tilespmem:s26+$0xFFFFFFB0] =	vst v3  }
0x43f: {  	s31 =	simm.s32 $0x3E07;
	v3 =	vld [tilespmem:s0+$0x40]  }
0x440: {  	v5 =	vld [tilespmem:s31+$0x0];
	[tilespmem:s24+$0x10] =	vst v0  }
0x441: {  	v0 =	vld [tilespmem:s23+$0x20];
	[tilespmem:s26+$0x40] =	vst v2  }
0x442: {  	v2 =	vld [tilespmem:s1+$0x50]  }
0x443: {  	v6 =	vld [tilespmem:s31+$0xFFFFFFFF];
	[tilespmem:s24+$0xFFFFFF90] =	vst v1;
	s4 =	spop (v2sf)  }
0x444: {  	v1 =	vld [tilespmem:s25+$0x20];
	[tilespmem:s26+$0xFFFFFFC0] =	vst v3;
	s2 =	sshll.u32 s4, $0x9  }
0x445: {  	v3 =	vld [tilespmem:s0+$0x50];
	s28 =	sshra.s32 s2, $0x2  }
0x446: {  	(v2sf) =	vpush v5, $0x0;
	s31 =	spop (v2sf);
	[tilespmem:s24+$0x20] =	vst v0;
	v4 =	vld [tilespmem:s28+$0x0]  }
0x447: {  	s2 =	sshll.u32 s31, $0x9;
	v0 =	vld [tilespmem:s23+$0x30];
	[tilespmem:s26+$0x50] =	vst v2  }
0x448: {  	(v2sf) =	vpush v6, $0x0;
	s30 =	sshra.s32 s2, $0x2;
	v2 =	vld [tilespmem:s1+$0x60]  }
0x449: {  	[tilespmem:s24+$0xFFFFFFA0] =	vst v1;
	v1 =	vld [tilespmem:s30+$0x0]  }
0x44a: {  	s29 =	simm.s32 $0x4100;
	[tilespmem:s26+$0xFFFFFFD0] =	vst v3;
	v3 =	vld [tilespmem:s25+$0x30]  }
0x44b: {  	v7 =	vld [tilespmem:s0+$0x60];
	[tilespmem:s29+$0x0] =	vst v4  }
0x44c: {  	[tilespmem:s24+$0x30] =	vst v0;
	v8 =	vld [tilespmem:s28+$0x10]  }
0x44d: {  	v0 =	vld [tilespmem:s23+$0x40];
	[tilespmem:s26+$0x60] =	vst v2  }
0x44e: {  	[tilespmem:s29+$0xFFFFFF80] =	vst v1;
	v2 =	vld [tilespmem:s1+$0x70]  }
0x44f: {  	[tilespmem:s24+$0xFFFFFFB0] =	vst v3;
	v4 =	vld [tilespmem:s30+$0x10]  }
0x450: {  	[tilespmem:s26+$0xFFFFFFE0] =	vst v7;
	v1 =	vld [tilespmem:s25+$0x40]  }
0x451: {  	s2 =	simm.s32 $0x3E09;
	s1 =	simm.s32 $0x6;
	v3 =	vld [tilespmem:s0+$0x70];
	[tilespmem:s29+$0x10] =	vst v8  }
.LBB2_18:
0x452: {  	v5 =	vld [tilespmem:s2+$0x0];
	[tilespmem:s24+$0x40] =	vst v0  }
0x453: {  	v0 =	vld [tilespmem:s28+$0x20];
	[tilespmem:s26+$0x70] =	vst v2  }
0x454: {  	[tilespmem:s29+$0xFFFFFF90] =	vst v4;
	v2 =	vld [tilespmem:s23+$0x50]  }
0x455: {  	s1 =	sadd.s32 $0x2, s1;
	v4 =	vld [tilespmem:s2+$0xFFFFFFFF];
	s0 =	spop (v2sf);
	[tilespmem:s24+$0xFFFFFFC0] =	vst v1  }
0x456: {  	p1 =	slt.u32 s1, $0x3E;
	s0 =	sshll.u32 s0, $0x9;
	v1 =	vld [tilespmem:s30+$0x20];
	[tilespmem:s26+$0xFFFFFFF0] =	vst v3;
	s26 =	smov.u32 s24  }
0x457: {  	s24 =	smov.u32 s29;
	s0 =	sshra.s32 s0, $0x2;
	s4 =	spop (v2sf);
	v3 =	vld [tilespmem:s25+$0x50]  }
0x458: {  	(v2sf) =	vpush v5, $0x0;
	s4 =	sshll.u32 s4, $0x9;
	v5 =	vld [tilespmem:s0+$0x0];
	[tilespmem:s29+$0x20] =	vst v0  }
0x459: {  	s4 =	sshra.s32 s4, $0x2;
	v0 =	vld [tilespmem:s28+$0x30];
	[tilespmem:s26+$0x50] =	vst v2  }
0x45a: {  	(v2sf) =	vpush v4, $0x0;
	v2 =	vld [tilespmem:s23+$0x60]  }
0x45b: {  	v4 =	vld [tilespmem:s4+$0x0];
	[tilespmem:s29+$0xFFFFFFA0] =	vst v1  }
0x45c: {  	s29 =	sadd.s32 $0x100, s29;
	v1 =	vld [tilespmem:s30+$0x30];
	[tilespmem:s26+$0xFFFFFFD0] =	vst v3  }
0x45d: {  	[tilespmem:s29+$0x0] =	vst v5;
	v3 =	vld [tilespmem:s25+$0x60]  }
0x45e: {  	v5 =	vld [tilespmem:s0+$0x10];
	[tilespmem:s24+$0x30] =	vst v0  }
.Ltmp8:
0x45f: {  	v0 =	vld [tilespmem:s28+$0x40];
	[tilespmem:s26+$0x60] =	vst v2;
	(pc) =	sbr.rel @p1 .LBB2_18-.Ltmp8, $4  }
0x460: {  	[tilespmem:s29+$0xFFFFFF80] =	vst v4;
	v2 =	vld [tilespmem:s23+$0x70];
	s23 =	smov.u32 s28;
	s28 =	smov.u32 s0  }
0x461: {  	v4 =	vld [tilespmem:s4+$0x10];
	[tilespmem:s24+$0xFFFFFFB0] =	vst v1  }
0x462: {  	v1 =	vld [tilespmem:s30+$0x40];
	[tilespmem:s26+$0xFFFFFFE0] =	vst v3  }
0x463: {  	s2 =	sadd.s32 $0x2, s2;
	[tilespmem:s29+$0x10] =	vst v5;
	v3 =	vld [tilespmem:s25+$0x70];
	s25 =	smov.u32 s30;
	s30 =	smov.u32 s4  }
0x464: {  	_ =	sdelay $0x3  }
0x465: {  	s0 =	spop (v2sf)  }
0x466: {  	s0 =	sshll.u32 s0, $0x9;
	s2 =	spop (v2sf)  }
0x467: {  	s1 =	sshra.s32 s0, $0x2;
	s4 =	sshll.u32 s2, $0x9  }
0x468: {  	v5 =	vld [tilespmem:s1+$0x0];
	s2 =	sshra.s32 s4, $0x2  }
0x469: {  	v6 =	vld [tilespmem:s2+$0x0];
	_ =	sdelay $0x2  }
0x46a: {  	s31 =	sadd.s32 $0x100, s29  }
0x46b: {  	[tilespmem:s31+$0x0] =	vst v5  }
0x46c: {  	v5 =	vld [tilespmem:s1+$0x10];
	[tilespmem:s31+$0xFFFFFF80] =	vst v6  }
0x46d: {  	v6 =	vld [tilespmem:s2+$0x10];
	_ =	sdelay $0x2  }
0x46e: {  	v7 =	vld [tilespmem:s28+$0x20];
	[tilespmem:s29+$0xFFFFFF90] =	vst v4  }
0x46f: {  	v4 =	vld [tilespmem:s30+$0x20];
	[tilespmem:s31+$0x10] =	vst v5  }
0x470: {  	v5 =	vld [tilespmem:s1+$0x20];
	[tilespmem:s31+$0xFFFFFF90] =	vst v6  }
0x471: {  	v6 =	vld [tilespmem:s2+$0x20];
	_ =	sdelay $0x1  }
0x472: {  	[tilespmem:s29+$0x20] =	vst v7  }
0x473: {  	v55 =	vld [tilespmem:s28+$0x30];
	[tilespmem:s29+$0xFFFFFFA0] =	vst v4  }
0x474: {  	v56 =	vld [tilespmem:s30+$0x30];
	[tilespmem:s31+$0x20] =	vst v5  }
0x475: {  	v57 =	vld [tilespmem:s1+$0x30];
	[tilespmem:s31+$0xFFFFFFA0] =	vst v6  }
0x476: {  	[tilespmem:s24+$0x40] =	vst v0;
	v58 =	vld [tilespmem:s2+$0x30]  }
0x477: {  	[tilespmem:s26+$0x70] =	vst v2  }
0x478: {  	[tilespmem:s29+$0x30] =	vst v55  }
0x479: {  	v59 =	vld [tilespmem:s28+$0x40];
	[tilespmem:s29+$0xFFFFFFB0] =	vst v56  }
0x47a: {  	v60 =	vld [tilespmem:s30+$0x40];
	[tilespmem:s31+$0x30] =	vst v57  }
0x47b: {  	v61 =	vld [tilespmem:s1+$0x40];
	[tilespmem:s31+$0xFFFFFFB0] =	vst v58  }
0x47c: {  	[tilespmem:s24+$0xFFFFFFC0] =	vst v1;
	v62 =	vld [tilespmem:s2+$0x40]  }
0x47d: {  	v63 =	vld [tilespmem:s23+$0x50];
	[tilespmem:s26+$0xFFFFFFF0] =	vst v3  }
0x47e: {  	v1 =	vld [tilespmem:s25+$0x50];
	[tilespmem:s29+$0x40] =	vst v59  }
0x47f: {  	v3 =	vld [tilespmem:s28+$0x50];
	[tilespmem:s29+$0xFFFFFFC0] =	vst v60  }
0x480: {  	v4 =	vld [tilespmem:s30+$0x50];
	[tilespmem:s31+$0x40] =	vst v61  }
0x481: {  	v5 =	vld [tilespmem:s1+$0x50];
	[tilespmem:s31+$0xFFFFFFC0] =	vst v62  }
0x482: {  	[tilespmem:s24+$0x50] =	vst v63;
	v0 =	vld [tilespmem:s2+$0x50]  }
0x483: {  	v2 =	vld [tilespmem:s23+$0x60];
	[tilespmem:s24+$0xFFFFFFD0] =	vst v1  }
0x484: {  	v1 =	vld [tilespmem:s25+$0x60];
	[tilespmem:s29+$0x50] =	vst v3  }
0x485: {  	v3 =	vld [tilespmem:s28+$0x60];
	[tilespmem:s29+$0xFFFFFFD0] =	vst v4  }
0x486: {  	v4 =	vld [tilespmem:s30+$0x60];
	[tilespmem:s31+$0x50] =	vst v5  }
0x487: {  	v5 =	vld [tilespmem:s1+$0x60];
	[tilespmem:s31+$0xFFFFFFD0] =	vst v0  }
0x488: {  	[tilespmem:s24+$0x60] =	vst v2;
	v0 =	vld [tilespmem:s2+$0x60]  }
0x489: {  	v2 =	vld [tilespmem:s23+$0x70];
	[tilespmem:s24+$0xFFFFFFE0] =	vst v1  }
0x48a: {  	v1 =	vld [tilespmem:s25+$0x70];
	[tilespmem:s29+$0x60] =	vst v3  }
0x48b: {  	v3 =	vld [tilespmem:s28+$0x70];
	[tilespmem:s29+$0xFFFFFFE0] =	vst v4  }
0x48c: {  	v4 =	vld [tilespmem:s30+$0x70];
	[tilespmem:s31+$0x60] =	vst v5  }
0x48d: {  	v5 =	vld [tilespmem:s1+$0x70];
	[tilespmem:s31+$0xFFFFFFE0] =	vst v0  }
0x48e: {  	[tilespmem:s24+$0x70] =	vst v2;
	v0 =	vld [tilespmem:s2+$0x70]  }
0x48f: {  	[tilespmem:s24+$0xFFFFFFF0] =	vst v1  }
0x490: {  	[tilespmem:s29+$0x70] =	vst v3  }
0x491: {  	[tilespmem:s29+$0xFFFFFFF0] =	vst v4  }
0x492: {  	s22 =	sadd.s32 $0x1, s22;
	[tilespmem:s31+$0x70] =	vst v5  }
0x493: {  	p1 =	sne.s32 s22, s16;
	s0 =	simm.s32 @!p0 $0x0;
	s1 =	simm.s32 @!p0 $0x3E80;
	[tilespmem:s31+$0xFFFFFFF0] =	vst v0  }
0x494: {  	[hbm4b:s15+s0] =	stream.linear.scatter @!p0 [tilespmem:s1], [sflag:$0x5], $0x2000, $0x38;
	[tilespmem:$0x1BE80] =	vst v63  }
.Ltmp9:
0x495: {  	_ = 	snop;
	(pc) =	sbr.rel @p1 .LBB2_1-.Ltmp9, $4  }
0x496: {  	s0 =	simm.s32 @!p0 $0x5  }
0x497: {  	_ =	swait.ge @!p0 [sflag:s0], $0x2000  }
0x498: {  	[sflag:s0] =	ssyncset.done @!p0 $0x0  }
0x499: {  	[sflag:s0] =	ssyncadd.s32 @!p0 $0xFFFFE000  }
0x49a: {  	_ =	sfence.sel $0x180000  }
0x49b: {  	[bflag:$0x0] =	sbarrier.arrive $0xFFFF  }
0x49c: {  	_ =	strace $0x90000047  }
0x49d: {  	s0 =	stileid.u32;
	[bflag:$0x2] =	sbarrier.arrive $0xFFFF  }
0x49e: {  	p0 =	sne.s32 s0, $0x0;
	s0 =	rddreg [dreg:$0x3]  }
0x49f: {  	s0 =	sadd.s32 @!p0 $0x100000, s0  }
0x4a0: {  	[sflag:s0] =	ssyncadd.tile.s32 @!p0 $0x1;
	_ =	shalt  }
.Lfunc_end2:
_tile_overlayer_lowered:
.L_overlay_start_2:
0x4a1: {  	(tag) =	ssettag $0x2  }
0x4a2: {  	s0 =	rddreg [dreg:$0x0];
	s2 =	stileid.u32  }
0x4a3: {  	s1 =	rddreg [dreg:$0x1];
	p0 =	sne.s32 s2, $0x0  }
0x4a4: {  	s3 =	rddreg [dreg:$0x2];
	[bflag:$0x3] =	sbarrier.arrive $0xFFFF;
	s2 =	simm.s32 @!p0 $0x1C05  }
0x4a5: {  	[timem:s3], [sflag:s2] =	dma.local @!p0 [hbm:s0], s1  }
0x4a6: {  	s0 =	simm.s32 @!p0 $0x5  }
0x4a7: {  	_ =	swait.ge @!p0 [sflag:s0], s1  }
0x4a8: {  	s1 =	ssub.s32 @!p0 $0x0, s1;
	[sflag:s0] =	ssyncset.done @!p0 $0x0  }
0x4a9: {  	[sflag:s0] =	ssyncadd.s32 @!p0 s1  }
0x4aa: {  	[bflag:$0x3] =	sbarrier.arrive $0xFFFF  }
0x4ab: {  	_ =	shalt  }

</sc_bundles>
